<compile_context>
chip_gen: v7x
topology: tpu7x:2x2x1
jax: 0.10.2.dev20260603
libtpu: 0.0.44.dev20260713+nightly
codegen_flags: <defaults>
</compile_context>

<pallas_src>
import functools

import jax
import jax.numpy as jnp
from jax import lax
from jax.experimental import pallas as pl
from jax.experimental.pallas import tpu as pltpu
from jax.experimental.pallas import tpu_sc as plsc

N = 10000
E = 320000
IN_CH = 128
HID = 256
NUM_GRAPHS = 64

NTILES = 16
CHUNK = 64
TCH = 320
EPAD = NTILES * TCH * CHUNK
SUPB = 32
NBLK = TCH // SUPB
NBLK0 = 5
NBUF = 4
GRP = SUPB // NBUF
NPAD = N + 16
NTA = 624
NTAIL = N - NTILES * NTA

_F32 = jnp.float32
_HIGH = lax.Precision.HIGHEST


def _make_sc_agg():
  mesh = plsc.VectorSubcoreMesh(core_axis_name="c", subcore_axis_name="s")
  half = 128

  @functools.partial(
      pl.kernel,
      mesh=mesh,
      out_type=jax.ShapeDtypeStruct((2 * N, half), _F32),
      scratch_types=[
          pltpu.VMEM((2, SUPB, CHUNK), jnp.int32),
          pltpu.VMEM((2, SUPB, CHUNK), jnp.int32),
          pltpu.VMEM((NBUF, CHUNK, half), _F32),
          pltpu.VMEM((16,), jnp.int32),
          pltpu.VMEM_SHARED((NPAD, half), _F32),
          pltpu.SemaphoreType.DMA,
          pltpu.SemaphoreType.DMA,
          pltpu.SemaphoreType.DMA,
          pltpu.SemaphoreType.DMA,
      ],
  )
  def k(table, zeros, srcpl, dstpl, cfg, z,
        src_v, dst_v, gbuf, cfg_v, agg, gsem, ssem, isem0, isem1):
    c = lax.axis_index("c")
    s = lax.axis_index("s")
    pltpu.sync_copy(cfg, cfg_v)
    nblk = cfg_v[...][0]
    zinit = jnp.logical_and(nblk == NBLK0, c == 1)

    @pl.when(zinit)
    def _init_zero():
      pltpu.sync_copy(zeros.at[pl.ds(s * NTA, NTA)],
                      agg.at[pl.ds(s * NTA, NTA)])

      @pl.when(s == NTILES - 1)
      def _():
        pltpu.sync_copy(zeros.at[pl.ds(NTILES * NTA, NTAIL)],
                        agg.at[pl.ds(NTILES * NTA, NTAIL)])

    @pl.when(jnp.logical_not(zinit))
    def _init_h():
      pltpu.sync_copy(table.at[pl.ds(c * N + s * NTA, NTA)],
                      agg.at[pl.ds(s * NTA, NTA)])

      @pl.when(s == NTILES - 1)
      def _():
        pltpu.sync_copy(table.at[pl.ds(c * N + NTILES * NTA, NTAIL)],
                        agg.at[pl.ds(NTILES * NTA, NTAIL)])

    plsc.subcore_barrier()

    def load_idx(slot, b, sem):
      pltpu.async_copy(srcpl.at[c, s, pl.ds(b * SUPB, SUPB)],
                       src_v.at[slot], sem)
      pltpu.async_copy(dstpl.at[c, s, pl.ds(b * SUPB, SUPB)],
                       dst_v.at[slot], sem)

    def wait_idx(slot, sem):
      pltpu.make_async_copy(srcpl.at[c, s, pl.ds(0, SUPB)],
                            src_v.at[slot], sem).wait()
      pltpu.make_async_copy(dstpl.at[c, s, pl.ds(0, SUPB)],
                            dst_v.at[slot], sem).wait()

    def process(slot):
      sv = src_v.at[slot]
      dv = dst_v.at[slot]

      def start_gather(j, i):
        pltpu.async_copy(table.at[sv.at[j]], gbuf.at[i], gsem)

      def wait_gather(i):
        pltpu.make_async_copy(table.at[sv.at[0]], gbuf.at[i], gsem).wait()

      def start_scatter(j, i):
        pltpu.async_copy(gbuf.at[i], agg.at[dv.at[j]], ssem, add=True)

      def wait_scatter(i):
        pltpu.make_async_copy(gbuf.at[i], agg.at[dv.at[0]], ssem).wait()

      for t in range(NBUF - 2):
        start_gather(t, t)

      def group(g, carry2):
        for i in range(NBUF):
          j = g * NBUF + i
          jn = j + NBUF - 2
          bn = (i - 2) % NBUF
          wait_gather(i)
          start_scatter(j, i)
          if i < 2:
            @pl.when(g > 0)
            def _():
              wait_scatter(bn)

            start_gather(jn, bn)
          else:
            wait_scatter(bn)

            @pl.when(g < GRP - 1)
            def _():
              start_gather(jn, bn)
        return carry2

      lax.fori_loop(0, GRP, group, 0)
      wait_scatter((SUPB - 2) % NBUF)
      wait_scatter((SUPB - 1) % NBUF)

    load_idx(0, 0, isem0)
    wait_idx(0, isem0)

    @pl.when(1 < nblk)
    def _prime():
      load_idx(1, 1, isem1)

    def pair(p, carry):
      b0 = 2 * p
      b1 = b0 + 1

      @pl.when(p > 0)
      def _():
        wait_idx(0, isem0)

      process(0)

      @pl.when(b0 + 2 < nblk)
      def _():
        load_idx(0, b0 + 2, isem0)

      @pl.when(b1 < nblk)
      def _():
        wait_idx(1, isem1)
        process(1)

      @pl.when(b1 + 2 < nblk)
      def _():
        load_idx(1, b1 + 2, isem1)

      return carry

    lax.fori_loop(0, (nblk + 1) // 2, pair, 0)
    plsc.subcore_barrier()
    pltpu.sync_copy(agg.at[pl.ds(s * NTA, NTA)],
                    z.at[pl.ds(c * N + s * NTA, NTA)])

    @pl.when(s == NTILES - 1)
    def _wb_tail():
      pltpu.sync_copy(agg.at[pl.ds(NTILES * NTA, NTAIL)],
                      z.at[pl.ds(c * N + NTILES * NTA, NTAIL)])

  return k


def _mlp(z_st, W1, b1, W2, b2):
  half = HID // 2
  R = 1000
  nb = N // R

  def body(z_ref, w1_ref, b1_ref, w2_ref, b2_ref, o_ref):
    z = jnp.concatenate([z_ref[0], z_ref[1]], axis=1)
    h = jnp.dot(z, w1_ref[...], precision=_HIGH, preferred_element_type=_F32)
    h = jnp.maximum(h + b1_ref[...], 0.0)
    o = jnp.dot(h, w2_ref[...], precision=_HIGH, preferred_element_type=_F32)
    o = jnp.maximum(o + b2_ref[...], 0.0)
    o_ref[0] = o[:, :half]
    o_ref[1] = o[:, half:]

  return pl.pallas_call(
      body,
      grid=(nb,),
      in_specs=[
          pl.BlockSpec((2, R, half), lambda i: (0, i, 0)),
          pl.BlockSpec((HID, HID), lambda i: (0, 0)),
          pl.BlockSpec((1, HID), lambda i: (0, 0)),
          pl.BlockSpec((HID, HID), lambda i: (0, 0)),
          pl.BlockSpec((1, HID), lambda i: (0, 0)),
      ],
      out_specs=pl.BlockSpec((2, R, half), lambda i: (0, i, 0)),
      out_shape=jax.ShapeDtypeStruct((2, N, half), _F32),
  )(z_st, W1, b1, W2, b2)


def _pool_encode(h_st, batch_row, enc_Wout, enc_bout):
  R = 1000
  nb = N // R

  def body(h_ref, b_ref, w_ref, bias_ref, gemb_ref, pooled_acc, counts_acc):
    i = pl.program_id(0)

    @pl.when(i == 0)
    def _init():
      pooled_acc[...] = jnp.zeros_like(pooled_acc)
      counts_acc[...] = jnp.zeros_like(counts_acc)

    h = jnp.concatenate([h_ref[0], h_ref[1]], axis=1)
    gids = lax.broadcasted_iota(jnp.int32, (NUM_GRAPHS, R), 0)
    bmat_t = (b_ref[0] == gids).astype(_F32)
    pooled_acc[...] += jnp.dot(bmat_t, h, precision=_HIGH,
                               preferred_element_type=_F32)
    counts_acc[...] += jnp.sum(bmat_t, axis=1, keepdims=True)

    @pl.when(i == nb - 1)
    def _fin():
      pooled = pooled_acc[...] / jnp.maximum(counts_acc[...], 1.0)
      gemb_ref[...] = jnp.dot(pooled, w_ref[...], precision=_HIGH,
                              preferred_element_type=_F32) + bias_ref[...]

  return pl.pallas_call(
      body,
      grid=(nb,),
      in_specs=[
          pl.BlockSpec((2, R, HID // 2), lambda i: (0, i, 0)),
          pl.BlockSpec((1, 1, R), lambda i: (i, 0, 0)),
          pl.BlockSpec((HID, HID), lambda i: (0, 0)),
          pl.BlockSpec((1, HID), lambda i: (0, 0)),
      ],
      out_specs=pl.BlockSpec((NUM_GRAPHS, HID), lambda i: (0, 0)),
      out_shape=jax.ShapeDtypeStruct((NUM_GRAPHS, HID), _F32),
      scratch_shapes=[
          pltpu.VMEM((NUM_GRAPHS, HID), _F32),
          pltpu.VMEM((NUM_GRAPHS, 1), _F32),
      ],
  )(h_st, batch_row, enc_Wout, enc_bout.reshape(1, -1))


def _decode(gemb, batch_col, dec_W1, dec_b1, dec_W2, dec_b2):
  R = 1000
  nb = N // R

  def body(g_ref, b_ref, w1_ref, b1_ref, w2_ref, b2_ref, rec_ref):
    gids = lax.broadcasted_iota(jnp.int32, (R, NUM_GRAPHS), 1)
    bmat = (b_ref[...] == gids).astype(_F32)
    ne = jnp.dot(bmat, g_ref[...], precision=_HIGH,
                 preferred_element_type=_F32)
    hid = jnp.dot(ne, w1_ref[...], precision=_HIGH,
                  preferred_element_type=_F32)
    hid = jnp.maximum(hid + b1_ref[...], 0.0)
    rec = jnp.dot(hid, w2_ref[...], precision=_HIGH,
                  preferred_element_type=_F32)
    rec_ref[...] = rec + b2_ref[...]

  return pl.pallas_call(
      body,
      grid=(nb,),
      in_specs=[
          pl.BlockSpec((NUM_GRAPHS, HID), lambda i: (0, 0)),
          pl.BlockSpec((R, 1), lambda i: (i, 0)),
          pl.BlockSpec((HID, HID // 2), lambda i: (0, 0)),
          pl.BlockSpec((1, HID // 2), lambda i: (0, 0)),
          pl.BlockSpec((HID // 2, IN_CH), lambda i: (0, 0)),
          pl.BlockSpec((1, IN_CH), lambda i: (0, 0)),
      ],
      out_specs=pl.BlockSpec((R, IN_CH), lambda i: (i, 0)),
      out_shape=jax.ShapeDtypeStruct((N, IN_CH), _F32),
  )(gemb, batch_col, dec_W1, dec_b1.reshape(1, -1), dec_W2,
    dec_b2.reshape(1, -1))


_sc_agg_chan_split = _make_sc_agg()


def kernel(x, edge_index, batch,
           gin0_W1, gin0_b1, gin0_W2, gin0_b2,
           gin1_W1, gin1_b1, gin1_W2, gin1_b2,
           gin2_W1, gin2_b1, gin2_W2, gin2_b2,
           enc_Wout, enc_bout, dec_W1, dec_b1, dec_W2, dec_b2):
  src = jnp.concatenate(
      [edge_index[0], jnp.zeros((EPAD - E,), jnp.int32)])
  dst = jnp.concatenate(
      [edge_index[1], jnp.full((EPAD - E,), N, jnp.int32)])
  srcpl12 = jnp.stack([src, src + N]).reshape(2, NTILES, TCH, CHUNK)
  dstpl12 = jnp.stack([dst, dst]).reshape(2, NTILES, TCH, CHUNK)

  pt = E // 2 // NTILES
  ptp = NBLK0 * SUPB * CHUNK

  def _l0(idx, padval):
    a = idx.reshape(2, NTILES, pt)
    a = jnp.pad(a, ((0, 0), (0, 0), (0, ptp - pt)), constant_values=padval)
    a = a.reshape(2, NTILES, NBLK0 * SUPB, CHUNK)
    return jnp.pad(a, ((0, 0), (0, 0), (0, TCH - NBLK0 * SUPB), (0, 0)))

  srcpl0 = _l0(edge_index[0], 0)
  dstpl0 = _l0(edge_index[1], N)
  srcpls = jnp.stack([srcpl0, srcpl12, srcpl12])
  dstpls = jnp.stack([dstpl0, dstpl12, dstpl12])
  cfgs = jnp.full((3, 16), NBLK, jnp.int32).at[0].set(NBLK0)

  zeros = jnp.zeros((NPAD, IN_CH), _F32)
  h_st = jnp.stack([x, x])
  W1s = jnp.stack([
      jnp.concatenate([gin0_W1, gin0_W1], axis=0), gin1_W1, gin2_W1])
  b1s = jnp.stack([gin0_b1, gin1_b1, gin2_b1])[:, None, :]
  W2s = jnp.stack([gin0_W2, gin1_W2, gin2_W2])
  b2s = jnp.stack([gin0_b2, gin1_b2, gin2_b2])[:, None, :]

  def layer(h_st, ws):
    W1, b1, W2, b2, spl, dpl, cfg = ws
    table = h_st.reshape(2 * N, HID // 2)
    z = _sc_agg_chan_split(table, zeros, spl, dpl, cfg)
    return _mlp(z.reshape(2, N, HID // 2), W1, b1, W2, b2), None

  h_st, _ = lax.scan(layer, h_st, (W1s, b1s, W2s, b2s, srcpls, dstpls, cfgs))

  gemb = _pool_encode(h_st, batch.reshape(N // 1000, 1, 1000), enc_Wout,
                      enc_bout)
  rec = _decode(gemb, batch.reshape(N, 1), dec_W1, dec_b1, dec_W2, dec_b2)
  return (rec, gemb)

# --- scband reference (transcript-rebuilt; emitter-appended) ---
"""Pipeline reference for scband-gnnautoencoder-80358838108850 (READ-ONLY COPY).

The authoritative reference and input builder live on the scoring server;
editing this copy changes nothing except your own understanding.
"""

import jax, jax.numpy as jnp
import numpy as np

N = 10000
E = 320000
IN_CH = 128
HID = 256
NUM_GRAPHS = 64


def _glorot(key, shape):
    fan_in = shape[0]
    return (jax.random.normal(key, shape, dtype=jnp.float32) / np.sqrt(fan_in)).astype(jnp.float32)


def setup_inputs(seed: int = 0) -> dict:
    key = jax.random.key(seed)
    ks = jax.random.split(key, 16)
    inp = {}
    inp["x"] = jax.random.normal(ks[0], (N, IN_CH), dtype=jnp.float32)
    inp["edge_index"] = jax.random.randint(ks[1], (2, E), 0, N, dtype=jnp.int32)
    inp["batch"] = jnp.sort(jax.random.randint(ks[2], (N,), 0, NUM_GRAPHS, dtype=jnp.int32))
    dims = [(IN_CH, HID), (HID, HID), (HID, HID)]
    for i, (di, do) in enumerate(dims):
        inp[f"gin{i}_W1"] = _glorot(ks[3 + 2 * i], (di, do))
        inp[f"gin{i}_b1"] = jnp.zeros((do,), dtype=jnp.float32)
        inp[f"gin{i}_W2"] = _glorot(ks[4 + 2 * i], (do, do))
        inp[f"gin{i}_b2"] = jnp.zeros((do,), dtype=jnp.float32)
    inp["enc_Wout"] = _glorot(ks[10], (HID, HID))
    inp["enc_bout"] = jnp.zeros((HID,), dtype=jnp.float32)
    inp["dec_W1"] = _glorot(ks[11], (HID, HID // 2))
    inp["dec_b1"] = jnp.zeros((HID // 2,), dtype=jnp.float32)
    inp["dec_W2"] = _glorot(ks[12], (HID // 2, IN_CH))
    inp["dec_b2"] = jnp.zeros((IN_CH,), dtype=jnp.float32)
    return inp


def _gin_layer(h, src, dst, W1, b1, W2, b2):
    # GIN: h' = MLP((1 + eps) * h + sum_{j in N(i)} h_j), eps = 0
    agg = jax.ops.segment_sum(h[src], dst, num_segments=N)
    z = h + agg
    z = jnp.maximum(z @ W1 + b1, 0.0)
    z = z @ W2 + b2
    return jnp.maximum(z, 0.0)  # act='relu' between layers


def reference(x, edge_index, batch,
              gin0_W1, gin0_b1, gin0_W2, gin0_b2,
              gin1_W1, gin1_b1, gin1_W2, gin1_b2,
              gin2_W1, gin2_b1, gin2_W2, gin2_b2,
              enc_Wout, enc_bout, dec_W1, dec_b1, dec_W2, dec_b2):
    src = edge_index[0]
    dst = edge_index[1]
    h = x
    h = _gin_layer(h, src, dst, gin0_W1, gin0_b1, gin0_W2, gin0_b2)
    h = _gin_layer(h, src, dst, gin1_W1, gin1_b1, gin1_W2, gin1_b2)
    h = _gin_layer(h, src, dst, gin2_W1, gin2_b1, gin2_W2, gin2_b2)
    # global mean pool per graph
    counts = jax.ops.segment_sum(jnp.ones((N,), dtype=jnp.float32), batch, num_segments=NUM_GRAPHS)
    pooled = jax.ops.segment_sum(h, batch, num_segments=NUM_GRAPHS) / jnp.maximum(counts, 1.0)[:, None]
    graph_embeddings = pooled @ enc_Wout + enc_bout
    # broadcast graph embedding back to nodes and decode
    node_embeddings = graph_embeddings[batch]
    hidden = jnp.maximum(node_embeddings @ dec_W1 + dec_b1, 0.0)
    reconstructed = hidden @ dec_W2 + dec_b2
    return (reconstructed, graph_embeddings)

if __name__ == "__main__":
    import jax
    _d = setup_inputs()
    print(jax.jit(kernel)(*tuple(_d.values())))

</pallas_src>

<mosaic_0001>
#map = affine_map<(d0, d1) -> (0, 0)>
#map1 = affine_map<(d0, d1) -> (0, 0, 0, 0)>
#map2 = affine_map<(d0, d1) -> (0)>
module attributes {stable_mosaic.version = 14 : i64} {
  func.func @k(%arg0: i32, %arg1: i32, %arg2: memref<20000x128xf32, #tpu.memory_space<hbm>>, %arg3: memref<10016x128xf32, #tpu.memory_space<hbm>>, %arg4: memref<2x16x320x64xi32, #tpu.memory_space<hbm>>, %arg5: memref<2x16x320x64xi32, #tpu.memory_space<hbm>>, %arg6: memref<16xi32, #tpu.memory_space<hbm>>, %arg7: memref<20000x128xf32, #tpu.memory_space<hbm>>, %arg8: memref<2x32x64xi32, #tpu.memory_space<vmem>>, %arg9: memref<2x32x64xi32, #tpu.memory_space<vmem>>, %arg10: memref<4x64x128xf32, #tpu.memory_space<vmem>>, %arg11: memref<16xi32, #tpu.memory_space<vmem>>, %arg12: memref<10016x128xf32, #tpu.memory_space<vmem_shared>>, %arg13: memref<!tpu.dma_semaphore, #tpu.memory_space<semaphore_mem>>, %arg14: memref<!tpu.dma_semaphore, #tpu.memory_space<semaphore_mem>>, %arg15: memref<!tpu.dma_semaphore, #tpu.memory_space<semaphore_mem>>, %arg16: memref<!tpu.dma_semaphore, #tpu.memory_space<semaphore_mem>>) attributes {dimension_semantics = [#tpu.dimension_semantics<core_parallel>, #tpu.dimension_semantics<subcore_parallel>], iteration_bounds = array<i64: 2, 16>, scalar_prefetch = 0 : i64, scratch_operands = 9 : i64, tpu.core_type = #tpu.core_type<sc_vector_subcore>, window_params = [{transform_indices = #map}, {transform_indices = #map}, {transform_indices = #map1}, {transform_indices = #map1}, {transform_indices = #map2}, {transform_indices = #map}]} {
    "tpu.region"() ({
      %run_scoped3A = tpu.sem_alloc : memref<!tpu.dma_semaphore, #tpu.memory_space<semaphore_mem>>
      tpu.enqueue_dma source(%arg6 : memref<16xi32, #tpu.memory_space<hbm>>) target(%arg11 : memref<16xi32, #tpu.memory_space<vmem>>) target_semaphore(%run_scoped3A : memref<!tpu.dma_semaphore, #tpu.memory_space<semaphore_mem>>)
      tpu.wait_dma2 semaphore(%run_scoped3A : memref<!tpu.dma_semaphore, #tpu.memory_space<semaphore_mem>>) src(%arg6 : memref<16xi32, #tpu.memory_space<hbm>>) dst(%arg11 : memref<16xi32, #tpu.memory_space<vmem>>)
      tpu.yield
    }) : () -> ()
    %get3A = arith.constant 0 : index
    %get3A_0 = tpu.vector_load %arg11[%get3A] {strides = array<i32>} : memref<16xi32, #tpu.memory_space<vmem>>, vector<16xi32>,
    %get3A_1 = vector.shape_cast %get3A_0 : vector<16xi32> to vector<16xi32>
    %slice3A = vector.extract_strided_slice %get3A_1 {offsets = [0], sizes = [1], strides = [1]} : vector<16xi32> to vector<1xi32>
    %squeeze3A = vector.extract %slice3A[0] : i32 from vector<1xi32>
    %eq3A = arith.constant 5 : i32
    %eq3A_2 = arith.cmpi eq, %squeeze3A, %eq3A : i32
    %eq3A_3 = arith.constant 1 : i32
    %eq3A_4 = arith.cmpi eq, %arg0, %eq3A_3 : i32
    %and3A = arith.andi %eq3A_2, %eq3A_4 : i1
    %convert_element_type3A = arith.extui %and3A : i1 to i32
    %cond3A = arith.constant 0 : i32
    %cond3A_5 = arith.cmpi ne, %convert_element_type3A, %cond3A : i32
    scf.if %cond3A_5 {
      %mul3A_119 = arith.constant 624 : i32
      %mul3A_120 = arith.muli %arg1, %mul3A_119 : i32
      %mul3A_121 = arith.constant 624 : i32
      %mul3A_122 = arith.muli %arg1, %mul3A_121 : i32
      "tpu.region"() ({
        %run_scoped3A = tpu.sem_alloc : memref<!tpu.dma_semaphore, #tpu.memory_space<semaphore_mem>>
        %dma_start3A_128 = arith.constant 0 : i32
        %dma_start3A_129 = tpu.memref_slice %arg12[%mul3A_122, %dma_start3A_128] : memref<10016x128xf32, #tpu.memory_space<vmem_shared>> -> memref<624x128xf32, #tpu.memory_space<vmem_shared>>
        %dma_start3A_130 = arith.constant 0 : i32
        %dma_start3A_131 = tpu.memref_slice %arg3[%mul3A_120, %dma_start3A_130] : memref<10016x128xf32, #tpu.memory_space<hbm>> -> memref<624x128xf32, #tpu.memory_space<hbm>>
        tpu.enqueue_dma source(%dma_start3A_131 : memref<624x128xf32, #tpu.memory_space<hbm>>) target(%dma_start3A_129 : memref<624x128xf32, #tpu.memory_space<vmem_shared>>) target_semaphore(%run_scoped3A : memref<!tpu.dma_semaphore, #tpu.memory_space<semaphore_mem>>)
        %dma_wait3A_132 = arith.constant 0 : i32
        %dma_wait3A_133 = tpu.memref_slice %arg12[%mul3A_122, %dma_wait3A_132] : memref<10016x128xf32, #tpu.memory_space<vmem_shared>> -> memref<624x128xf32, #tpu.memory_space<vmem_shared>>
        %dma_wait3A_134 = arith.constant 0 : i32
        %dma_wait3A_135 = tpu.memref_slice %arg3[%mul3A_120, %dma_wait3A_134] : memref<10016x128xf32, #tpu.memory_space<hbm>> -> memref<624x128xf32, #tpu.memory_space<hbm>>
        tpu.wait_dma2 semaphore(%run_scoped3A : memref<!tpu.dma_semaphore, #tpu.memory_space<semaphore_mem>>) src(%dma_wait3A_135 : memref<624x128xf32, #tpu.memory_space<hbm>>) dst(%dma_wait3A_133 : memref<624x128xf32, #tpu.memory_space<vmem_shared>>)
        tpu.yield
      }) : () -> ()
      %eq3A_123 = arith.constant 15 : i32
      %eq3A_124 = arith.cmpi eq, %arg1, %eq3A_123 : i32
      %convert_element_type3A_125 = arith.extui %eq3A_124 : i1 to i32
      %cond3A_126 = arith.constant 0 : i32
      %cond3A_127 = arith.cmpi ne, %convert_element_type3A_125, %cond3A_126 : i32
      scf.if %cond3A_127 {
        "tpu.region"() ({
          %run_scoped3A = tpu.sem_alloc : memref<!tpu.dma_semaphore, #tpu.memory_space<semaphore_mem>>
          %dma_start3A_128 = arith.constant 9984 : i32
          %dma_start3A_129 = arith.constant 0 : i32
          %dma_start3A_130 = tpu.memref_slice %arg12[%dma_start3A_128, %dma_start3A_129] : memref<10016x128xf32, #tpu.memory_space<vmem_shared>> -> memref<16x128xf32, #tpu.memory_space<vmem_shared>>
          %dma_start3A_131 = arith.constant 9984 : i32
          %dma_start3A_132 = arith.constant 0 : i32
          %dma_start3A_133 = tpu.memref_slice %arg3[%dma_start3A_131, %dma_start3A_132] : memref<10016x128xf32, #tpu.memory_space<hbm>> -> memref<16x128xf32, #tpu.memory_space<hbm>>
          tpu.enqueue_dma source(%dma_start3A_133 : memref<16x128xf32, #tpu.memory_space<hbm>>) target(%dma_start3A_130 : memref<16x128xf32, #tpu.memory_space<vmem_shared>>) target_semaphore(%run_scoped3A : memref<!tpu.dma_semaphore, #tpu.memory_space<semaphore_mem>>)
          %dma_wait3A_134 = arith.constant 9984 : i32
          %dma_wait3A_135 = arith.constant 0 : i32
          %dma_wait3A_136 = tpu.memref_slice %arg12[%dma_wait3A_134, %dma_wait3A_135] : memref<10016x128xf32, #tpu.memory_space<vmem_shared>> -> memref<16x128xf32, #tpu.memory_space<vmem_shared>>
          %dma_wait3A_137 = arith.constant 9984 : i32
          %dma_wait3A_138 = arith.constant 0 : i32
          %dma_wait3A_139 = tpu.memref_slice %arg3[%dma_wait3A_137, %dma_wait3A_138] : memref<10016x128xf32, #tpu.memory_space<hbm>> -> memref<16x128xf32, #tpu.memory_space<hbm>>
          tpu.wait_dma2 semaphore(%run_scoped3A : memref<!tpu.dma_semaphore, #tpu.memory_space<semaphore_mem>>) src(%dma_wait3A_139 : memref<16x128xf32, #tpu.memory_space<hbm>>) dst(%dma_wait3A_136 : memref<16x128xf32, #tpu.memory_space<vmem_shared>>)
          tpu.yield
        }) : () -> ()
      } else {
      }
    } else {
    }
    %not3A = arith.constant true
    %not3A_6 = arith.xori %and3A, %not3A : i1
    %convert_element_type3A_7 = arith.extui %not3A_6 : i1 to i32
    %cond3A_8 = arith.constant 0 : i32
    %cond3A_9 = arith.cmpi ne, %convert_element_type3A_7, %cond3A_8 : i32
    scf.if %cond3A_9 {
      %mul3A_119 = arith.constant 10000 : i32
      %mul3A_120 = arith.muli %arg0, %mul3A_119 : i32
      %mul3A_121 = arith.constant 624 : i32
      %mul3A_122 = arith.muli %arg1, %mul3A_121 : i32
      %add3A_123 = arith.addi %mul3A_120, %mul3A_122 : i32
      %mul3A_124 = arith.constant 624 : i32
      %mul3A_125 = arith.muli %arg1, %mul3A_124 : i32
      "tpu.region"() ({
        %run_scoped3A = tpu.sem_alloc : memref<!tpu.dma_semaphore, #tpu.memory_space<semaphore_mem>>
        %dma_start3A_131 = arith.constant 0 : i32
        %dma_start3A_132 = tpu.memref_slice %arg12[%mul3A_125, %dma_start3A_131] : memref<10016x128xf32, #tpu.memory_space<vmem_shared>> -> memref<624x128xf32, #tpu.memory_space<vmem_shared>>
        %dma_start3A_133 = arith.constant 0 : i32
        %dma_start3A_134 = tpu.memref_slice %arg2[%add3A_123, %dma_start3A_133] : memref<20000x128xf32, #tpu.memory_space<hbm>> -> memref<624x128xf32, #tpu.memory_space<hbm>>
        tpu.enqueue_dma source(%dma_start3A_134 : memref<624x128xf32, #tpu.memory_space<hbm>>) target(%dma_start3A_132 : memref<624x128xf32, #tpu.memory_space<vmem_shared>>) target_semaphore(%run_scoped3A : memref<!tpu.dma_semaphore, #tpu.memory_space<semaphore_mem>>)
        %dma_wait3A_135 = arith.constant 0 : i32
        %dma_wait3A_136 = tpu.memref_slice %arg12[%mul3A_125, %dma_wait3A_135] : memref<10016x128xf32, #tpu.memory_space<vmem_shared>> -> memref<624x128xf32, #tpu.memory_space<vmem_shared>>
        %dma_wait3A_137 = arith.constant 0 : i32
        %dma_wait3A_138 = tpu.memref_slice %arg2[%add3A_123, %dma_wait3A_137] : memref<20000x128xf32, #tpu.memory_space<hbm>> -> memref<624x128xf32, #tpu.memory_space<hbm>>
        tpu.wait_dma2 semaphore(%run_scoped3A : memref<!tpu.dma_semaphore, #tpu.memory_space<semaphore_mem>>) src(%dma_wait3A_138 : memref<624x128xf32, #tpu.memory_space<hbm>>) dst(%dma_wait3A_136 : memref<624x128xf32, #tpu.memory_space<vmem_shared>>)
        tpu.yield
      }) : () -> ()
      %eq3A_126 = arith.constant 15 : i32
      %eq3A_127 = arith.cmpi eq, %arg1, %eq3A_126 : i32
      %convert_element_type3A_128 = arith.extui %eq3A_127 : i1 to i32
      %cond3A_129 = arith.constant 0 : i32
      %cond3A_130 = arith.cmpi ne, %convert_element_type3A_128, %cond3A_129 : i32
      scf.if %cond3A_130 {
        %mul3A_131 = arith.constant 10000 : i32
        %mul3A_132 = arith.muli %arg0, %mul3A_131 : i32
        %add3A_133 = arith.constant 9984 : i32
        %add3A_134 = arith.addi %mul3A_132, %add3A_133 : i32
        "tpu.region"() ({
          %run_scoped3A = tpu.sem_alloc : memref<!tpu.dma_semaphore, #tpu.memory_space<semaphore_mem>>
          %dma_start3A_135 = arith.constant 9984 : i32
          %dma_start3A_136 = arith.constant 0 : i32
          %dma_start3A_137 = tpu.memref_slice %arg12[%dma_start3A_135, %dma_start3A_136] : memref<10016x128xf32, #tpu.memory_space<vmem_shared>> -> memref<16x128xf32, #tpu.memory_space<vmem_shared>>
          %dma_start3A_138 = arith.constant 0 : i32
          %dma_start3A_139 = tpu.memref_slice %arg2[%add3A_134, %dma_start3A_138] : memref<20000x128xf32, #tpu.memory_space<hbm>> -> memref<16x128xf32, #tpu.memory_space<hbm>>
          tpu.enqueue_dma source(%dma_start3A_139 : memref<16x128xf32, #tpu.memory_space<hbm>>) target(%dma_start3A_137 : memref<16x128xf32, #tpu.memory_space<vmem_shared>>) target_semaphore(%run_scoped3A : memref<!tpu.dma_semaphore, #tpu.memory_space<semaphore_mem>>)
          %dma_wait3A_140 = arith.constant 9984 : i32
          %dma_wait3A_141 = arith.constant 0 : i32
          %dma_wait3A_142 = tpu.memref_slice %arg12[%dma_wait3A_140, %dma_wait3A_141] : memref<10016x128xf32, #tpu.memory_space<vmem_shared>> -> memref<16x128xf32, #tpu.memory_space<vmem_shared>>
          %dma_wait3A_143 = arith.constant 0 : i32
          %dma_wait3A_144 = tpu.memref_slice %arg2[%add3A_134, %dma_wait3A_143] : memref<20000x128xf32, #tpu.memory_space<hbm>> -> memref<16x128xf32, #tpu.memory_space<hbm>>
          tpu.wait_dma2 semaphore(%run_scoped3A : memref<!tpu.dma_semaphore, #tpu.memory_space<semaphore_mem>>) src(%dma_wait3A_144 : memref<16x128xf32, #tpu.memory_space<hbm>>) dst(%dma_wait3A_142 : memref<16x128xf32, #tpu.memory_space<vmem_shared>>)
          tpu.yield
        }) : () -> ()
      } else {
      }
    } else {
    }
    %barrier3A = arith.constant 0 : index
    tpu.barrier barrier_id(%barrier3A)
    %dma_start3A = arith.constant 0 : i32
    %dma_start3A_10 = arith.constant 0 : i32
    %dma_start3A_11 = arith.constant 0 : i32
    %dma_start3A_12 = tpu.memref_slice %arg8[%dma_start3A, %dma_start3A_10, %dma_start3A_11] : memref<2x32x64xi32, #tpu.memory_space<vmem>> -> memref<1x32x64xi32, #tpu.memory_space<vmem>>
    %dma_start3A_13 = tpu.memref_squeeze %dma_start3A_12 : memref<1x32x64xi32, #tpu.memory_space<vmem>> -> memref<32x64xi32, #tpu.memory_space<vmem>>
    %dma_start3A_14 = arith.constant 0 : i32
    %dma_start3A_15 = arith.constant 0 : i32
    %dma_start3A_16 = tpu.memref_slice %arg4[%arg0, %arg1, %dma_start3A_14, %dma_start3A_15] : memref<2x16x320x64xi32, #tpu.memory_space<hbm>> -> memref<1x1x32x64xi32, #tpu.memory_space<hbm>>
    %dma_start3A_17 = tpu.memref_squeeze %dma_start3A_16 : memref<1x1x32x64xi32, #tpu.memory_space<hbm>> -> memref<32x64xi32, #tpu.memory_space<hbm>>
    %dma_start3A_18 = arith.constant 0 : i32
    %dma_start3A_19 = arith.constant 0 : i32
    %dma_start3A_20 = tpu.memref_slice %arg8[%dma_start3A, %dma_start3A_18, %dma_start3A_19] : memref<2x32x64xi32, #tpu.memory_space<vmem>> -> memref<1x32x64xi32, #tpu.memory_space<vmem>>
    %dma_start3A_21 = tpu.memref_squeeze %dma_start3A_20 : memref<1x32x64xi32, #tpu.memory_space<vmem>> -> memref<32x64xi32, #tpu.memory_space<vmem>>
    %dma_start3A_22 = arith.constant 0 : i32
    %dma_start3A_23 = arith.constant 0 : i32
    %dma_start3A_24 = tpu.memref_slice %arg4[%arg0, %arg1, %dma_start3A_22, %dma_start3A_23] : memref<2x16x320x64xi32, #tpu.memory_space<hbm>> -> memref<1x1x32x64xi32, #tpu.memory_space<hbm>>
    %dma_start3A_25 = tpu.memref_squeeze %dma_start3A_24 : memref<1x1x32x64xi32, #tpu.memory_space<hbm>> -> memref<32x64xi32, #tpu.memory_space<hbm>>
    tpu.enqueue_dma source(%dma_start3A_25 : memref<32x64xi32, #tpu.memory_space<hbm>>) target(%dma_start3A_21 : memref<32x64xi32, #tpu.memory_space<vmem>>) target_semaphore(%arg15 : memref<!tpu.dma_semaphore, #tpu.memory_space<semaphore_mem>>)
    %dma_start3A_26 = arith.constant 0 : i32
    %dma_start3A_27 = arith.constant 0 : i32
    %dma_start3A_28 = arith.constant 0 : i32
    %dma_start3A_29 = tpu.memref_slice %arg9[%dma_start3A_26, %dma_start3A_27, %dma_start3A_28] : memref<2x32x64xi32, #tpu.memory_space<vmem>> -> memref<1x32x64xi32, #tpu.memory_space<vmem>>
    %dma_start3A_30 = tpu.memref_squeeze %dma_start3A_29 : memref<1x32x64xi32, #tpu.memory_space<vmem>> -> memref<32x64xi32, #tpu.memory_space<vmem>>
    %dma_start3A_31 = arith.constant 0 : i32
    %dma_start3A_32 = arith.constant 0 : i32
    %dma_start3A_33 = tpu.memref_slice %arg5[%arg0, %arg1, %dma_start3A_31, %dma_start3A_32] : memref<2x16x320x64xi32, #tpu.memory_space<hbm>> -> memref<1x1x32x64xi32, #tpu.memory_space<hbm>>
    %dma_start3A_34 = tpu.memref_squeeze %dma_start3A_33 : memref<1x1x32x64xi32, #tpu.memory_space<hbm>> -> memref<32x64xi32, #tpu.memory_space<hbm>>
    %dma_start3A_35 = arith.constant 0 : i32
    %dma_start3A_36 = arith.constant 0 : i32
    %dma_start3A_37 = tpu.memref_slice %arg9[%dma_start3A_26, %dma_start3A_35, %dma_start3A_36] : memref<2x32x64xi32, #tpu.memory_space<vmem>> -> memref<1x32x64xi32, #tpu.memory_space<vmem>>
    %dma_start3A_38 = tpu.memref_squeeze %dma_start3A_37 : memref<1x32x64xi32, #tpu.memory_space<vmem>> -> memref<32x64xi32, #tpu.memory_space<vmem>>
    %dma_start3A_39 = arith.constant 0 : i32
    %dma_start3A_40 = arith.constant 0 : i32
    %dma_start3A_41 = tpu.memref_slice %arg5[%arg0, %arg1, %dma_start3A_39, %dma_start3A_40] : memref<2x16x320x64xi32, #tpu.memory_space<hbm>> -> memref<1x1x32x64xi32, #tpu.memory_space<hbm>>
    %dma_start3A_42 = tpu.memref_squeeze %dma_start3A_41 : memref<1x1x32x64xi32, #tpu.memory_space<hbm>> -> memref<32x64xi32, #tpu.memory_space<hbm>>
    tpu.enqueue_dma source(%dma_start3A_42 : memref<32x64xi32, #tpu.memory_space<hbm>>) target(%dma_start3A_38 : memref<32x64xi32, #tpu.memory_space<vmem>>) target_semaphore(%arg15 : memref<!tpu.dma_semaphore, #tpu.memory_space<semaphore_mem>>)
    %dma_wait3A = arith.constant 0 : i32
    %dma_wait3A_43 = arith.constant 0 : i32
    %dma_wait3A_44 = arith.constant 0 : i32
    %dma_wait3A_45 = tpu.memref_slice %arg8[%dma_wait3A, %dma_wait3A_43, %dma_wait3A_44] : memref<2x32x64xi32, #tpu.memory_space<vmem>> -> memref<1x32x64xi32, #tpu.memory_space<vmem>>
    %dma_wait3A_46 = tpu.memref_squeeze %dma_wait3A_45 : memref<1x32x64xi32, #tpu.memory_space<vmem>> -> memref<32x64xi32, #tpu.memory_space<vmem>>
    %dma_wait3A_47 = arith.constant 0 : i32
    %dma_wait3A_48 = arith.constant 0 : i32
    %dma_wait3A_49 = tpu.memref_slice %arg4[%arg0, %arg1, %dma_wait3A_47, %dma_wait3A_48] : memref<2x16x320x64xi32, #tpu.memory_space<hbm>> -> memref<1x1x32x64xi32, #tpu.memory_space<hbm>>
    %dma_wait3A_50 = tpu.memref_squeeze %dma_wait3A_49 : memref<1x1x32x64xi32, #tpu.memory_space<hbm>> -> memref<32x64xi32, #tpu.memory_space<hbm>>
    %dma_wait3A_51 = arith.constant 0 : i32
    %dma_wait3A_52 = arith.constant 0 : i32
    %dma_wait3A_53 = tpu.memref_slice %arg8[%dma_wait3A, %dma_wait3A_51, %dma_wait3A_52] : memref<2x32x64xi32, #tpu.memory_space<vmem>> -> memref<1x32x64xi32, #tpu.memory_space<vmem>>
    %dma_wait3A_54 = tpu.memref_squeeze %dma_wait3A_53 : memref<1x32x64xi32, #tpu.memory_space<vmem>> -> memref<32x64xi32, #tpu.memory_space<vmem>>
    %dma_wait3A_55 = arith.constant 0 : i32
    %dma_wait3A_56 = arith.constant 0 : i32
    %dma_wait3A_57 = tpu.memref_slice %arg4[%arg0, %arg1, %dma_wait3A_55, %dma_wait3A_56] : memref<2x16x320x64xi32, #tpu.memory_space<hbm>> -> memref<1x1x32x64xi32, #tpu.memory_space<hbm>>
    %dma_wait3A_58 = tpu.memref_squeeze %dma_wait3A_57 : memref<1x1x32x64xi32, #tpu.memory_space<hbm>> -> memref<32x64xi32, #tpu.memory_space<hbm>>
    tpu.wait_dma2 semaphore(%arg15 : memref<!tpu.dma_semaphore, #tpu.memory_space<semaphore_mem>>) src(%dma_wait3A_58 : memref<32x64xi32, #tpu.memory_space<hbm>>) dst(%dma_wait3A_54 : memref<32x64xi32, #tpu.memory_space<vmem>>)
    %dma_wait3A_59 = arith.constant 0 : i32
    %dma_wait3A_60 = arith.constant 0 : i32
    %dma_wait3A_61 = arith.constant 0 : i32
    %dma_wait3A_62 = tpu.memref_slice %arg9[%dma_wait3A_59, %dma_wait3A_60, %dma_wait3A_61] : memref<2x32x64xi32, #tpu.memory_space<vmem>> -> memref<1x32x64xi32, #tpu.memory_space<vmem>>
    %dma_wait3A_63 = tpu.memref_squeeze %dma_wait3A_62 : memref<1x32x64xi32, #tpu.memory_space<vmem>> -> memref<32x64xi32, #tpu.memory_space<vmem>>
    %dma_wait3A_64 = arith.constant 0 : i32
    %dma_wait3A_65 = arith.constant 0 : i32
    %dma_wait3A_66 = tpu.memref_slice %arg5[%arg0, %arg1, %dma_wait3A_64, %dma_wait3A_65] : memref<2x16x320x64xi32, #tpu.memory_space<hbm>> -> memref<1x1x32x64xi32, #tpu.memory_space<hbm>>
    %dma_wait3A_67 = tpu.memref_squeeze %dma_wait3A_66 : memref<1x1x32x64xi32, #tpu.memory_space<hbm>> -> memref<32x64xi32, #tpu.memory_space<hbm>>
    %dma_wait3A_68 = arith.constant 0 : i32
    %dma_wait3A_69 = arith.constant 0 : i32
    %dma_wait3A_70 = tpu.memref_slice %arg9[%dma_wait3A_59, %dma_wait3A_68, %dma_wait3A_69] : memref<2x32x64xi32, #tpu.memory_space<vmem>> -> memref<1x32x64xi32, #tpu.memory_space<vmem>>
    %dma_wait3A_71 = tpu.memref_squeeze %dma_wait3A_70 : memref<1x32x64xi32, #tpu.memory_space<vmem>> -> memref<32x64xi32, #tpu.memory_space<vmem>>
    %dma_wait3A_72 = arith.constant 0 : i32
    %dma_wait3A_73 = arith.constant 0 : i32
    %dma_wait3A_74 = tpu.memref_slice %arg5[%arg0, %arg1, %dma_wait3A_72, %dma_wait3A_73] : memref<2x16x320x64xi32, #tpu.memory_space<hbm>> -> memref<1x1x32x64xi32, #tpu.memory_space<hbm>>
    %dma_wait3A_75 = tpu.memref_squeeze %dma_wait3A_74 : memref<1x1x32x64xi32, #tpu.memory_space<hbm>> -> memref<32x64xi32, #tpu.memory_space<hbm>>
    tpu.wait_dma2 semaphore(%arg15 : memref<!tpu.dma_semaphore, #tpu.memory_space<semaphore_mem>>) src(%dma_wait3A_75 : memref<32x64xi32, #tpu.memory_space<hbm>>) dst(%dma_wait3A_71 : memref<32x64xi32, #tpu.memory_space<vmem>>)
    %gt3A = arith.constant 1 : i32
    %gt3A_76 = arith.cmpi sgt, %squeeze3A, %gt3A : i32
    %convert_element_type3A_77 = arith.extui %gt3A_76 : i1 to i32
    %cond3A_78 = arith.constant 0 : i32
    %cond3A_79 = arith.cmpi ne, %convert_element_type3A_77, %cond3A_78 : i32
    scf.if %cond3A_79 {
      %dma_start3A_119 = arith.constant 1 : i32
      %dma_start3A_120 = arith.constant 0 : i32
      %dma_start3A_121 = arith.constant 0 : i32
      %dma_start3A_122 = tpu.memref_slice %arg8[%dma_start3A_119, %dma_start3A_120, %dma_start3A_121] : memref<2x32x64xi32, #tpu.memory_space<vmem>> -> memref<1x32x64xi32, #tpu.memory_space<vmem>>
      %dma_start3A_123 = tpu.memref_squeeze %dma_start3A_122 : memref<1x32x64xi32, #tpu.memory_space<vmem>> -> memref<32x64xi32, #tpu.memory_space<vmem>>
      %dma_start3A_124 = arith.constant 32 : i32
      %dma_start3A_125 = arith.constant 0 : i32
      %dma_start3A_126 = tpu.memref_slice %arg4[%arg0, %arg1, %dma_start3A_124, %dma_start3A_125] : memref<2x16x320x64xi32, #tpu.memory_space<hbm>> -> memref<1x1x32x64xi32, #tpu.memory_space<hbm>>
      %dma_start3A_127 = tpu.memref_squeeze %dma_start3A_126 : memref<1x1x32x64xi32, #tpu.memory_space<hbm>> -> memref<32x64xi32, #tpu.memory_space<hbm>>
      %dma_start3A_128 = arith.constant 0 : i32
      %dma_start3A_129 = arith.constant 0 : i32
      %dma_start3A_130 = tpu.memref_slice %arg8[%dma_start3A_119, %dma_start3A_128, %dma_start3A_129] : memref<2x32x64xi32, #tpu.memory_space<vmem>> -> memref<1x32x64xi32, #tpu.memory_space<vmem>>
      %dma_start3A_131 = tpu.memref_squeeze %dma_start3A_130 : memref<1x32x64xi32, #tpu.memory_space<vmem>> -> memref<32x64xi32, #tpu.memory_space<vmem>>
      %dma_start3A_132 = arith.constant 32 : i32
      %dma_start3A_133 = arith.constant 0 : i32
      %dma_start3A_134 = tpu.memref_slice %arg4[%arg0, %arg1, %dma_start3A_132, %dma_start3A_133] : memref<2x16x320x64xi32, #tpu.memory_space<hbm>> -> memref<1x1x32x64xi32, #tpu.memory_space<hbm>>
      %dma_start3A_135 = tpu.memref_squeeze %dma_start3A_134 : memref<1x1x32x64xi32, #tpu.memory_space<hbm>> -> memref<32x64xi32, #tpu.memory_space<hbm>>
      tpu.enqueue_dma source(%dma_start3A_135 : memref<32x64xi32, #tpu.memory_space<hbm>>) target(%dma_start3A_131 : memref<32x64xi32, #tpu.memory_space<vmem>>) target_semaphore(%arg16 : memref<!tpu.dma_semaphore, #tpu.memory_space<semaphore_mem>>)
      %dma_start3A_136 = arith.constant 1 : i32
      %dma_start3A_137 = arith.constant 0 : i32
      %dma_start3A_138 = arith.constant 0 : i32
      %dma_start3A_139 = tpu.memref_slice %arg9[%dma_start3A_136, %dma_start3A_137, %dma_start3A_138] : memref<2x32x64xi32, #tpu.memory_space<vmem>> -> memref<1x32x64xi32, #tpu.memory_space<vmem>>
      %dma_start3A_140 = tpu.memref_squeeze %dma_start3A_139 : memref<1x32x64xi32, #tpu.memory_space<vmem>> -> memref<32x64xi32, #tpu.memory_space<vmem>>
      %dma_start3A_141 = arith.constant 32 : i32
      %dma_start3A_142 = arith.constant 0 : i32
      %dma_start3A_143 = tpu.memref_slice %arg5[%arg0, %arg1, %dma_start3A_141, %dma_start3A_142] : memref<2x16x320x64xi32, #tpu.memory_space<hbm>> -> memref<1x1x32x64xi32, #tpu.memory_space<hbm>>
      %dma_start3A_144 = tpu.memref_squeeze %dma_start3A_143 : memref<1x1x32x64xi32, #tpu.memory_space<hbm>> -> memref<32x64xi32, #tpu.memory_space<hbm>>
      %dma_start3A_145 = arith.constant 0 : i32
      %dma_start3A_146 = arith.constant 0 : i32
      %dma_start3A_147 = tpu.memref_slice %arg9[%dma_start3A_136, %dma_start3A_145, %dma_start3A_146] : memref<2x32x64xi32, #tpu.memory_space<vmem>> -> memref<1x32x64xi32, #tpu.memory_space<vmem>>
      %dma_start3A_148 = tpu.memref_squeeze %dma_start3A_147 : memref<1x32x64xi32, #tpu.memory_space<vmem>> -> memref<32x64xi32, #tpu.memory_space<vmem>>
      %dma_start3A_149 = arith.constant 32 : i32
      %dma_start3A_150 = arith.constant 0 : i32
      %dma_start3A_151 = tpu.memref_slice %arg5[%arg0, %arg1, %dma_start3A_149, %dma_start3A_150] : memref<2x16x320x64xi32, #tpu.memory_space<hbm>> -> memref<1x1x32x64xi32, #tpu.memory_space<hbm>>
      %dma_start3A_152 = tpu.memref_squeeze %dma_start3A_151 : memref<1x1x32x64xi32, #tpu.memory_space<hbm>> -> memref<32x64xi32, #tpu.memory_space<hbm>>
      tpu.enqueue_dma source(%dma_start3A_152 : memref<32x64xi32, #tpu.memory_space<hbm>>) target(%dma_start3A_148 : memref<32x64xi32, #tpu.memory_space<vmem>>) target_semaphore(%arg16 : memref<!tpu.dma_semaphore, #tpu.memory_space<semaphore_mem>>)
    } else {
    }
    %add3A = arith.constant 1 : i32
    %add3A_80 = arith.addi %squeeze3A, %add3A : i32
    %jit3A = arith.constant 2 : i32
    %div3A = arith.divsi %add3A_80, %jit3A : i32
    %sign3A = arith.constant 0 : i32
    %sign3A_81 = arith.cmpi sgt, %add3A_80, %sign3A : i32
    %sign3A_82 = arith.extui %sign3A_81 : i1 to i32
    %sign3A_83 = arith.constant 0 : i32
    %sign3A_84 = arith.cmpi slt, %add3A_80, %sign3A_83 : i32
    %sign3A_85 = arith.extui %sign3A_84 : i1 to i32
    %sign3A_86 = arith.subi %sign3A_82, %sign3A_85 : i32
    %sign3A_87 = arith.constant 0 : i32
    %sign3A_88 = arith.cmpi sgt, %jit3A, %sign3A_87 : i32
    %sign3A_89 = arith.extui %sign3A_88 : i1 to i32
    %sign3A_90 = arith.constant 0 : i32
    %sign3A_91 = arith.cmpi slt, %jit3A, %sign3A_90 : i32
    %sign3A_92 = arith.extui %sign3A_91 : i1 to i32
    %sign3A_93 = arith.subi %sign3A_89, %sign3A_92 : i32
    %ne3A = arith.cmpi ne, %sign3A_86, %sign3A_93 : i32
    %rem3A = arith.remsi %add3A_80, %jit3A : i32
    %ne3A_94 = arith.constant 0 : i32
    %ne3A_95 = arith.cmpi ne, %rem3A, %ne3A_94 : i32
    %and3A_96 = arith.andi %ne3A, %ne3A_95 : i1
    %sub3A = arith.constant 1 : i32
    %sub3A_97 = arith.subi %div3A, %sub3A : i32
    %select_n3A = arith.select %and3A_96, %sub3A_97, %div3A : i32
    %while3A = arith.constant 0 : i32
    %while3A_98 = arith.constant 0 : i32
    %while3A_99 = arith.subi %select_n3A, %while3A_98 : i32
    %while3A_100 = arith.addi %while3A_98, %while3A_99 : i32
    %while3A_101 = arith.constant 1 : i32
    %while3A_102 = arith.divsi %while3A_99, %while3A_101 : i32
    %while3A_103 = arith.muli %while3A_102, %while3A_101 : i32
    %while3A_104 = arith.addi %while3A_98, %while3A_103 : i32
    %while3A_105 = arith.constant 1 : i32
    scf.for %while3A_119 = %while3A_98 to %while3A_104 step %while3A_105  : i32 {
      %mul3A_120 = arith.constant 2 : i32
      %mul3A_121 = arith.muli %mul3A_120, %while3A_119 : i32
      %add3A_122 = arith.constant 1 : i32
      %add3A_123 = arith.addi %mul3A_121, %add3A_122 : i32
      %gt3A_124 = arith.constant 0 : i32
      %gt3A_125 = arith.cmpi sgt, %while3A_119, %gt3A_124 : i32
      %convert_element_type3A_126 = arith.extui %gt3A_125 : i1 to i32
      %cond3A_127 = arith.constant 0 : i32
      %cond3A_128 = arith.cmpi ne, %convert_element_type3A_126, %cond3A_127 : i32
      scf.if %cond3A_128 {
        %dma_wait3A_219 = arith.constant 0 : i32
        %dma_wait3A_220 = arith.constant 0 : i32
        %dma_wait3A_221 = arith.constant 0 : i32
        %dma_wait3A_222 = tpu.memref_slice %arg8[%dma_wait3A_219, %dma_wait3A_220, %dma_wait3A_221] : memref<2x32x64xi32, #tpu.memory_space<vmem>> -> memref<1x32x64xi32, #tpu.memory_space<vmem>>
        %dma_wait3A_223 = tpu.memref_squeeze %dma_wait3A_222 : memref<1x32x64xi32, #tpu.memory_space<vmem>> -> memref<32x64xi32, #tpu.memory_space<vmem>>
        %dma_wait3A_224 = arith.constant 0 : i32
        %dma_wait3A_225 = arith.constant 0 : i32
        %dma_wait3A_226 = tpu.memref_slice %arg4[%arg0, %arg1, %dma_wait3A_224, %dma_wait3A_225] : memref<2x16x320x64xi32, #tpu.memory_space<hbm>> -> memref<1x1x32x64xi32, #tpu.memory_space<hbm>>
        %dma_wait3A_227 = tpu.memref_squeeze %dma_wait3A_226 : memref<1x1x32x64xi32, #tpu.memory_space<hbm>> -> memref<32x64xi32, #tpu.memory_space<hbm>>
        %dma_wait3A_228 = arith.constant 0 : i32
        %dma_wait3A_229 = arith.constant 0 : i32
        %dma_wait3A_230 = tpu.memref_slice %arg8[%dma_wait3A_219, %dma_wait3A_228, %dma_wait3A_229] : memref<2x32x64xi32, #tpu.memory_space<vmem>> -> memref<1x32x64xi32, #tpu.memory_space<vmem>>
        %dma_wait3A_231 = tpu.memref_squeeze %dma_wait3A_230 : memref<1x32x64xi32, #tpu.memory_space<vmem>> -> memref<32x64xi32, #tpu.memory_space<vmem>>
        %dma_wait3A_232 = arith.constant 0 : i32
        %dma_wait3A_233 = arith.constant 0 : i32
        %dma_wait3A_234 = tpu.memref_slice %arg4[%arg0, %arg1, %dma_wait3A_232, %dma_wait3A_233] : memref<2x16x320x64xi32, #tpu.memory_space<hbm>> -> memref<1x1x32x64xi32, #tpu.memory_space<hbm>>
        %dma_wait3A_235 = tpu.memref_squeeze %dma_wait3A_234 : memref<1x1x32x64xi32, #tpu.memory_space<hbm>> -> memref<32x64xi32, #tpu.memory_space<hbm>>
        tpu.wait_dma2 semaphore(%arg15 : memref<!tpu.dma_semaphore, #tpu.memory_space<semaphore_mem>>) src(%dma_wait3A_235 : memref<32x64xi32, #tpu.memory_space<hbm>>) dst(%dma_wait3A_231 : memref<32x64xi32, #tpu.memory_space<vmem>>)
        %dma_wait3A_236 = arith.constant 0 : i32
        %dma_wait3A_237 = arith.constant 0 : i32
        %dma_wait3A_238 = arith.constant 0 : i32
        %dma_wait3A_239 = tpu.memref_slice %arg9[%dma_wait3A_236, %dma_wait3A_237, %dma_wait3A_238] : memref<2x32x64xi32, #tpu.memory_space<vmem>> -> memref<1x32x64xi32, #tpu.memory_space<vmem>>
        %dma_wait3A_240 = tpu.memref_squeeze %dma_wait3A_239 : memref<1x32x64xi32, #tpu.memory_space<vmem>> -> memref<32x64xi32, #tpu.memory_space<vmem>>
        %dma_wait3A_241 = arith.constant 0 : i32
        %dma_wait3A_242 = arith.constant 0 : i32
        %dma_wait3A_243 = tpu.memref_slice %arg5[%arg0, %arg1, %dma_wait3A_241, %dma_wait3A_242] : memref<2x16x320x64xi32, #tpu.memory_space<hbm>> -> memref<1x1x32x64xi32, #tpu.memory_space<hbm>>
        %dma_wait3A_244 = tpu.memref_squeeze %dma_wait3A_243 : memref<1x1x32x64xi32, #tpu.memory_space<hbm>> -> memref<32x64xi32, #tpu.memory_space<hbm>>
        %dma_wait3A_245 = arith.constant 0 : i32
        %dma_wait3A_246 = arith.constant 0 : i32
        %dma_wait3A_247 = tpu.memref_slice %arg9[%dma_wait3A_236, %dma_wait3A_245, %dma_wait3A_246] : memref<2x32x64xi32, #tpu.memory_space<vmem>> -> memref<1x32x64xi32, #tpu.memory_space<vmem>>
        %dma_wait3A_248 = tpu.memref_squeeze %dma_wait3A_247 : memref<1x32x64xi32, #tpu.memory_space<vmem>> -> memref<32x64xi32, #tpu.memory_space<vmem>>
        %dma_wait3A_249 = arith.constant 0 : i32
        %dma_wait3A_250 = arith.constant 0 : i32
        %dma_wait3A_251 = tpu.memref_slice %arg5[%arg0, %arg1, %dma_wait3A_249, %dma_wait3A_250] : memref<2x16x320x64xi32, #tpu.memory_space<hbm>> -> memref<1x1x32x64xi32, #tpu.memory_space<hbm>>
        %dma_wait3A_252 = tpu.memref_squeeze %dma_wait3A_251 : memref<1x1x32x64xi32, #tpu.memory_space<hbm>> -> memref<32x64xi32, #tpu.memory_space<hbm>>
        tpu.wait_dma2 semaphore(%arg15 : memref<!tpu.dma_semaphore, #tpu.memory_space<semaphore_mem>>) src(%dma_wait3A_252 : memref<32x64xi32, #tpu.memory_space<hbm>>) dst(%dma_wait3A_248 : memref<32x64xi32, #tpu.memory_space<vmem>>)
      } else {
      }
      %dma_start3A_129 = arith.constant 0 : i32
      %dma_start3A_130 = arith.constant 0 : i32
      %dma_start3A_131 = arith.constant 0 : i32
      %dma_start3A_132 = arith.constant 0 : i32
      %dma_start3A_133 = arith.constant 0 : i32
      %dma_start3A_134 = tpu.memref_slice %arg10[%dma_start3A_131, %dma_start3A_132, %dma_start3A_133] : memref<4x64x128xf32, #tpu.memory_space<vmem>> -> memref<1x64x128xf32, #tpu.memory_space<vmem>>
      %dma_start3A_135 = tpu.memref_squeeze %dma_start3A_134 : memref<1x64x128xf32, #tpu.memory_space<vmem>> -> memref<64x128xf32, #tpu.memory_space<vmem>>
      %dma_start3A_136 = arith.constant 0 : i32
      %dma_start3A_137 = arith.constant 0 : i32
      %dma_start3A_138 = tpu.memref_slice %arg8[%dma_start3A_129, %dma_start3A_136, %dma_start3A_137] : memref<2x32x64xi32, #tpu.memory_space<vmem>> -> memref<1x32x64xi32, #tpu.memory_space<vmem>>
      %dma_start3A_139 = tpu.memref_squeeze %dma_start3A_138 : memref<1x32x64xi32, #tpu.memory_space<vmem>> -> memref<32x64xi32, #tpu.memory_space<vmem>>
      %dma_start3A_140 = arith.constant 0 : i32
      %dma_start3A_141 = tpu.memref_slice %dma_start3A_139[%dma_start3A_130, %dma_start3A_140] : memref<32x64xi32, #tpu.memory_space<vmem>> -> memref<1x64xi32, #tpu.memory_space<vmem>>
      %dma_start3A_142 = tpu.memref_squeeze %dma_start3A_141 : memref<1x64xi32, #tpu.memory_space<vmem>> -> memref<64xi32, #tpu.memory_space<vmem>>
      %dma_start3A_143 = arith.constant 0 : i32
      %dma_start3A_144 = arith.constant 0 : i32
      %dma_start3A_145 = tpu.memref_slice %arg2[%dma_start3A_143, %dma_start3A_144] : memref<20000x128xf32, #tpu.memory_space<hbm>> -> memref<20000x128xf32, #tpu.memory_space<hbm>>
      tpu.enqueue_indirect_dma source(%dma_start3A_145 : memref<20000x128xf32, #tpu.memory_space<hbm>>) target(%dma_start3A_135 : memref<64x128xf32, #tpu.memory_space<vmem>>) offsets(%dma_start3A_142 : memref<64xi32, #tpu.memory_space<vmem>>) semaphore(%arg13 : memref<!tpu.dma_semaphore, #tpu.memory_space<semaphore_mem>>)
      %dma_start3A_146 = arith.constant 0 : i32
      %dma_start3A_147 = arith.constant 1 : i32
      %dma_start3A_148 = arith.constant 1 : i32
      %dma_start3A_149 = arith.constant 0 : i32
      %dma_start3A_150 = arith.constant 0 : i32
      %dma_start3A_151 = tpu.memref_slice %arg10[%dma_start3A_148, %dma_start3A_149, %dma_start3A_150] : memref<4x64x128xf32, #tpu.memory_space<vmem>> -> memref<1x64x128xf32, #tpu.memory_space<vmem>>
      %dma_start3A_152 = tpu.memref_squeeze %dma_start3A_151 : memref<1x64x128xf32, #tpu.memory_space<vmem>> -> memref<64x128xf32, #tpu.memory_space<vmem>>
      %dma_start3A_153 = arith.constant 0 : i32
      %dma_start3A_154 = arith.constant 0 : i32
      %dma_start3A_155 = tpu.memref_slice %arg8[%dma_start3A_146, %dma_start3A_153, %dma_start3A_154] : memref<2x32x64xi32, #tpu.memory_space<vmem>> -> memref<1x32x64xi32, #tpu.memory_space<vmem>>
      %dma_start3A_156 = tpu.memref_squeeze %dma_start3A_155 : memref<1x32x64xi32, #tpu.memory_space<vmem>> -> memref<32x64xi32, #tpu.memory_space<vmem>>
      %dma_start3A_157 = arith.constant 0 : i32
      %dma_start3A_158 = tpu.memref_slice %dma_start3A_156[%dma_start3A_147, %dma_start3A_157] : memref<32x64xi32, #tpu.memory_space<vmem>> -> memref<1x64xi32, #tpu.memory_space<vmem>>
      %dma_start3A_159 = tpu.memref_squeeze %dma_start3A_158 : memref<1x64xi32, #tpu.memory_space<vmem>> -> memref<64xi32, #tpu.memory_space<vmem>>
      %dma_start3A_160 = arith.constant 0 : i32
      %dma_start3A_161 = arith.constant 0 : i32
      %dma_start3A_162 = tpu.memref_slice %arg2[%dma_start3A_160, %dma_start3A_161] : memref<20000x128xf32, #tpu.memory_space<hbm>> -> memref<20000x128xf32, #tpu.memory_space<hbm>>
      tpu.enqueue_indirect_dma source(%dma_start3A_162 : memref<20000x128xf32, #tpu.memory_space<hbm>>) target(%dma_start3A_152 : memref<64x128xf32, #tpu.memory_space<vmem>>) offsets(%dma_start3A_159 : memref<64xi32, #tpu.memory_space<vmem>>) semaphore(%arg13 : memref<!tpu.dma_semaphore, #tpu.memory_space<semaphore_mem>>)
      %scan3A = arith.constant 0 : i32
      %scan3A_163 = arith.constant 0 : i32
      %scan3A_164 = arith.constant 0 : i32
      %scan3A_165 = arith.constant 0 : i32
      %scan3A_166 = arith.constant 8 : i32
      %scan3A_167 = arith.addi %scan3A_165, %scan3A_166 : i32
      %scan3A_168 = arith.constant 1 : i32
      scf.for %scan3A_219 = %scan3A_165 to %scan3A_167 step %scan3A_168  : i32 {
        %mul3A_220 = arith.constant 4 : i32
        %mul3A_221 = arith.muli %scan3A_219, %mul3A_220 : i32
        %add3A_222 = arith.constant 0 : i32
        %add3A_223 = arith.addi %mul3A_221, %add3A_222 : i32
        %add3A_224 = arith.constant 4 : i32
        %add3A_225 = arith.addi %add3A_223, %add3A_224 : i32
        %sub3A_226 = arith.constant 2 : i32
        %sub3A_227 = arith.subi %add3A_225, %sub3A_226 : i32
        %dma_wait3A_228 = arith.constant 0 : i32
        %dma_wait3A_229 = arith.constant 0 : i32
        %dma_wait3A_230 = arith.constant 0 : i32
        %dma_wait3A_231 = arith.constant 0 : i32
        %dma_wait3A_232 = tpu.memref_slice %arg10[%dma_wait3A_229, %dma_wait3A_230, %dma_wait3A_231] : memref<4x64x128xf32, #tpu.memory_space<vmem>> -> memref<1x64x128xf32, #tpu.memory_space<vmem>>
        %dma_wait3A_233 = tpu.memref_squeeze %dma_wait3A_232 : memref<1x64x128xf32, #tpu.memory_space<vmem>> -> memref<64x128xf32, #tpu.memory_space<vmem>>
        %dma_wait3A_234 = arith.constant 0 : i32
        %dma_wait3A_235 = arith.constant 0 : i32
        %dma_wait3A_236 = tpu.memref_slice %arg8[%scan3A_163, %dma_wait3A_234, %dma_wait3A_235] : memref<2x32x64xi32, #tpu.memory_space<vmem>> -> memref<1x32x64xi32, #tpu.memory_space<vmem>>
        %dma_wait3A_237 = tpu.memref_squeeze %dma_wait3A_236 : memref<1x32x64xi32, #tpu.memory_space<vmem>> -> memref<32x64xi32, #tpu.memory_space<vmem>>
        %dma_wait3A_238 = arith.constant 0 : i32
        %dma_wait3A_239 = tpu.memref_slice %dma_wait3A_237[%dma_wait3A_228, %dma_wait3A_238] : memref<32x64xi32, #tpu.memory_space<vmem>> -> memref<1x64xi32, #tpu.memory_space<vmem>>
        %dma_wait3A_240 = tpu.memref_squeeze %dma_wait3A_239 : memref<1x64xi32, #tpu.memory_space<vmem>> -> memref<64xi32, #tpu.memory_space<vmem>>
        %dma_wait3A_241 = arith.constant 0 : i32
        %dma_wait3A_242 = arith.constant 0 : i32
        %dma_wait3A_243 = tpu.memref_slice %arg2[%dma_wait3A_241, %dma_wait3A_242] : memref<20000x128xf32, #tpu.memory_space<hbm>> -> memref<20000x128xf32, #tpu.memory_space<hbm>>
        tpu.wait_indirect_dma semaphore(%arg13 : memref<!tpu.dma_semaphore, #tpu.memory_space<semaphore_mem>>) src(%dma_wait3A_243 : memref<20000x128xf32, #tpu.memory_space<hbm>>) dst(%dma_wait3A_233 : memref<64x128xf32, #tpu.memory_space<vmem>>)
        %dma_start3A_244 = arith.constant 0 : i32
        %dma_start3A_245 = arith.constant 0 : i32
        %dma_start3A_246 = arith.constant 0 : i32
        %dma_start3A_247 = tpu.memref_slice %arg10[%dma_start3A_244, %dma_start3A_245, %dma_start3A_246] : memref<4x64x128xf32, #tpu.memory_space<vmem>> -> memref<1x64x128xf32, #tpu.memory_space<vmem>>
        %dma_start3A_248 = tpu.memref_squeeze %dma_start3A_247 : memref<1x64x128xf32, #tpu.memory_space<vmem>> -> memref<64x128xf32, #tpu.memory_space<vmem>>
        %dma_start3A_249 = arith.constant 0 : i32
        %dma_start3A_250 = arith.constant 0 : i32
        %dma_start3A_251 = tpu.memref_slice %arg9[%scan3A_164, %dma_start3A_249, %dma_start3A_250] : memref<2x32x64xi32, #tpu.memory_space<vmem>> -> memref<1x32x64xi32, #tpu.memory_space<vmem>>
        %dma_start3A_252 = tpu.memref_squeeze %dma_start3A_251 : memref<1x32x64xi32, #tpu.memory_space<vmem>> -> memref<32x64xi32, #tpu.memory_space<vmem>>
        %dma_start3A_253 = arith.constant 0 : i32
        %dma_start3A_254 = tpu.memref_slice %dma_start3A_252[%add3A_223, %dma_start3A_253] : memref<32x64xi32, #tpu.memory_space<vmem>> -> memref<1x64xi32, #tpu.memory_space<vmem>>
        %dma_start3A_255 = tpu.memref_squeeze %dma_start3A_254 : memref<1x64xi32, #tpu.memory_space<vmem>> -> memref<64xi32, #tpu.memory_space<vmem>>
        %dma_start3A_256 = arith.constant 0 : i32
        %dma_start3A_257 = arith.constant 0 : i32
        %dma_start3A_258 = tpu.memref_slice %arg12[%dma_start3A_256, %dma_start3A_257] : memref<10016x128xf32, #tpu.memory_space<vmem_shared>> -> memref<10016x128xf32, #tpu.memory_space<vmem_shared>>
        tpu.enqueue_indirect_dma source(%dma_start3A_248 : memref<64x128xf32, #tpu.memory_space<vmem>>) target(%dma_start3A_258 : memref<10016x128xf32, #tpu.memory_space<vmem_shared>>) offsets(%dma_start3A_255 : memref<64xi32, #tpu.memory_space<vmem>>) semaphore(%arg14 : memref<!tpu.dma_semaphore, #tpu.memory_space<semaphore_mem>>) {add = true}
        %gt3A_259 = arith.constant 0 : i32
        %gt3A_260 = arith.cmpi sgt, %scan3A_219, %gt3A_259 : i32
        %convert_element_type3A_261 = arith.extui %gt3A_260 : i1 to i32
        %cond3A_262 = arith.constant 0 : i32
        %cond3A_263 = arith.cmpi ne, %convert_element_type3A_261, %cond3A_262 : i32
        scf.if %cond3A_263 {
          %dma_wait3A_458 = arith.constant 2 : i32
          %dma_wait3A_459 = arith.constant 0 : i32
          %dma_wait3A_460 = arith.constant 0 : i32
          %dma_wait3A_461 = arith.constant 0 : i32
          %dma_wait3A_462 = tpu.memref_slice %arg10[%dma_wait3A_458, %dma_wait3A_460, %dma_wait3A_461] : memref<4x64x128xf32, #tpu.memory_space<vmem>> -> memref<1x64x128xf32, #tpu.memory_space<vmem>>
          %dma_wait3A_463 = tpu.memref_squeeze %dma_wait3A_462 : memref<1x64x128xf32, #tpu.memory_space<vmem>> -> memref<64x128xf32, #tpu.memory_space<vmem>>
          %dma_wait3A_464 = arith.constant 0 : i32
          %dma_wait3A_465 = arith.constant 0 : i32
          %dma_wait3A_466 = tpu.memref_slice %arg9[%scan3A_164, %dma_wait3A_464, %dma_wait3A_465] : memref<2x32x64xi32, #tpu.memory_space<vmem>> -> memref<1x32x64xi32, #tpu.memory_space<vmem>>
          %dma_wait3A_467 = tpu.memref_squeeze %dma_wait3A_466 : memref<1x32x64xi32, #tpu.memory_space<vmem>> -> memref<32x64xi32, #tpu.memory_space<vmem>>
          %dma_wait3A_468 = arith.constant 0 : i32
          %dma_wait3A_469 = tpu.memref_slice %dma_wait3A_467[%dma_wait3A_459, %dma_wait3A_468] : memref<32x64xi32, #tpu.memory_space<vmem>> -> memref<1x64xi32, #tpu.memory_space<vmem>>
          %dma_wait3A_470 = tpu.memref_squeeze %dma_wait3A_469 : memref<1x64xi32, #tpu.memory_space<vmem>> -> memref<64xi32, #tpu.memory_space<vmem>>
          %dma_wait3A_471 = arith.constant 0 : i32
          %dma_wait3A_472 = arith.constant 0 : i32
          %dma_wait3A_473 = tpu.memref_slice %arg12[%dma_wait3A_471, %dma_wait3A_472] : memref<10016x128xf32, #tpu.memory_space<vmem_shared>> -> memref<10016x128xf32, #tpu.memory_space<vmem_shared>>
          tpu.wait_indirect_dma semaphore(%arg14 : memref<!tpu.dma_semaphore, #tpu.memory_space<semaphore_mem>>) src(%dma_wait3A_463 : memref<64x128xf32, #tpu.memory_space<vmem>>) dst(%dma_wait3A_473 : memref<10016x128xf32, #tpu.memory_space<vmem_shared>>)
        } else {
        }
        %dma_start3A_264 = arith.constant 2 : i32
        %dma_start3A_265 = arith.constant 0 : i32
        %dma_start3A_266 = arith.constant 0 : i32
        %dma_start3A_267 = tpu.memref_slice %arg10[%dma_start3A_264, %dma_start3A_265, %dma_start3A_266] : memref<4x64x128xf32, #tpu.memory_space<vmem>> -> memref<1x64x128xf32, #tpu.memory_space<vmem>>
        %dma_start3A_268 = tpu.memref_squeeze %dma_start3A_267 : memref<1x64x128xf32, #tpu.memory_space<vmem>> -> memref<64x128xf32, #tpu.memory_space<vmem>>
        %dma_start3A_269 = arith.constant 0 : i32
        %dma_start3A_270 = arith.constant 0 : i32
        %dma_start3A_271 = tpu.memref_slice %arg8[%scan3A_163, %dma_start3A_269, %dma_start3A_270] : memref<2x32x64xi32, #tpu.memory_space<vmem>> -> memref<1x32x64xi32, #tpu.memory_space<vmem>>
        %dma_start3A_272 = tpu.memref_squeeze %dma_start3A_271 : memref<1x32x64xi32, #tpu.memory_space<vmem>> -> memref<32x64xi32, #tpu.memory_space<vmem>>
        %dma_start3A_273 = arith.constant 0 : i32
        %dma_start3A_274 = tpu.memref_slice %dma_start3A_272[%sub3A_227, %dma_start3A_273] : memref<32x64xi32, #tpu.memory_space<vmem>> -> memref<1x64xi32, #tpu.memory_space<vmem>>
        %dma_start3A_275 = tpu.memref_squeeze %dma_start3A_274 : memref<1x64xi32, #tpu.memory_space<vmem>> -> memref<64xi32, #tpu.memory_space<vmem>>
        %dma_start3A_276 = arith.constant 0 : i32
        %dma_start3A_277 = arith.constant 0 : i32
        %dma_start3A_278 = tpu.memref_slice %arg2[%dma_start3A_276, %dma_start3A_277] : memref<20000x128xf32, #tpu.memory_space<hbm>> -> memref<20000x128xf32, #tpu.memory_space<hbm>>
        tpu.enqueue_indirect_dma source(%dma_start3A_278 : memref<20000x128xf32, #tpu.memory_space<hbm>>) target(%dma_start3A_268 : memref<64x128xf32, #tpu.memory_space<vmem>>) offsets(%dma_start3A_275 : memref<64xi32, #tpu.memory_space<vmem>>) semaphore(%arg13 : memref<!tpu.dma_semaphore, #tpu.memory_space<semaphore_mem>>)
        %mul3A_279 = arith.constant 4 : i32
        %mul3A_280 = arith.muli %scan3A_219, %mul3A_279 : i32
        %add3A_281 = arith.constant 1 : i32
        %add3A_282 = arith.addi %mul3A_280, %add3A_281 : i32
        %add3A_283 = arith.constant 4 : i32
        %add3A_284 = arith.addi %add3A_282, %add3A_283 : i32
        %sub3A_285 = arith.constant 2 : i32
        %sub3A_286 = arith.subi %add3A_284, %sub3A_285 : i32
        %dma_wait3A_287 = arith.constant 0 : i32
        %dma_wait3A_288 = arith.constant 1 : i32
        %dma_wait3A_289 = arith.constant 0 : i32
        %dma_wait3A_290 = arith.constant 0 : i32
        %dma_wait3A_291 = tpu.memref_slice %arg10[%dma_wait3A_288, %dma_wait3A_289, %dma_wait3A_290] : memref<4x64x128xf32, #tpu.memory_space<vmem>> -> memref<1x64x128xf32, #tpu.memory_space<vmem>>
        %dma_wait3A_292 = tpu.memref_squeeze %dma_wait3A_291 : memref<1x64x128xf32, #tpu.memory_space<vmem>> -> memref<64x128xf32, #tpu.memory_space<vmem>>
        %dma_wait3A_293 = arith.constant 0 : i32
        %dma_wait3A_294 = arith.constant 0 : i32
        %dma_wait3A_295 = tpu.memref_slice %arg8[%scan3A_163, %dma_wait3A_293, %dma_wait3A_294] : memref<2x32x64xi32, #tpu.memory_space<vmem>> -> memref<1x32x64xi32, #tpu.memory_space<vmem>>
        %dma_wait3A_296 = tpu.memref_squeeze %dma_wait3A_295 : memref<1x32x64xi32, #tpu.memory_space<vmem>> -> memref<32x64xi32, #tpu.memory_space<vmem>>
        %dma_wait3A_297 = arith.constant 0 : i32
        %dma_wait3A_298 = tpu.memref_slice %dma_wait3A_296[%dma_wait3A_287, %dma_wait3A_297] : memref<32x64xi32, #tpu.memory_space<vmem>> -> memref<1x64xi32, #tpu.memory_space<vmem>>
        %dma_wait3A_299 = tpu.memref_squeeze %dma_wait3A_298 : memref<1x64xi32, #tpu.memory_space<vmem>> -> memref<64xi32, #tpu.memory_space<vmem>>
        %dma_wait3A_300 = arith.constant 0 : i32
        %dma_wait3A_301 = arith.constant 0 : i32
        %dma_wait3A_302 = tpu.memref_slice %arg2[%dma_wait3A_300, %dma_wait3A_301] : memref<20000x128xf32, #tpu.memory_space<hbm>> -> memref<20000x128xf32, #tpu.memory_space<hbm>>
        tpu.wait_indirect_dma semaphore(%arg13 : memref<!tpu.dma_semaphore, #tpu.memory_space<semaphore_mem>>) src(%dma_wait3A_302 : memref<20000x128xf32, #tpu.memory_space<hbm>>) dst(%dma_wait3A_292 : memref<64x128xf32, #tpu.memory_space<vmem>>)
        %dma_start3A_303 = arith.constant 1 : i32
        %dma_start3A_304 = arith.constant 0 : i32
        %dma_start3A_305 = arith.constant 0 : i32
        %dma_start3A_306 = tpu.memref_slice %arg10[%dma_start3A_303, %dma_start3A_304, %dma_start3A_305] : memref<4x64x128xf32, #tpu.memory_space<vmem>> -> memref<1x64x128xf32, #tpu.memory_space<vmem>>
        %dma_start3A_307 = tpu.memref_squeeze %dma_start3A_306 : memref<1x64x128xf32, #tpu.memory_space<vmem>> -> memref<64x128xf32, #tpu.memory_space<vmem>>
        %dma_start3A_308 = arith.constant 0 : i32
        %dma_start3A_309 = arith.constant 0 : i32
        %dma_start3A_310 = tpu.memref_slice %arg9[%scan3A_164, %dma_start3A_308, %dma_start3A_309] : memref<2x32x64xi32, #tpu.memory_space<vmem>> -> memref<1x32x64xi32, #tpu.memory_space<vmem>>
        %dma_start3A_311 = tpu.memref_squeeze %dma_start3A_310 : memref<1x32x64xi32, #tpu.memory_space<vmem>> -> memref<32x64xi32, #tpu.memory_space<vmem>>
        %dma_start3A_312 = arith.constant 0 : i32
        %dma_start3A_313 = tpu.memref_slice %dma_start3A_311[%add3A_282, %dma_start3A_312] : memref<32x64xi32, #tpu.memory_space<vmem>> -> memref<1x64xi32, #tpu.memory_space<vmem>>
        %dma_start3A_314 = tpu.memref_squeeze %dma_start3A_313 : memref<1x64xi32, #tpu.memory_space<vmem>> -> memref<64xi32, #tpu.memory_space<vmem>>
        %dma_start3A_315 = arith.constant 0 : i32
        %dma_start3A_316 = arith.constant 0 : i32
        %dma_start3A_317 = tpu.memref_slice %arg12[%dma_start3A_315, %dma_start3A_316] : memref<10016x128xf32, #tpu.memory_space<vmem_shared>> -> memref<10016x128xf32, #tpu.memory_space<vmem_shared>>
        tpu.enqueue_indirect_dma source(%dma_start3A_307 : memref<64x128xf32, #tpu.memory_space<vmem>>) target(%dma_start3A_317 : memref<10016x128xf32, #tpu.memory_space<vmem_shared>>) offsets(%dma_start3A_314 : memref<64xi32, #tpu.memory_space<vmem>>) semaphore(%arg14 : memref<!tpu.dma_semaphore, #tpu.memory_space<semaphore_mem>>) {add = true}
        %gt3A_318 = arith.constant 0 : i32
        %gt3A_319 = arith.cmpi sgt, %scan3A_219, %gt3A_318 : i32
        %convert_element_type3A_320 = arith.extui %gt3A_319 : i1 to i32
        %cond3A_321 = arith.constant 0 : i32
        %cond3A_322 = arith.cmpi ne, %convert_element_type3A_320, %cond3A_321 : i32
        scf.if %cond3A_322 {
          %dma_wait3A_458 = arith.constant 3 : i32
          %dma_wait3A_459 = arith.constant 0 : i32
          %dma_wait3A_460 = arith.constant 0 : i32
          %dma_wait3A_461 = arith.constant 0 : i32
          %dma_wait3A_462 = tpu.memref_slice %arg10[%dma_wait3A_458, %dma_wait3A_460, %dma_wait3A_461] : memref<4x64x128xf32, #tpu.memory_space<vmem>> -> memref<1x64x128xf32, #tpu.memory_space<vmem>>
          %dma_wait3A_463 = tpu.memref_squeeze %dma_wait3A_462 : memref<1x64x128xf32, #tpu.memory_space<vmem>> -> memref<64x128xf32, #tpu.memory_space<vmem>>
          %dma_wait3A_464 = arith.constant 0 : i32
          %dma_wait3A_465 = arith.constant 0 : i32
          %dma_wait3A_466 = tpu.memref_slice %arg9[%scan3A_164, %dma_wait3A_464, %dma_wait3A_465] : memref<2x32x64xi32, #tpu.memory_space<vmem>> -> memref<1x32x64xi32, #tpu.memory_space<vmem>>
          %dma_wait3A_467 = tpu.memref_squeeze %dma_wait3A_466 : memref<1x32x64xi32, #tpu.memory_space<vmem>> -> memref<32x64xi32, #tpu.memory_space<vmem>>
          %dma_wait3A_468 = arith.constant 0 : i32
          %dma_wait3A_469 = tpu.memref_slice %dma_wait3A_467[%dma_wait3A_459, %dma_wait3A_468] : memref<32x64xi32, #tpu.memory_space<vmem>> -> memref<1x64xi32, #tpu.memory_space<vmem>>
          %dma_wait3A_470 = tpu.memref_squeeze %dma_wait3A_469 : memref<1x64xi32, #tpu.memory_space<vmem>> -> memref<64xi32, #tpu.memory_space<vmem>>
          %dma_wait3A_471 = arith.constant 0 : i32
          %dma_wait3A_472 = arith.constant 0 : i32
          %dma_wait3A_473 = tpu.memref_slice %arg12[%dma_wait3A_471, %dma_wait3A_472] : memref<10016x128xf32, #tpu.memory_space<vmem_shared>> -> memref<10016x128xf32, #tpu.memory_space<vmem_shared>>
          tpu.wait_indirect_dma semaphore(%arg14 : memref<!tpu.dma_semaphore, #tpu.memory_space<semaphore_mem>>) src(%dma_wait3A_463 : memref<64x128xf32, #tpu.memory_space<vmem>>) dst(%dma_wait3A_473 : memref<10016x128xf32, #tpu.memory_space<vmem_shared>>)
        } else {
        }
        %dma_start3A_323 = arith.constant 3 : i32
        %dma_start3A_324 = arith.constant 0 : i32
        %dma_start3A_325 = arith.constant 0 : i32
        %dma_start3A_326 = tpu.memref_slice %arg10[%dma_start3A_323, %dma_start3A_324, %dma_start3A_325] : memref<4x64x128xf32, #tpu.memory_space<vmem>> -> memref<1x64x128xf32, #tpu.memory_space<vmem>>
        %dma_start3A_327 = tpu.memref_squeeze %dma_start3A_326 : memref<1x64x128xf32, #tpu.memory_space<vmem>> -> memref<64x128xf32, #tpu.memory_space<vmem>>
        %dma_start3A_328 = arith.constant 0 : i32
        %dma_start3A_329 = arith.constant 0 : i32
        %dma_start3A_330 = tpu.memref_slice %arg8[%scan3A_163, %dma_start3A_328, %dma_start3A_329] : memref<2x32x64xi32, #tpu.memory_space<vmem>> -> memref<1x32x64xi32, #tpu.memory_space<vmem>>
        %dma_start3A_331 = tpu.memref_squeeze %dma_start3A_330 : memref<1x32x64xi32, #tpu.memory_space<vmem>> -> memref<32x64xi32, #tpu.memory_space<vmem>>
        %dma_start3A_332 = arith.constant 0 : i32
        %dma_start3A_333 = tpu.memref_slice %dma_start3A_331[%sub3A_286, %dma_start3A_332] : memref<32x64xi32, #tpu.memory_space<vmem>> -> memref<1x64xi32, #tpu.memory_space<vmem>>
        %dma_start3A_334 = tpu.memref_squeeze %dma_start3A_333 : memref<1x64xi32, #tpu.memory_space<vmem>> -> memref<64xi32, #tpu.memory_space<vmem>>
        %dma_start3A_335 = arith.constant 0 : i32
        %dma_start3A_336 = arith.constant 0 : i32
        %dma_start3A_337 = tpu.memref_slice %arg2[%dma_start3A_335, %dma_start3A_336] : memref<20000x128xf32, #tpu.memory_space<hbm>> -> memref<20000x128xf32, #tpu.memory_space<hbm>>
        tpu.enqueue_indirect_dma source(%dma_start3A_337 : memref<20000x128xf32, #tpu.memory_space<hbm>>) target(%dma_start3A_327 : memref<64x128xf32, #tpu.memory_space<vmem>>) offsets(%dma_start3A_334 : memref<64xi32, #tpu.memory_space<vmem>>) semaphore(%arg13 : memref<!tpu.dma_semaphore, #tpu.memory_space<semaphore_mem>>)
        %mul3A_338 = arith.constant 4 : i32
        %mul3A_339 = arith.muli %scan3A_219, %mul3A_338 : i32
        %add3A_340 = arith.constant 2 : i32
        %add3A_341 = arith.addi %mul3A_339, %add3A_340 : i32
        %add3A_342 = arith.constant 4 : i32
        %add3A_343 = arith.addi %add3A_341, %add3A_342 : i32
        %sub3A_344 = arith.constant 2 : i32
        %sub3A_345 = arith.subi %add3A_343, %sub3A_344 : i32
        %dma_wait3A_346 = arith.constant 0 : i32
        %dma_wait3A_347 = arith.constant 2 : i32
        %dma_wait3A_348 = arith.constant 0 : i32
        %dma_wait3A_349 = arith.constant 0 : i32
        %dma_wait3A_350 = tpu.memref_slice %arg10[%dma_wait3A_347, %dma_wait3A_348, %dma_wait3A_349] : memref<4x64x128xf32, #tpu.memory_space<vmem>> -> memref<1x64x128xf32, #tpu.memory_space<vmem>>
        %dma_wait3A_351 = tpu.memref_squeeze %dma_wait3A_350 : memref<1x64x128xf32, #tpu.memory_space<vmem>> -> memref<64x128xf32, #tpu.memory_space<vmem>>
        %dma_wait3A_352 = arith.constant 0 : i32
        %dma_wait3A_353 = arith.constant 0 : i32
        %dma_wait3A_354 = tpu.memref_slice %arg8[%scan3A_163, %dma_wait3A_352, %dma_wait3A_353] : memref<2x32x64xi32, #tpu.memory_space<vmem>> -> memref<1x32x64xi32, #tpu.memory_space<vmem>>
        %dma_wait3A_355 = tpu.memref_squeeze %dma_wait3A_354 : memref<1x32x64xi32, #tpu.memory_space<vmem>> -> memref<32x64xi32, #tpu.memory_space<vmem>>
        %dma_wait3A_356 = arith.constant 0 : i32
        %dma_wait3A_357 = tpu.memref_slice %dma_wait3A_355[%dma_wait3A_346, %dma_wait3A_356] : memref<32x64xi32, #tpu.memory_space<vmem>> -> memref<1x64xi32, #tpu.memory_space<vmem>>
        %dma_wait3A_358 = tpu.memref_squeeze %dma_wait3A_357 : memref<1x64xi32, #tpu.memory_space<vmem>> -> memref<64xi32, #tpu.memory_space<vmem>>
        %dma_wait3A_359 = arith.constant 0 : i32
        %dma_wait3A_360 = arith.constant 0 : i32
        %dma_wait3A_361 = tpu.memref_slice %arg2[%dma_wait3A_359, %dma_wait3A_360] : memref<20000x128xf32, #tpu.memory_space<hbm>> -> memref<20000x128xf32, #tpu.memory_space<hbm>>
        tpu.wait_indirect_dma semaphore(%arg13 : memref<!tpu.dma_semaphore, #tpu.memory_space<semaphore_mem>>) src(%dma_wait3A_361 : memref<20000x128xf32, #tpu.memory_space<hbm>>) dst(%dma_wait3A_351 : memref<64x128xf32, #tpu.memory_space<vmem>>)
        %dma_start3A_362 = arith.constant 2 : i32
        %dma_start3A_363 = arith.constant 0 : i32
        %dma_start3A_364 = arith.constant 0 : i32
        %dma_start3A_365 = tpu.memref_slice %arg10[%dma_start3A_362, %dma_start3A_363, %dma_start3A_364] : memref<4x64x128xf32, #tpu.memory_space<vmem>> -> memref<1x64x128xf32, #tpu.memory_space<vmem>>
        %dma_start3A_366 = tpu.memref_squeeze %dma_start3A_365 : memref<1x64x128xf32, #tpu.memory_space<vmem>> -> memref<64x128xf32, #tpu.memory_space<vmem>>
        %dma_start3A_367 = arith.constant 0 : i32
        %dma_start3A_368 = arith.constant 0 : i32
        %dma_start3A_369 = tpu.memref_slice %arg9[%scan3A_164, %dma_start3A_367, %dma_start3A_368] : memref<2x32x64xi32, #tpu.memory_space<vmem>> -> memref<1x32x64xi32, #tpu.memory_space<vmem>>
        %dma_start3A_370 = tpu.memref_squeeze %dma_start3A_369 : memref<1x32x64xi32, #tpu.memory_space<vmem>> -> memref<32x64xi32, #tpu.memory_space<vmem>>
        %dma_start3A_371 = arith.constant 0 : i32
        %dma_start3A_372 = tpu.memref_slice %dma_start3A_370[%add3A_341, %dma_start3A_371] : memref<32x64xi32, #tpu.memory_space<vmem>> -> memref<1x64xi32, #tpu.memory_space<vmem>>
        %dma_start3A_373 = tpu.memref_squeeze %dma_start3A_372 : memref<1x64xi32, #tpu.memory_space<vmem>> -> memref<64xi32, #tpu.memory_space<vmem>>
        %dma_start3A_374 = arith.constant 0 : i32
        %dma_start3A_375 = arith.constant 0 : i32
        %dma_start3A_376 = tpu.memref_slice %arg12[%dma_start3A_374, %dma_start3A_375] : memref<10016x128xf32, #tpu.memory_space<vmem_shared>> -> memref<10016x128xf32, #tpu.memory_space<vmem_shared>>
        tpu.enqueue_indirect_dma source(%dma_start3A_366 : memref<64x128xf32, #tpu.memory_space<vmem>>) target(%dma_start3A_376 : memref<10016x128xf32, #tpu.memory_space<vmem_shared>>) offsets(%dma_start3A_373 : memref<64xi32, #tpu.memory_space<vmem>>) semaphore(%arg14 : memref<!tpu.dma_semaphore, #tpu.memory_space<semaphore_mem>>) {add = true}
        %dma_wait3A_377 = arith.constant 0 : i32
        %dma_wait3A_378 = arith.constant 0 : i32
        %dma_wait3A_379 = arith.constant 0 : i32
        %dma_wait3A_380 = arith.constant 0 : i32
        %dma_wait3A_381 = tpu.memref_slice %arg10[%dma_wait3A_377, %dma_wait3A_379, %dma_wait3A_380] : memref<4x64x128xf32, #tpu.memory_space<vmem>> -> memref<1x64x128xf32, #tpu.memory_space<vmem>>
        %dma_wait3A_382 = tpu.memref_squeeze %dma_wait3A_381 : memref<1x64x128xf32, #tpu.memory_space<vmem>> -> memref<64x128xf32, #tpu.memory_space<vmem>>
        %dma_wait3A_383 = arith.constant 0 : i32
        %dma_wait3A_384 = arith.constant 0 : i32
        %dma_wait3A_385 = tpu.memref_slice %arg9[%scan3A_164, %dma_wait3A_383, %dma_wait3A_384] : memref<2x32x64xi32, #tpu.memory_space<vmem>> -> memref<1x32x64xi32, #tpu.memory_space<vmem>>
        %dma_wait3A_386 = tpu.memref_squeeze %dma_wait3A_385 : memref<1x32x64xi32, #tpu.memory_space<vmem>> -> memref<32x64xi32, #tpu.memory_space<vmem>>
        %dma_wait3A_387 = arith.constant 0 : i32
        %dma_wait3A_388 = tpu.memref_slice %dma_wait3A_386[%dma_wait3A_378, %dma_wait3A_387] : memref<32x64xi32, #tpu.memory_space<vmem>> -> memref<1x64xi32, #tpu.memory_space<vmem>>
        %dma_wait3A_389 = tpu.memref_squeeze %dma_wait3A_388 : memref<1x64xi32, #tpu.memory_space<vmem>> -> memref<64xi32, #tpu.memory_space<vmem>>
        %dma_wait3A_390 = arith.constant 0 : i32
        %dma_wait3A_391 = arith.constant 0 : i32
        %dma_wait3A_392 = tpu.memref_slice %arg12[%dma_wait3A_390, %dma_wait3A_391] : memref<10016x128xf32, #tpu.memory_space<vmem_shared>> -> memref<10016x128xf32, #tpu.memory_space<vmem_shared>>
        tpu.wait_indirect_dma semaphore(%arg14 : memref<!tpu.dma_semaphore, #tpu.memory_space<semaphore_mem>>) src(%dma_wait3A_382 : memref<64x128xf32, #tpu.memory_space<vmem>>) dst(%dma_wait3A_392 : memref<10016x128xf32, #tpu.memory_space<vmem_shared>>)
        %lt3A_393 = arith.constant 7 : i32
        %lt3A_394 = arith.cmpi slt, %scan3A_219, %lt3A_393 : i32
        %convert_element_type3A_395 = arith.extui %lt3A_394 : i1 to i32
        %cond3A_396 = arith.constant 0 : i32
        %cond3A_397 = arith.cmpi ne, %convert_element_type3A_395, %cond3A_396 : i32
        scf.if %cond3A_397 {
          %dma_start3A_458 = arith.constant 0 : i32
          %dma_start3A_459 = arith.constant 0 : i32
          %dma_start3A_460 = arith.constant 0 : i32
          %dma_start3A_461 = tpu.memref_slice %arg10[%dma_start3A_458, %dma_start3A_459, %dma_start3A_460] : memref<4x64x128xf32, #tpu.memory_space<vmem>> -> memref<1x64x128xf32, #tpu.memory_space<vmem>>
          %dma_start3A_462 = tpu.memref_squeeze %dma_start3A_461 : memref<1x64x128xf32, #tpu.memory_space<vmem>> -> memref<64x128xf32, #tpu.memory_space<vmem>>
          %dma_start3A_463 = arith.constant 0 : i32
          %dma_start3A_464 = arith.constant 0 : i32
          %dma_start3A_465 = tpu.memref_slice %arg8[%scan3A_163, %dma_start3A_463, %dma_start3A_464] : memref<2x32x64xi32, #tpu.memory_space<vmem>> -> memref<1x32x64xi32, #tpu.memory_space<vmem>>
          %dma_start3A_466 = tpu.memref_squeeze %dma_start3A_465 : memref<1x32x64xi32, #tpu.memory_space<vmem>> -> memref<32x64xi32, #tpu.memory_space<vmem>>
          %dma_start3A_467 = arith.constant 0 : i32
          %dma_start3A_468 = tpu.memref_slice %dma_start3A_466[%sub3A_345, %dma_start3A_467] : memref<32x64xi32, #tpu.memory_space<vmem>> -> memref<1x64xi32, #tpu.memory_space<vmem>>
          %dma_start3A_469 = tpu.memref_squeeze %dma_start3A_468 : memref<1x64xi32, #tpu.memory_space<vmem>> -> memref<64xi32, #tpu.memory_space<vmem>>
          %dma_start3A_470 = arith.constant 0 : i32
          %dma_start3A_471 = arith.constant 0 : i32
          %dma_start3A_472 = tpu.memref_slice %arg2[%dma_start3A_470, %dma_start3A_471] : memref<20000x128xf32, #tpu.memory_space<hbm>> -> memref<20000x128xf32, #tpu.memory_space<hbm>>
          tpu.enqueue_indirect_dma source(%dma_start3A_472 : memref<20000x128xf32, #tpu.memory_space<hbm>>) target(%dma_start3A_462 : memref<64x128xf32, #tpu.memory_space<vmem>>) offsets(%dma_start3A_469 : memref<64xi32, #tpu.memory_space<vmem>>) semaphore(%arg13 : memref<!tpu.dma_semaphore, #tpu.memory_space<semaphore_mem>>)
        } else {
        }
        %mul3A_398 = arith.constant 4 : i32
        %mul3A_399 = arith.muli %scan3A_219, %mul3A_398 : i32
        %add3A_400 = arith.constant 3 : i32
        %add3A_401 = arith.addi %mul3A_399, %add3A_400 : i32
        %add3A_402 = arith.constant 4 : i32
        %add3A_403 = arith.addi %add3A_401, %add3A_402 : i32
        %sub3A_404 = arith.constant 2 : i32
        %sub3A_405 = arith.subi %add3A_403, %sub3A_404 : i32
        %dma_wait3A_406 = arith.constant 0 : i32
        %dma_wait3A_407 = arith.constant 3 : i32
        %dma_wait3A_408 = arith.constant 0 : i32
        %dma_wait3A_409 = arith.constant 0 : i32
        %dma_wait3A_410 = tpu.memref_slice %arg10[%dma_wait3A_407, %dma_wait3A_408, %dma_wait3A_409] : memref<4x64x128xf32, #tpu.memory_space<vmem>> -> memref<1x64x128xf32, #tpu.memory_space<vmem>>
        %dma_wait3A_411 = tpu.memref_squeeze %dma_wait3A_410 : memref<1x64x128xf32, #tpu.memory_space<vmem>> -> memref<64x128xf32, #tpu.memory_space<vmem>>
        %dma_wait3A_412 = arith.constant 0 : i32
        %dma_wait3A_413 = arith.constant 0 : i32
        %dma_wait3A_414 = tpu.memref_slice %arg8[%scan3A_163, %dma_wait3A_412, %dma_wait3A_413] : memref<2x32x64xi32, #tpu.memory_space<vmem>> -> memref<1x32x64xi32, #tpu.memory_space<vmem>>
        %dma_wait3A_415 = tpu.memref_squeeze %dma_wait3A_414 : memref<1x32x64xi32, #tpu.memory_space<vmem>> -> memref<32x64xi32, #tpu.memory_space<vmem>>
        %dma_wait3A_416 = arith.constant 0 : i32
        %dma_wait3A_417 = tpu.memref_slice %dma_wait3A_415[%dma_wait3A_406, %dma_wait3A_416] : memref<32x64xi32, #tpu.memory_space<vmem>> -> memref<1x64xi32, #tpu.memory_space<vmem>>
        %dma_wait3A_418 = tpu.memref_squeeze %dma_wait3A_417 : memref<1x64xi32, #tpu.memory_space<vmem>> -> memref<64xi32, #tpu.memory_space<vmem>>
        %dma_wait3A_419 = arith.constant 0 : i32
        %dma_wait3A_420 = arith.constant 0 : i32
        %dma_wait3A_421 = tpu.memref_slice %arg2[%dma_wait3A_419, %dma_wait3A_420] : memref<20000x128xf32, #tpu.memory_space<hbm>> -> memref<20000x128xf32, #tpu.memory_space<hbm>>
        tpu.wait_indirect_dma semaphore(%arg13 : memref<!tpu.dma_semaphore, #tpu.memory_space<semaphore_mem>>) src(%dma_wait3A_421 : memref<20000x128xf32, #tpu.memory_space<hbm>>) dst(%dma_wait3A_411 : memref<64x128xf32, #tpu.memory_space<vmem>>)
        %dma_start3A_422 = arith.constant 3 : i32
        %dma_start3A_423 = arith.constant 0 : i32
        %dma_start3A_424 = arith.constant 0 : i32
        %dma_start3A_425 = tpu.memref_slice %arg10[%dma_start3A_422, %dma_start3A_423, %dma_start3A_424] : memref<4x64x128xf32, #tpu.memory_space<vmem>> -> memref<1x64x128xf32, #tpu.memory_space<vmem>>
        %dma_start3A_426 = tpu.memref_squeeze %dma_start3A_425 : memref<1x64x128xf32, #tpu.memory_space<vmem>> -> memref<64x128xf32, #tpu.memory_space<vmem>>
        %dma_start3A_427 = arith.constant 0 : i32
        %dma_start3A_428 = arith.constant 0 : i32
        %dma_start3A_429 = tpu.memref_slice %arg9[%scan3A_164, %dma_start3A_427, %dma_start3A_428] : memref<2x32x64xi32, #tpu.memory_space<vmem>> -> memref<1x32x64xi32, #tpu.memory_space<vmem>>
        %dma_start3A_430 = tpu.memref_squeeze %dma_start3A_429 : memref<1x32x64xi32, #tpu.memory_space<vmem>> -> memref<32x64xi32, #tpu.memory_space<vmem>>
        %dma_start3A_431 = arith.constant 0 : i32
        %dma_start3A_432 = tpu.memref_slice %dma_start3A_430[%add3A_401, %dma_start3A_431] : memref<32x64xi32, #tpu.memory_space<vmem>> -> memref<1x64xi32, #tpu.memory_space<vmem>>
        %dma_start3A_433 = tpu.memref_squeeze %dma_start3A_432 : memref<1x64xi32, #tpu.memory_space<vmem>> -> memref<64xi32, #tpu.memory_space<vmem>>
        %dma_start3A_434 = arith.constant 0 : i32
        %dma_start3A_435 = arith.constant 0 : i32
        %dma_start3A_436 = tpu.memref_slice %arg12[%dma_start3A_434, %dma_start3A_435] : memref<10016x128xf32, #tpu.memory_space<vmem_shared>> -> memref<10016x128xf32, #tpu.memory_space<vmem_shared>>
        tpu.enqueue_indirect_dma source(%dma_start3A_426 : memref<64x128xf32, #tpu.memory_space<vmem>>) target(%dma_start3A_436 : memref<10016x128xf32, #tpu.memory_space<vmem_shared>>) offsets(%dma_start3A_433 : memref<64xi32, #tpu.memory_space<vmem>>) semaphore(%arg14 : memref<!tpu.dma_semaphore, #tpu.memory_space<semaphore_mem>>) {add = true}
        %dma_wait3A_437 = arith.constant 1 : i32
        %dma_wait3A_438 = arith.constant 0 : i32
        %dma_wait3A_439 = arith.constant 0 : i32
        %dma_wait3A_440 = arith.constant 0 : i32
        %dma_wait3A_441 = tpu.memref_slice %arg10[%dma_wait3A_437, %dma_wait3A_439, %dma_wait3A_440] : memref<4x64x128xf32, #tpu.memory_space<vmem>> -> memref<1x64x128xf32, #tpu.memory_space<vmem>>
        %dma_wait3A_442 = tpu.memref_squeeze %dma_wait3A_441 : memref<1x64x128xf32, #tpu.memory_space<vmem>> -> memref<64x128xf32, #tpu.memory_space<vmem>>
        %dma_wait3A_443 = arith.constant 0 : i32
        %dma_wait3A_444 = arith.constant 0 : i32
        %dma_wait3A_445 = tpu.memref_slice %arg9[%scan3A_164, %dma_wait3A_443, %dma_wait3A_444] : memref<2x32x64xi32, #tpu.memory_space<vmem>> -> memref<1x32x64xi32, #tpu.memory_space<vmem>>
        %dma_wait3A_446 = tpu.memref_squeeze %dma_wait3A_445 : memref<1x32x64xi32, #tpu.memory_space<vmem>> -> memref<32x64xi32, #tpu.memory_space<vmem>>
        %dma_wait3A_447 = arith.constant 0 : i32
        %dma_wait3A_448 = tpu.memref_slice %dma_wait3A_446[%dma_wait3A_438, %dma_wait3A_447] : memref<32x64xi32, #tpu.memory_space<vmem>> -> memref<1x64xi32, #tpu.memory_space<vmem>>
        %dma_wait3A_449 = tpu.memref_squeeze %dma_wait3A_448 : memref<1x64xi32, #tpu.memory_space<vmem>> -> memref<64xi32, #tpu.memory_space<vmem>>
        %dma_wait3A_450 = arith.constant 0 : i32
        %dma_wait3A_451 = arith.constant 0 : i32
        %dma_wait3A_452 = tpu.memref_slice %arg12[%dma_wait3A_450, %dma_wait3A_451] : memref<10016x128xf32, #tpu.memory_space<vmem_shared>> -> memref<10016x128xf32, #tpu.memory_space<vmem_shared>>
        tpu.wait_indirect_dma semaphore(%arg14 : memref<!tpu.dma_semaphore, #tpu.memory_space<semaphore_mem>>) src(%dma_wait3A_442 : memref<64x128xf32, #tpu.memory_space<vmem>>) dst(%dma_wait3A_452 : memref<10016x128xf32, #tpu.memory_space<vmem_shared>>)
        %lt3A_453 = arith.constant 7 : i32
        %lt3A_454 = arith.cmpi slt, %scan3A_219, %lt3A_453 : i32
        %convert_element_type3A_455 = arith.extui %lt3A_454 : i1 to i32
        %cond3A_456 = arith.constant 0 : i32
        %cond3A_457 = arith.cmpi ne, %convert_element_type3A_455, %cond3A_456 : i32
        scf.if %cond3A_457 {
          %dma_start3A_458 = arith.constant 1 : i32
          %dma_start3A_459 = arith.constant 0 : i32
          %dma_start3A_460 = arith.constant 0 : i32
          %dma_start3A_461 = tpu.memref_slice %arg10[%dma_start3A_458, %dma_start3A_459, %dma_start3A_460] : memref<4x64x128xf32, #tpu.memory_space<vmem>> -> memref<1x64x128xf32, #tpu.memory_space<vmem>>
          %dma_start3A_462 = tpu.memref_squeeze %dma_start3A_461 : memref<1x64x128xf32, #tpu.memory_space<vmem>> -> memref<64x128xf32, #tpu.memory_space<vmem>>
          %dma_start3A_463 = arith.constant 0 : i32
          %dma_start3A_464 = arith.constant 0 : i32
          %dma_start3A_465 = tpu.memref_slice %arg8[%scan3A_163, %dma_start3A_463, %dma_start3A_464] : memref<2x32x64xi32, #tpu.memory_space<vmem>> -> memref<1x32x64xi32, #tpu.memory_space<vmem>>
          %dma_start3A_466 = tpu.memref_squeeze %dma_start3A_465 : memref<1x32x64xi32, #tpu.memory_space<vmem>> -> memref<32x64xi32, #tpu.memory_space<vmem>>
          %dma_start3A_467 = arith.constant 0 : i32
          %dma_start3A_468 = tpu.memref_slice %dma_start3A_466[%sub3A_405, %dma_start3A_467] : memref<32x64xi32, #tpu.memory_space<vmem>> -> memref<1x64xi32, #tpu.memory_space<vmem>>
          %dma_start3A_469 = tpu.memref_squeeze %dma_start3A_468 : memref<1x64xi32, #tpu.memory_space<vmem>> -> memref<64xi32, #tpu.memory_space<vmem>>
          %dma_start3A_470 = arith.constant 0 : i32
          %dma_start3A_471 = arith.constant 0 : i32
          %dma_start3A_472 = tpu.memref_slice %arg2[%dma_start3A_470, %dma_start3A_471] : memref<20000x128xf32, #tpu.memory_space<hbm>> -> memref<20000x128xf32, #tpu.memory_space<hbm>>
          tpu.enqueue_indirect_dma source(%dma_start3A_472 : memref<20000x128xf32, #tpu.memory_space<hbm>>) target(%dma_start3A_462 : memref<64x128xf32, #tpu.memory_space<vmem>>) offsets(%dma_start3A_469 : memref<64xi32, #tpu.memory_space<vmem>>) semaphore(%arg13 : memref<!tpu.dma_semaphore, #tpu.memory_space<semaphore_mem>>)
        } else {
        }
      }
      %scan3A_169 = arith.constant 8 : i32
      %dma_wait3A_170 = arith.constant 2 : i32
      %dma_wait3A_171 = arith.constant 0 : i32
      %dma_wait3A_172 = arith.constant 0 : i32
      %dma_wait3A_173 = arith.constant 0 : i32
      %dma_wait3A_174 = arith.constant 0 : i32
      %dma_wait3A_175 = tpu.memref_slice %arg10[%dma_wait3A_170, %dma_wait3A_173, %dma_wait3A_174] : memref<4x64x128xf32, #tpu.memory_space<vmem>> -> memref<1x64x128xf32, #tpu.memory_space<vmem>>
      %dma_wait3A_176 = tpu.memref_squeeze %dma_wait3A_175 : memref<1x64x128xf32, #tpu.memory_space<vmem>> -> memref<64x128xf32, #tpu.memory_space<vmem>>
      %dma_wait3A_177 = arith.constant 0 : i32
      %dma_wait3A_178 = arith.constant 0 : i32
      %dma_wait3A_179 = tpu.memref_slice %arg9[%dma_wait3A_171, %dma_wait3A_177, %dma_wait3A_178] : memref<2x32x64xi32, #tpu.memory_space<vmem>> -> memref<1x32x64xi32, #tpu.memory_space<vmem>>
      %dma_wait3A_180 = tpu.memref_squeeze %dma_wait3A_179 : memref<1x32x64xi32, #tpu.memory_space<vmem>> -> memref<32x64xi32, #tpu.memory_space<vmem>>
      %dma_wait3A_181 = arith.constant 0 : i32
      %dma_wait3A_182 = tpu.memref_slice %dma_wait3A_180[%dma_wait3A_172, %dma_wait3A_181] : memref<32x64xi32, #tpu.memory_space<vmem>> -> memref<1x64xi32, #tpu.memory_space<vmem>>
      %dma_wait3A_183 = tpu.memref_squeeze %dma_wait3A_182 : memref<1x64xi32, #tpu.memory_space<vmem>> -> memref<64xi32, #tpu.memory_space<vmem>>
      %dma_wait3A_184 = arith.constant 0 : i32
      %dma_wait3A_185 = arith.constant 0 : i32
      %dma_wait3A_186 = tpu.memref_slice %arg12[%dma_wait3A_184, %dma_wait3A_185] : memref<10016x128xf32, #tpu.memory_space<vmem_shared>> -> memref<10016x128xf32, #tpu.memory_space<vmem_shared>>
      tpu.wait_indirect_dma semaphore(%arg14 : memref<!tpu.dma_semaphore, #tpu.memory_space<semaphore_mem>>) src(%dma_wait3A_176 : memref<64x128xf32, #tpu.memory_space<vmem>>) dst(%dma_wait3A_186 : memref<10016x128xf32, #tpu.memory_space<vmem_shared>>)
      %dma_wait3A_187 = arith.constant 3 : i32
      %dma_wait3A_188 = arith.constant 0 : i32
      %dma_wait3A_189 = arith.constant 0 : i32
      %dma_wait3A_190 = arith.constant 0 : i32
      %dma_wait3A_191 = arith.constant 0 : i32
      %dma_wait3A_192 = tpu.memref_slice %arg10[%dma_wait3A_187, %dma_wait3A_190, %dma_wait3A_191] : memref<4x64x128xf32, #tpu.memory_space<vmem>> -> memref<1x64x128xf32, #tpu.memory_space<vmem>>
      %dma_wait3A_193 = tpu.memref_squeeze %dma_wait3A_192 : memref<1x64x128xf32, #tpu.memory_space<vmem>> -> memref<64x128xf32, #tpu.memory_space<vmem>>
      %dma_wait3A_194 = arith.constant 0 : i32
      %dma_wait3A_195 = arith.constant 0 : i32
      %dma_wait3A_196 = tpu.memref_slice %arg9[%dma_wait3A_188, %dma_wait3A_194, %dma_wait3A_195] : memref<2x32x64xi32, #tpu.memory_space<vmem>> -> memref<1x32x64xi32, #tpu.memory_space<vmem>>
      %dma_wait3A_197 = tpu.memref_squeeze %dma_wait3A_196 : memref<1x32x64xi32, #tpu.memory_space<vmem>> -> memref<32x64xi32, #tpu.memory_space<vmem>>
      %dma_wait3A_198 = arith.constant 0 : i32
      %dma_wait3A_199 = tpu.memref_slice %dma_wait3A_197[%dma_wait3A_189, %dma_wait3A_198] : memref<32x64xi32, #tpu.memory_space<vmem>> -> memref<1x64xi32, #tpu.memory_space<vmem>>
      %dma_wait3A_200 = tpu.memref_squeeze %dma_wait3A_199 : memref<1x64xi32, #tpu.memory_space<vmem>> -> memref<64xi32, #tpu.memory_space<vmem>>
      %dma_wait3A_201 = arith.constant 0 : i32
      %dma_wait3A_202 = arith.constant 0 : i32
      %dma_wait3A_203 = tpu.memref_slice %arg12[%dma_wait3A_201, %dma_wait3A_202] : memref<10016x128xf32, #tpu.memory_space<vmem_shared>> -> memref<10016x128xf32, #tpu.memory_space<vmem_shared>>
      tpu.wait_indirect_dma semaphore(%arg14 : memref<!tpu.dma_semaphore, #tpu.memory_space<semaphore_mem>>) src(%dma_wait3A_193 : memref<64x128xf32, #tpu.memory_space<vmem>>) dst(%dma_wait3A_203 : memref<10016x128xf32, #tpu.memory_space<vmem_shared>>)
      %add3A_204 = arith.constant 2 : i32
      %add3A_205 = arith.addi %mul3A_121, %add3A_204 : i32
      %lt3A = arith.cmpi slt, %add3A_205, %squeeze3A : i32
      %convert_element_type3A_206 = arith.extui %lt3A : i1 to i32
      %cond3A_207 = arith.constant 0 : i32
      %cond3A_208 = arith.cmpi ne, %convert_element_type3A_206, %cond3A_207 : i32
      scf.if %cond3A_208 {
        %add3A_219 = arith.constant 2 : i32
        %add3A_220 = arith.addi %mul3A_121, %add3A_219 : i32
        %mul3A_221 = arith.constant 32 : i32
        %mul3A_222 = arith.muli %add3A_220, %mul3A_221 : i32
        %dma_start3A_223 = arith.constant 0 : i32
        %dma_start3A_224 = arith.constant 0 : i32
        %dma_start3A_225 = arith.constant 0 : i32
        %dma_start3A_226 = tpu.memref_slice %arg8[%dma_start3A_223, %dma_start3A_224, %dma_start3A_225] : memref<2x32x64xi32, #tpu.memory_space<vmem>> -> memref<1x32x64xi32, #tpu.memory_space<vmem>>
        %dma_start3A_227 = tpu.memref_squeeze %dma_start3A_226 : memref<1x32x64xi32, #tpu.memory_space<vmem>> -> memref<32x64xi32, #tpu.memory_space<vmem>>
        %dma_start3A_228 = arith.constant 0 : i32
        %dma_start3A_229 = tpu.memref_slice %arg4[%arg0, %arg1, %mul3A_222, %dma_start3A_228] : memref<2x16x320x64xi32, #tpu.memory_space<hbm>> -> memref<1x1x32x64xi32, #tpu.memory_space<hbm>>
        %dma_start3A_230 = tpu.memref_squeeze %dma_start3A_229 : memref<1x1x32x64xi32, #tpu.memory_space<hbm>> -> memref<32x64xi32, #tpu.memory_space<hbm>>
        %dma_start3A_231 = arith.constant 0 : i32
        %dma_start3A_232 = arith.constant 0 : i32
        %dma_start3A_233 = tpu.memref_slice %arg8[%dma_start3A_223, %dma_start3A_231, %dma_start3A_232] : memref<2x32x64xi32, #tpu.memory_space<vmem>> -> memref<1x32x64xi32, #tpu.memory_space<vmem>>
        %dma_start3A_234 = tpu.memref_squeeze %dma_start3A_233 : memref<1x32x64xi32, #tpu.memory_space<vmem>> -> memref<32x64xi32, #tpu.memory_space<vmem>>
        %dma_start3A_235 = arith.constant 0 : i32
        %dma_start3A_236 = tpu.memref_slice %arg4[%arg0, %arg1, %mul3A_222, %dma_start3A_235] : memref<2x16x320x64xi32, #tpu.memory_space<hbm>> -> memref<1x1x32x64xi32, #tpu.memory_space<hbm>>
        %dma_start3A_237 = tpu.memref_squeeze %dma_start3A_236 : memref<1x1x32x64xi32, #tpu.memory_space<hbm>> -> memref<32x64xi32, #tpu.memory_space<hbm>>
        tpu.enqueue_dma source(%dma_start3A_237 : memref<32x64xi32, #tpu.memory_space<hbm>>) target(%dma_start3A_234 : memref<32x64xi32, #tpu.memory_space<vmem>>) target_semaphore(%arg15 : memref<!tpu.dma_semaphore, #tpu.memory_space<semaphore_mem>>)
        %mul3A_238 = arith.constant 32 : i32
        %mul3A_239 = arith.muli %add3A_220, %mul3A_238 : i32
        %dma_start3A_240 = arith.constant 0 : i32
        %dma_start3A_241 = arith.constant 0 : i32
        %dma_start3A_242 = arith.constant 0 : i32
        %dma_start3A_243 = tpu.memref_slice %arg9[%dma_start3A_240, %dma_start3A_241, %dma_start3A_242] : memref<2x32x64xi32, #tpu.memory_space<vmem>> -> memref<1x32x64xi32, #tpu.memory_space<vmem>>
        %dma_start3A_244 = tpu.memref_squeeze %dma_start3A_243 : memref<1x32x64xi32, #tpu.memory_space<vmem>> -> memref<32x64xi32, #tpu.memory_space<vmem>>
        %dma_start3A_245 = arith.constant 0 : i32
        %dma_start3A_246 = tpu.memref_slice %arg5[%arg0, %arg1, %mul3A_239, %dma_start3A_245] : memref<2x16x320x64xi32, #tpu.memory_space<hbm>> -> memref<1x1x32x64xi32, #tpu.memory_space<hbm>>
        %dma_start3A_247 = tpu.memref_squeeze %dma_start3A_246 : memref<1x1x32x64xi32, #tpu.memory_space<hbm>> -> memref<32x64xi32, #tpu.memory_space<hbm>>
        %dma_start3A_248 = arith.constant 0 : i32
        %dma_start3A_249 = arith.constant 0 : i32
        %dma_start3A_250 = tpu.memref_slice %arg9[%dma_start3A_240, %dma_start3A_248, %dma_start3A_249] : memref<2x32x64xi32, #tpu.memory_space<vmem>> -> memref<1x32x64xi32, #tpu.memory_space<vmem>>
        %dma_start3A_251 = tpu.memref_squeeze %dma_start3A_250 : memref<1x32x64xi32, #tpu.memory_space<vmem>> -> memref<32x64xi32, #tpu.memory_space<vmem>>
        %dma_start3A_252 = arith.constant 0 : i32
        %dma_start3A_253 = tpu.memref_slice %arg5[%arg0, %arg1, %mul3A_239, %dma_start3A_252] : memref<2x16x320x64xi32, #tpu.memory_space<hbm>> -> memref<1x1x32x64xi32, #tpu.memory_space<hbm>>
        %dma_start3A_254 = tpu.memref_squeeze %dma_start3A_253 : memref<1x1x32x64xi32, #tpu.memory_space<hbm>> -> memref<32x64xi32, #tpu.memory_space<hbm>>
        tpu.enqueue_dma source(%dma_start3A_254 : memref<32x64xi32, #tpu.memory_space<hbm>>) target(%dma_start3A_251 : memref<32x64xi32, #tpu.memory_space<vmem>>) target_semaphore(%arg15 : memref<!tpu.dma_semaphore, #tpu.memory_space<semaphore_mem>>)
      } else {
      }
      %lt3A_209 = arith.cmpi slt, %add3A_123, %squeeze3A : i32
      %convert_element_type3A_210 = arith.extui %lt3A_209 : i1 to i32
      %cond3A_211 = arith.constant 0 : i32
      %cond3A_212 = arith.cmpi ne, %convert_element_type3A_210, %cond3A_211 : i32
      scf.if %cond3A_212 {
        %dma_wait3A_219 = arith.constant 1 : i32
        %dma_wait3A_220 = arith.constant 0 : i32
        %dma_wait3A_221 = arith.constant 0 : i32
        %dma_wait3A_222 = tpu.memref_slice %arg8[%dma_wait3A_219, %dma_wait3A_220, %dma_wait3A_221] : memref<2x32x64xi32, #tpu.memory_space<vmem>> -> memref<1x32x64xi32, #tpu.memory_space<vmem>>
        %dma_wait3A_223 = tpu.memref_squeeze %dma_wait3A_222 : memref<1x32x64xi32, #tpu.memory_space<vmem>> -> memref<32x64xi32, #tpu.memory_space<vmem>>
        %dma_wait3A_224 = arith.constant 0 : i32
        %dma_wait3A_225 = arith.constant 0 : i32
        %dma_wait3A_226 = tpu.memref_slice %arg4[%arg0, %arg1, %dma_wait3A_224, %dma_wait3A_225] : memref<2x16x320x64xi32, #tpu.memory_space<hbm>> -> memref<1x1x32x64xi32, #tpu.memory_space<hbm>>
        %dma_wait3A_227 = tpu.memref_squeeze %dma_wait3A_226 : memref<1x1x32x64xi32, #tpu.memory_space<hbm>> -> memref<32x64xi32, #tpu.memory_space<hbm>>
        %dma_wait3A_228 = arith.constant 0 : i32
        %dma_wait3A_229 = arith.constant 0 : i32
        %dma_wait3A_230 = tpu.memref_slice %arg8[%dma_wait3A_219, %dma_wait3A_228, %dma_wait3A_229] : memref<2x32x64xi32, #tpu.memory_space<vmem>> -> memref<1x32x64xi32, #tpu.memory_space<vmem>>
        %dma_wait3A_231 = tpu.memref_squeeze %dma_wait3A_230 : memref<1x32x64xi32, #tpu.memory_space<vmem>> -> memref<32x64xi32, #tpu.memory_space<vmem>>
        %dma_wait3A_232 = arith.constant 0 : i32
        %dma_wait3A_233 = arith.constant 0 : i32
        %dma_wait3A_234 = tpu.memref_slice %arg4[%arg0, %arg1, %dma_wait3A_232, %dma_wait3A_233] : memref<2x16x320x64xi32, #tpu.memory_space<hbm>> -> memref<1x1x32x64xi32, #tpu.memory_space<hbm>>
        %dma_wait3A_235 = tpu.memref_squeeze %dma_wait3A_234 : memref<1x1x32x64xi32, #tpu.memory_space<hbm>> -> memref<32x64xi32, #tpu.memory_space<hbm>>
        tpu.wait_dma2 semaphore(%arg16 : memref<!tpu.dma_semaphore, #tpu.memory_space<semaphore_mem>>) src(%dma_wait3A_235 : memref<32x64xi32, #tpu.memory_space<hbm>>) dst(%dma_wait3A_231 : memref<32x64xi32, #tpu.memory_space<vmem>>)
        %dma_wait3A_236 = arith.constant 1 : i32
        %dma_wait3A_237 = arith.constant 0 : i32
        %dma_wait3A_238 = arith.constant 0 : i32
        %dma_wait3A_239 = tpu.memref_slice %arg9[%dma_wait3A_236, %dma_wait3A_237, %dma_wait3A_238] : memref<2x32x64xi32, #tpu.memory_space<vmem>> -> memref<1x32x64xi32, #tpu.memory_space<vmem>>
        %dma_wait3A_240 = tpu.memref_squeeze %dma_wait3A_239 : memref<1x32x64xi32, #tpu.memory_space<vmem>> -> memref<32x64xi32, #tpu.memory_space<vmem>>
        %dma_wait3A_241 = arith.constant 0 : i32
        %dma_wait3A_242 = arith.constant 0 : i32
        %dma_wait3A_243 = tpu.memref_slice %arg5[%arg0, %arg1, %dma_wait3A_241, %dma_wait3A_242] : memref<2x16x320x64xi32, #tpu.memory_space<hbm>> -> memref<1x1x32x64xi32, #tpu.memory_space<hbm>>
        %dma_wait3A_244 = tpu.memref_squeeze %dma_wait3A_243 : memref<1x1x32x64xi32, #tpu.memory_space<hbm>> -> memref<32x64xi32, #tpu.memory_space<hbm>>
        %dma_wait3A_245 = arith.constant 0 : i32
        %dma_wait3A_246 = arith.constant 0 : i32
        %dma_wait3A_247 = tpu.memref_slice %arg9[%dma_wait3A_236, %dma_wait3A_245, %dma_wait3A_246] : memref<2x32x64xi32, #tpu.memory_space<vmem>> -> memref<1x32x64xi32, #tpu.memory_space<vmem>>
        %dma_wait3A_248 = tpu.memref_squeeze %dma_wait3A_247 : memref<1x32x64xi32, #tpu.memory_space<vmem>> -> memref<32x64xi32, #tpu.memory_space<vmem>>
        %dma_wait3A_249 = arith.constant 0 : i32
        %dma_wait3A_250 = arith.constant 0 : i32
        %dma_wait3A_251 = tpu.memref_slice %arg5[%arg0, %arg1, %dma_wait3A_249, %dma_wait3A_250] : memref<2x16x320x64xi32, #tpu.memory_space<hbm>> -> memref<1x1x32x64xi32, #tpu.memory_space<hbm>>
        %dma_wait3A_252 = tpu.memref_squeeze %dma_wait3A_251 : memref<1x1x32x64xi32, #tpu.memory_space<hbm>> -> memref<32x64xi32, #tpu.memory_space<hbm>>
        tpu.wait_dma2 semaphore(%arg16 : memref<!tpu.dma_semaphore, #tpu.memory_space<semaphore_mem>>) src(%dma_wait3A_252 : memref<32x64xi32, #tpu.memory_space<hbm>>) dst(%dma_wait3A_248 : memref<32x64xi32, #tpu.memory_space<vmem>>)
        %dma_start3A_253 = arith.constant 1 : i32
        %dma_start3A_254 = arith.constant 0 : i32
        %dma_start3A_255 = arith.constant 0 : i32
        %dma_start3A_256 = arith.constant 0 : i32
        %dma_start3A_257 = arith.constant 0 : i32
        %dma_start3A_258 = tpu.memref_slice %arg10[%dma_start3A_255, %dma_start3A_256, %dma_start3A_257] : memref<4x64x128xf32, #tpu.memory_space<vmem>> -> memref<1x64x128xf32, #tpu.memory_space<vmem>>
        %dma_start3A_259 = tpu.memref_squeeze %dma_start3A_258 : memref<1x64x128xf32, #tpu.memory_space<vmem>> -> memref<64x128xf32, #tpu.memory_space<vmem>>
        %dma_start3A_260 = arith.constant 0 : i32
        %dma_start3A_261 = arith.constant 0 : i32
        %dma_start3A_262 = tpu.memref_slice %arg8[%dma_start3A_253, %dma_start3A_260, %dma_start3A_261] : memref<2x32x64xi32, #tpu.memory_space<vmem>> -> memref<1x32x64xi32, #tpu.memory_space<vmem>>
        %dma_start3A_263 = tpu.memref_squeeze %dma_start3A_262 : memref<1x32x64xi32, #tpu.memory_space<vmem>> -> memref<32x64xi32, #tpu.memory_space<vmem>>
        %dma_start3A_264 = arith.constant 0 : i32
        %dma_start3A_265 = tpu.memref_slice %dma_start3A_263[%dma_start3A_254, %dma_start3A_264] : memref<32x64xi32, #tpu.memory_space<vmem>> -> memref<1x64xi32, #tpu.memory_space<vmem>>
        %dma_start3A_266 = tpu.memref_squeeze %dma_start3A_265 : memref<1x64xi32, #tpu.memory_space<vmem>> -> memref<64xi32, #tpu.memory_space<vmem>>
        %dma_start3A_267 = arith.constant 0 : i32
        %dma_start3A_268 = arith.constant 0 : i32
        %dma_start3A_269 = tpu.memref_slice %arg2[%dma_start3A_267, %dma_start3A_268] : memref<20000x128xf32, #tpu.memory_space<hbm>> -> memref<20000x128xf32, #tpu.memory_space<hbm>>
        tpu.enqueue_indirect_dma source(%dma_start3A_269 : memref<20000x128xf32, #tpu.memory_space<hbm>>) target(%dma_start3A_259 : memref<64x128xf32, #tpu.memory_space<vmem>>) offsets(%dma_start3A_266 : memref<64xi32, #tpu.memory_space<vmem>>) semaphore(%arg13 : memref<!tpu.dma_semaphore, #tpu.memory_space<semaphore_mem>>)
        %dma_start3A_270 = arith.constant 1 : i32
        %dma_start3A_271 = arith.constant 1 : i32
        %dma_start3A_272 = arith.constant 1 : i32
        %dma_start3A_273 = arith.constant 0 : i32
        %dma_start3A_274 = arith.constant 0 : i32
        %dma_start3A_275 = tpu.memref_slice %arg10[%dma_start3A_272, %dma_start3A_273, %dma_start3A_274] : memref<4x64x128xf32, #tpu.memory_space<vmem>> -> memref<1x64x128xf32, #tpu.memory_space<vmem>>
        %dma_start3A_276 = tpu.memref_squeeze %dma_start3A_275 : memref<1x64x128xf32, #tpu.memory_space<vmem>> -> memref<64x128xf32, #tpu.memory_space<vmem>>
        %dma_start3A_277 = arith.constant 0 : i32
        %dma_start3A_278 = arith.constant 0 : i32
        %dma_start3A_279 = tpu.memref_slice %arg8[%dma_start3A_270, %dma_start3A_277, %dma_start3A_278] : memref<2x32x64xi32, #tpu.memory_space<vmem>> -> memref<1x32x64xi32, #tpu.memory_space<vmem>>
        %dma_start3A_280 = tpu.memref_squeeze %dma_start3A_279 : memref<1x32x64xi32, #tpu.memory_space<vmem>> -> memref<32x64xi32, #tpu.memory_space<vmem>>
        %dma_start3A_281 = arith.constant 0 : i32
        %dma_start3A_282 = tpu.memref_slice %dma_start3A_280[%dma_start3A_271, %dma_start3A_281] : memref<32x64xi32, #tpu.memory_space<vmem>> -> memref<1x64xi32, #tpu.memory_space<vmem>>
        %dma_start3A_283 = tpu.memref_squeeze %dma_start3A_282 : memref<1x64xi32, #tpu.memory_space<vmem>> -> memref<64xi32, #tpu.memory_space<vmem>>
        %dma_start3A_284 = arith.constant 0 : i32
        %dma_start3A_285 = arith.constant 0 : i32
        %dma_start3A_286 = tpu.memref_slice %arg2[%dma_start3A_284, %dma_start3A_285] : memref<20000x128xf32, #tpu.memory_space<hbm>> -> memref<20000x128xf32, #tpu.memory_space<hbm>>
        tpu.enqueue_indirect_dma source(%dma_start3A_286 : memref<20000x128xf32, #tpu.memory_space<hbm>>) target(%dma_start3A_276 : memref<64x128xf32, #tpu.memory_space<vmem>>) offsets(%dma_start3A_283 : memref<64xi32, #tpu.memory_space<vmem>>) semaphore(%arg13 : memref<!tpu.dma_semaphore, #tpu.memory_space<semaphore_mem>>)
        %scan3A_287 = arith.constant 0 : i32
        %scan3A_288 = arith.constant 1 : i32
        %scan3A_289 = arith.constant 1 : i32
        %scan3A_290 = arith.constant 0 : i32
        %scan3A_291 = arith.constant 8 : i32
        %scan3A_292 = arith.addi %scan3A_290, %scan3A_291 : i32
        %scan3A_293 = arith.constant 1 : i32
        scf.for %scan3A_329 = %scan3A_290 to %scan3A_292 step %scan3A_293  : i32 {
          %mul3A_330 = arith.constant 4 : i32
          %mul3A_331 = arith.muli %scan3A_329, %mul3A_330 : i32
          %add3A_332 = arith.constant 0 : i32
          %add3A_333 = arith.addi %mul3A_331, %add3A_332 : i32
          %add3A_334 = arith.constant 4 : i32
          %add3A_335 = arith.addi %add3A_333, %add3A_334 : i32
          %sub3A_336 = arith.constant 2 : i32
          %sub3A_337 = arith.subi %add3A_335, %sub3A_336 : i32
          %dma_wait3A_338 = arith.constant 0 : i32
          %dma_wait3A_339 = arith.constant 0 : i32
          %dma_wait3A_340 = arith.constant 0 : i32
          %dma_wait3A_341 = arith.constant 0 : i32
          %dma_wait3A_342 = tpu.memref_slice %arg10[%dma_wait3A_339, %dma_wait3A_340, %dma_wait3A_341] : memref<4x64x128xf32, #tpu.memory_space<vmem>> -> memref<1x64x128xf32, #tpu.memory_space<vmem>>
          %dma_wait3A_343 = tpu.memref_squeeze %dma_wait3A_342 : memref<1x64x128xf32, #tpu.memory_space<vmem>> -> memref<64x128xf32, #tpu.memory_space<vmem>>
          %dma_wait3A_344 = arith.constant 0 : i32
          %dma_wait3A_345 = arith.constant 0 : i32
          %dma_wait3A_346 = tpu.memref_slice %arg8[%scan3A_288, %dma_wait3A_344, %dma_wait3A_345] : memref<2x32x64xi32, #tpu.memory_space<vmem>> -> memref<1x32x64xi32, #tpu.memory_space<vmem>>
          %dma_wait3A_347 = tpu.memref_squeeze %dma_wait3A_346 : memref<1x32x64xi32, #tpu.memory_space<vmem>> -> memref<32x64xi32, #tpu.memory_space<vmem>>
          %dma_wait3A_348 = arith.constant 0 : i32
          %dma_wait3A_349 = tpu.memref_slice %dma_wait3A_347[%dma_wait3A_338, %dma_wait3A_348] : memref<32x64xi32, #tpu.memory_space<vmem>> -> memref<1x64xi32, #tpu.memory_space<vmem>>
          %dma_wait3A_350 = tpu.memref_squeeze %dma_wait3A_349 : memref<1x64xi32, #tpu.memory_space<vmem>> -> memref<64xi32, #tpu.memory_space<vmem>>
          %dma_wait3A_351 = arith.constant 0 : i32
          %dma_wait3A_352 = arith.constant 0 : i32
          %dma_wait3A_353 = tpu.memref_slice %arg2[%dma_wait3A_351, %dma_wait3A_352] : memref<20000x128xf32, #tpu.memory_space<hbm>> -> memref<20000x128xf32, #tpu.memory_space<hbm>>
          tpu.wait_indirect_dma semaphore(%arg13 : memref<!tpu.dma_semaphore, #tpu.memory_space<semaphore_mem>>) src(%dma_wait3A_353 : memref<20000x128xf32, #tpu.memory_space<hbm>>) dst(%dma_wait3A_343 : memref<64x128xf32, #tpu.memory_space<vmem>>)
          %dma_start3A_354 = arith.constant 0 : i32
          %dma_start3A_355 = arith.constant 0 : i32
          %dma_start3A_356 = arith.constant 0 : i32
          %dma_start3A_357 = tpu.memref_slice %arg10[%dma_start3A_354, %dma_start3A_355, %dma_start3A_356] : memref<4x64x128xf32, #tpu.memory_space<vmem>> -> memref<1x64x128xf32, #tpu.memory_space<vmem>>
          %dma_start3A_358 = tpu.memref_squeeze %dma_start3A_357 : memref<1x64x128xf32, #tpu.memory_space<vmem>> -> memref<64x128xf32, #tpu.memory_space<vmem>>
          %dma_start3A_359 = arith.constant 0 : i32
          %dma_start3A_360 = arith.constant 0 : i32
          %dma_start3A_361 = tpu.memref_slice %arg9[%scan3A_289, %dma_start3A_359, %dma_start3A_360] : memref<2x32x64xi32, #tpu.memory_space<vmem>> -> memref<1x32x64xi32, #tpu.memory_space<vmem>>
          %dma_start3A_362 = tpu.memref_squeeze %dma_start3A_361 : memref<1x32x64xi32, #tpu.memory_space<vmem>> -> memref<32x64xi32, #tpu.memory_space<vmem>>
          %dma_start3A_363 = arith.constant 0 : i32
          %dma_start3A_364 = tpu.memref_slice %dma_start3A_362[%add3A_333, %dma_start3A_363] : memref<32x64xi32, #tpu.memory_space<vmem>> -> memref<1x64xi32, #tpu.memory_space<vmem>>
          %dma_start3A_365 = tpu.memref_squeeze %dma_start3A_364 : memref<1x64xi32, #tpu.memory_space<vmem>> -> memref<64xi32, #tpu.memory_space<vmem>>
          %dma_start3A_366 = arith.constant 0 : i32
          %dma_start3A_367 = arith.constant 0 : i32
          %dma_start3A_368 = tpu.memref_slice %arg12[%dma_start3A_366, %dma_start3A_367] : memref<10016x128xf32, #tpu.memory_space<vmem_shared>> -> memref<10016x128xf32, #tpu.memory_space<vmem_shared>>
          tpu.enqueue_indirect_dma source(%dma_start3A_358 : memref<64x128xf32, #tpu.memory_space<vmem>>) target(%dma_start3A_368 : memref<10016x128xf32, #tpu.memory_space<vmem_shared>>) offsets(%dma_start3A_365 : memref<64xi32, #tpu.memory_space<vmem>>) semaphore(%arg14 : memref<!tpu.dma_semaphore, #tpu.memory_space<semaphore_mem>>) {add = true}
          %gt3A_369 = arith.constant 0 : i32
          %gt3A_370 = arith.cmpi sgt, %scan3A_329, %gt3A_369 : i32
          %convert_element_type3A_371 = arith.extui %gt3A_370 : i1 to i32
          %cond3A_372 = arith.constant 0 : i32
          %cond3A_373 = arith.cmpi ne, %convert_element_type3A_371, %cond3A_372 : i32
          scf.if %cond3A_373 {
            %dma_wait3A_568 = arith.constant 2 : i32
            %dma_wait3A_569 = arith.constant 0 : i32
            %dma_wait3A_570 = arith.constant 0 : i32
            %dma_wait3A_571 = arith.constant 0 : i32
            %dma_wait3A_572 = tpu.memref_slice %arg10[%dma_wait3A_568, %dma_wait3A_570, %dma_wait3A_571] : memref<4x64x128xf32, #tpu.memory_space<vmem>> -> memref<1x64x128xf32, #tpu.memory_space<vmem>>
            %dma_wait3A_573 = tpu.memref_squeeze %dma_wait3A_572 : memref<1x64x128xf32, #tpu.memory_space<vmem>> -> memref<64x128xf32, #tpu.memory_space<vmem>>
            %dma_wait3A_574 = arith.constant 0 : i32
            %dma_wait3A_575 = arith.constant 0 : i32
            %dma_wait3A_576 = tpu.memref_slice %arg9[%scan3A_289, %dma_wait3A_574, %dma_wait3A_575] : memref<2x32x64xi32, #tpu.memory_space<vmem>> -> memref<1x32x64xi32, #tpu.memory_space<vmem>>
            %dma_wait3A_577 = tpu.memref_squeeze %dma_wait3A_576 : memref<1x32x64xi32, #tpu.memory_space<vmem>> -> memref<32x64xi32, #tpu.memory_space<vmem>>
            %dma_wait3A_578 = arith.constant 0 : i32
            %dma_wait3A_579 = tpu.memref_slice %dma_wait3A_577[%dma_wait3A_569, %dma_wait3A_578] : memref<32x64xi32, #tpu.memory_space<vmem>> -> memref<1x64xi32, #tpu.memory_space<vmem>>
            %dma_wait3A_580 = tpu.memref_squeeze %dma_wait3A_579 : memref<1x64xi32, #tpu.memory_space<vmem>> -> memref<64xi32, #tpu.memory_space<vmem>>
            %dma_wait3A_581 = arith.constant 0 : i32
            %dma_wait3A_582 = arith.constant 0 : i32
            %dma_wait3A_583 = tpu.memref_slice %arg12[%dma_wait3A_581, %dma_wait3A_582] : memref<10016x128xf32, #tpu.memory_space<vmem_shared>> -> memref<10016x128xf32, #tpu.memory_space<vmem_shared>>
            tpu.wait_indirect_dma semaphore(%arg14 : memref<!tpu.dma_semaphore, #tpu.memory_space<semaphore_mem>>) src(%dma_wait3A_573 : memref<64x128xf32, #tpu.memory_space<vmem>>) dst(%dma_wait3A_583 : memref<10016x128xf32, #tpu.memory_space<vmem_shared>>)
          } else {
          }
          %dma_start3A_374 = arith.constant 2 : i32
          %dma_start3A_375 = arith.constant 0 : i32
          %dma_start3A_376 = arith.constant 0 : i32
          %dma_start3A_377 = tpu.memref_slice %arg10[%dma_start3A_374, %dma_start3A_375, %dma_start3A_376] : memref<4x64x128xf32, #tpu.memory_space<vmem>> -> memref<1x64x128xf32, #tpu.memory_space<vmem>>
          %dma_start3A_378 = tpu.memref_squeeze %dma_start3A_377 : memref<1x64x128xf32, #tpu.memory_space<vmem>> -> memref<64x128xf32, #tpu.memory_space<vmem>>
          %dma_start3A_379 = arith.constant 0 : i32
          %dma_start3A_380 = arith.constant 0 : i32
          %dma_start3A_381 = tpu.memref_slice %arg8[%scan3A_288, %dma_start3A_379, %dma_start3A_380] : memref<2x32x64xi32, #tpu.memory_space<vmem>> -> memref<1x32x64xi32, #tpu.memory_space<vmem>>
          %dma_start3A_382 = tpu.memref_squeeze %dma_start3A_381 : memref<1x32x64xi32, #tpu.memory_space<vmem>> -> memref<32x64xi32, #tpu.memory_space<vmem>>
          %dma_start3A_383 = arith.constant 0 : i32
          %dma_start3A_384 = tpu.memref_slice %dma_start3A_382[%sub3A_337, %dma_start3A_383] : memref<32x64xi32, #tpu.memory_space<vmem>> -> memref<1x64xi32, #tpu.memory_space<vmem>>
          %dma_start3A_385 = tpu.memref_squeeze %dma_start3A_384 : memref<1x64xi32, #tpu.memory_space<vmem>> -> memref<64xi32, #tpu.memory_space<vmem>>
          %dma_start3A_386 = arith.constant 0 : i32
          %dma_start3A_387 = arith.constant 0 : i32
          %dma_start3A_388 = tpu.memref_slice %arg2[%dma_start3A_386, %dma_start3A_387] : memref<20000x128xf32, #tpu.memory_space<hbm>> -> memref<20000x128xf32, #tpu.memory_space<hbm>>
          tpu.enqueue_indirect_dma source(%dma_start3A_388 : memref<20000x128xf32, #tpu.memory_space<hbm>>) target(%dma_start3A_378 : memref<64x128xf32, #tpu.memory_space<vmem>>) offsets(%dma_start3A_385 : memref<64xi32, #tpu.memory_space<vmem>>) semaphore(%arg13 : memref<!tpu.dma_semaphore, #tpu.memory_space<semaphore_mem>>)
          %mul3A_389 = arith.constant 4 : i32
          %mul3A_390 = arith.muli %scan3A_329, %mul3A_389 : i32
          %add3A_391 = arith.constant 1 : i32
          %add3A_392 = arith.addi %mul3A_390, %add3A_391 : i32
          %add3A_393 = arith.constant 4 : i32
          %add3A_394 = arith.addi %add3A_392, %add3A_393 : i32
          %sub3A_395 = arith.constant 2 : i32
          %sub3A_396 = arith.subi %add3A_394, %sub3A_395 : i32
          %dma_wait3A_397 = arith.constant 0 : i32
          %dma_wait3A_398 = arith.constant 1 : i32
          %dma_wait3A_399 = arith.constant 0 : i32
          %dma_wait3A_400 = arith.constant 0 : i32
          %dma_wait3A_401 = tpu.memref_slice %arg10[%dma_wait3A_398, %dma_wait3A_399, %dma_wait3A_400] : memref<4x64x128xf32, #tpu.memory_space<vmem>> -> memref<1x64x128xf32, #tpu.memory_space<vmem>>
          %dma_wait3A_402 = tpu.memref_squeeze %dma_wait3A_401 : memref<1x64x128xf32, #tpu.memory_space<vmem>> -> memref<64x128xf32, #tpu.memory_space<vmem>>
          %dma_wait3A_403 = arith.constant 0 : i32
          %dma_wait3A_404 = arith.constant 0 : i32
          %dma_wait3A_405 = tpu.memref_slice %arg8[%scan3A_288, %dma_wait3A_403, %dma_wait3A_404] : memref<2x32x64xi32, #tpu.memory_space<vmem>> -> memref<1x32x64xi32, #tpu.memory_space<vmem>>
          %dma_wait3A_406 = tpu.memref_squeeze %dma_wait3A_405 : memref<1x32x64xi32, #tpu.memory_space<vmem>> -> memref<32x64xi32, #tpu.memory_space<vmem>>
          %dma_wait3A_407 = arith.constant 0 : i32
          %dma_wait3A_408 = tpu.memref_slice %dma_wait3A_406[%dma_wait3A_397, %dma_wait3A_407] : memref<32x64xi32, #tpu.memory_space<vmem>> -> memref<1x64xi32, #tpu.memory_space<vmem>>
          %dma_wait3A_409 = tpu.memref_squeeze %dma_wait3A_408 : memref<1x64xi32, #tpu.memory_space<vmem>> -> memref<64xi32, #tpu.memory_space<vmem>>
          %dma_wait3A_410 = arith.constant 0 : i32
          %dma_wait3A_411 = arith.constant 0 : i32
          %dma_wait3A_412 = tpu.memref_slice %arg2[%dma_wait3A_410, %dma_wait3A_411] : memref<20000x128xf32, #tpu.memory_space<hbm>> -> memref<20000x128xf32, #tpu.memory_space<hbm>>
          tpu.wait_indirect_dma semaphore(%arg13 : memref<!tpu.dma_semaphore, #tpu.memory_space<semaphore_mem>>) src(%dma_wait3A_412 : memref<20000x128xf32, #tpu.memory_space<hbm>>) dst(%dma_wait3A_402 : memref<64x128xf32, #tpu.memory_space<vmem>>)
          %dma_start3A_413 = arith.constant 1 : i32
          %dma_start3A_414 = arith.constant 0 : i32
          %dma_start3A_415 = arith.constant 0 : i32
          %dma_start3A_416 = tpu.memref_slice %arg10[%dma_start3A_413, %dma_start3A_414, %dma_start3A_415] : memref<4x64x128xf32, #tpu.memory_space<vmem>> -> memref<1x64x128xf32, #tpu.memory_space<vmem>>
          %dma_start3A_417 = tpu.memref_squeeze %dma_start3A_416 : memref<1x64x128xf32, #tpu.memory_space<vmem>> -> memref<64x128xf32, #tpu.memory_space<vmem>>
          %dma_start3A_418 = arith.constant 0 : i32
          %dma_start3A_419 = arith.constant 0 : i32
          %dma_start3A_420 = tpu.memref_slice %arg9[%scan3A_289, %dma_start3A_418, %dma_start3A_419] : memref<2x32x64xi32, #tpu.memory_space<vmem>> -> memref<1x32x64xi32, #tpu.memory_space<vmem>>
          %dma_start3A_421 = tpu.memref_squeeze %dma_start3A_420 : memref<1x32x64xi32, #tpu.memory_space<vmem>> -> memref<32x64xi32, #tpu.memory_space<vmem>>
          %dma_start3A_422 = arith.constant 0 : i32
          %dma_start3A_423 = tpu.memref_slice %dma_start3A_421[%add3A_392, %dma_start3A_422] : memref<32x64xi32, #tpu.memory_space<vmem>> -> memref<1x64xi32, #tpu.memory_space<vmem>>
          %dma_start3A_424 = tpu.memref_squeeze %dma_start3A_423 : memref<1x64xi32, #tpu.memory_space<vmem>> -> memref<64xi32, #tpu.memory_space<vmem>>
          %dma_start3A_425 = arith.constant 0 : i32
          %dma_start3A_426 = arith.constant 0 : i32
          %dma_start3A_427 = tpu.memref_slice %arg12[%dma_start3A_425, %dma_start3A_426] : memref<10016x128xf32, #tpu.memory_space<vmem_shared>> -> memref<10016x128xf32, #tpu.memory_space<vmem_shared>>
          tpu.enqueue_indirect_dma source(%dma_start3A_417 : memref<64x128xf32, #tpu.memory_space<vmem>>) target(%dma_start3A_427 : memref<10016x128xf32, #tpu.memory_space<vmem_shared>>) offsets(%dma_start3A_424 : memref<64xi32, #tpu.memory_space<vmem>>) semaphore(%arg14 : memref<!tpu.dma_semaphore, #tpu.memory_space<semaphore_mem>>) {add = true}
          %gt3A_428 = arith.constant 0 : i32
          %gt3A_429 = arith.cmpi sgt, %scan3A_329, %gt3A_428 : i32
          %convert_element_type3A_430 = arith.extui %gt3A_429 : i1 to i32
          %cond3A_431 = arith.constant 0 : i32
          %cond3A_432 = arith.cmpi ne, %convert_element_type3A_430, %cond3A_431 : i32
          scf.if %cond3A_432 {
            %dma_wait3A_568 = arith.constant 3 : i32
            %dma_wait3A_569 = arith.constant 0 : i32
            %dma_wait3A_570 = arith.constant 0 : i32
            %dma_wait3A_571 = arith.constant 0 : i32
            %dma_wait3A_572 = tpu.memref_slice %arg10[%dma_wait3A_568, %dma_wait3A_570, %dma_wait3A_571] : memref<4x64x128xf32, #tpu.memory_space<vmem>> -> memref<1x64x128xf32, #tpu.memory_space<vmem>>
            %dma_wait3A_573 = tpu.memref_squeeze %dma_wait3A_572 : memref<1x64x128xf32, #tpu.memory_space<vmem>> -> memref<64x128xf32, #tpu.memory_space<vmem>>
            %dma_wait3A_574 = arith.constant 0 : i32
            %dma_wait3A_575 = arith.constant 0 : i32
            %dma_wait3A_576 = tpu.memref_slice %arg9[%scan3A_289, %dma_wait3A_574, %dma_wait3A_575] : memref<2x32x64xi32, #tpu.memory_space<vmem>> -> memref<1x32x64xi32, #tpu.memory_space<vmem>>
            %dma_wait3A_577 = tpu.memref_squeeze %dma_wait3A_576 : memref<1x32x64xi32, #tpu.memory_space<vmem>> -> memref<32x64xi32, #tpu.memory_space<vmem>>
            %dma_wait3A_578 = arith.constant 0 : i32
            %dma_wait3A_579 = tpu.memref_slice %dma_wait3A_577[%dma_wait3A_569, %dma_wait3A_578] : memref<32x64xi32, #tpu.memory_space<vmem>> -> memref<1x64xi32, #tpu.memory_space<vmem>>
            %dma_wait3A_580 = tpu.memref_squeeze %dma_wait3A_579 : memref<1x64xi32, #tpu.memory_space<vmem>> -> memref<64xi32, #tpu.memory_space<vmem>>
            %dma_wait3A_581 = arith.constant 0 : i32
            %dma_wait3A_582 = arith.constant 0 : i32
            %dma_wait3A_583 = tpu.memref_slice %arg12[%dma_wait3A_581, %dma_wait3A_582] : memref<10016x128xf32, #tpu.memory_space<vmem_shared>> -> memref<10016x128xf32, #tpu.memory_space<vmem_shared>>
            tpu.wait_indirect_dma semaphore(%arg14 : memref<!tpu.dma_semaphore, #tpu.memory_space<semaphore_mem>>) src(%dma_wait3A_573 : memref<64x128xf32, #tpu.memory_space<vmem>>) dst(%dma_wait3A_583 : memref<10016x128xf32, #tpu.memory_space<vmem_shared>>)
          } else {
          }
          %dma_start3A_433 = arith.constant 3 : i32
          %dma_start3A_434 = arith.constant 0 : i32
          %dma_start3A_435 = arith.constant 0 : i32
          %dma_start3A_436 = tpu.memref_slice %arg10[%dma_start3A_433, %dma_start3A_434, %dma_start3A_435] : memref<4x64x128xf32, #tpu.memory_space<vmem>> -> memref<1x64x128xf32, #tpu.memory_space<vmem>>
          %dma_start3A_437 = tpu.memref_squeeze %dma_start3A_436 : memref<1x64x128xf32, #tpu.memory_space<vmem>> -> memref<64x128xf32, #tpu.memory_space<vmem>>
          %dma_start3A_438 = arith.constant 0 : i32
          %dma_start3A_439 = arith.constant 0 : i32
          %dma_start3A_440 = tpu.memref_slice %arg8[%scan3A_288, %dma_start3A_438, %dma_start3A_439] : memref<2x32x64xi32, #tpu.memory_space<vmem>> -> memref<1x32x64xi32, #tpu.memory_space<vmem>>
          %dma_start3A_441 = tpu.memref_squeeze %dma_start3A_440 : memref<1x32x64xi32, #tpu.memory_space<vmem>> -> memref<32x64xi32, #tpu.memory_space<vmem>>
          %dma_start3A_442 = arith.constant 0 : i32
          %dma_start3A_443 = tpu.memref_slice %dma_start3A_441[%sub3A_396, %dma_start3A_442] : memref<32x64xi32, #tpu.memory_space<vmem>> -> memref<1x64xi32, #tpu.memory_space<vmem>>
          %dma_start3A_444 = tpu.memref_squeeze %dma_start3A_443 : memref<1x64xi32, #tpu.memory_space<vmem>> -> memref<64xi32, #tpu.memory_space<vmem>>
          %dma_start3A_445 = arith.constant 0 : i32
          %dma_start3A_446 = arith.constant 0 : i32
          %dma_start3A_447 = tpu.memref_slice %arg2[%dma_start3A_445, %dma_start3A_446] : memref<20000x128xf32, #tpu.memory_space<hbm>> -> memref<20000x128xf32, #tpu.memory_space<hbm>>
          tpu.enqueue_indirect_dma source(%dma_start3A_447 : memref<20000x128xf32, #tpu.memory_space<hbm>>) target(%dma_start3A_437 : memref<64x128xf32, #tpu.memory_space<vmem>>) offsets(%dma_start3A_444 : memref<64xi32, #tpu.memory_space<vmem>>) semaphore(%arg13 : memref<!tpu.dma_semaphore, #tpu.memory_space<semaphore_mem>>)
          %mul3A_448 = arith.constant 4 : i32
          %mul3A_449 = arith.muli %scan3A_329, %mul3A_448 : i32
          %add3A_450 = arith.constant 2 : i32
          %add3A_451 = arith.addi %mul3A_449, %add3A_450 : i32
          %add3A_452 = arith.constant 4 : i32
          %add3A_453 = arith.addi %add3A_451, %add3A_452 : i32
          %sub3A_454 = arith.constant 2 : i32
          %sub3A_455 = arith.subi %add3A_453, %sub3A_454 : i32
          %dma_wait3A_456 = arith.constant 0 : i32
          %dma_wait3A_457 = arith.constant 2 : i32
          %dma_wait3A_458 = arith.constant 0 : i32
          %dma_wait3A_459 = arith.constant 0 : i32
          %dma_wait3A_460 = tpu.memref_slice %arg10[%dma_wait3A_457, %dma_wait3A_458, %dma_wait3A_459] : memref<4x64x128xf32, #tpu.memory_space<vmem>> -> memref<1x64x128xf32, #tpu.memory_space<vmem>>
          %dma_wait3A_461 = tpu.memref_squeeze %dma_wait3A_460 : memref<1x64x128xf32, #tpu.memory_space<vmem>> -> memref<64x128xf32, #tpu.memory_space<vmem>>
          %dma_wait3A_462 = arith.constant 0 : i32
          %dma_wait3A_463 = arith.constant 0 : i32
          %dma_wait3A_464 = tpu.memref_slice %arg8[%scan3A_288, %dma_wait3A_462, %dma_wait3A_463] : memref<2x32x64xi32, #tpu.memory_space<vmem>> -> memref<1x32x64xi32, #tpu.memory_space<vmem>>
          %dma_wait3A_465 = tpu.memref_squeeze %dma_wait3A_464 : memref<1x32x64xi32, #tpu.memory_space<vmem>> -> memref<32x64xi32, #tpu.memory_space<vmem>>
          %dma_wait3A_466 = arith.constant 0 : i32
          %dma_wait3A_467 = tpu.memref_slice %dma_wait3A_465[%dma_wait3A_456, %dma_wait3A_466] : memref<32x64xi32, #tpu.memory_space<vmem>> -> memref<1x64xi32, #tpu.memory_space<vmem>>
          %dma_wait3A_468 = tpu.memref_squeeze %dma_wait3A_467 : memref<1x64xi32, #tpu.memory_space<vmem>> -> memref<64xi32, #tpu.memory_space<vmem>>
          %dma_wait3A_469 = arith.constant 0 : i32
          %dma_wait3A_470 = arith.constant 0 : i32
          %dma_wait3A_471 = tpu.memref_slice %arg2[%dma_wait3A_469, %dma_wait3A_470] : memref<20000x128xf32, #tpu.memory_space<hbm>> -> memref<20000x128xf32, #tpu.memory_space<hbm>>
          tpu.wait_indirect_dma semaphore(%arg13 : memref<!tpu.dma_semaphore, #tpu.memory_space<semaphore_mem>>) src(%dma_wait3A_471 : memref<20000x128xf32, #tpu.memory_space<hbm>>) dst(%dma_wait3A_461 : memref<64x128xf32, #tpu.memory_space<vmem>>)
          %dma_start3A_472 = arith.constant 2 : i32
          %dma_start3A_473 = arith.constant 0 : i32
          %dma_start3A_474 = arith.constant 0 : i32
          %dma_start3A_475 = tpu.memref_slice %arg10[%dma_start3A_472, %dma_start3A_473, %dma_start3A_474] : memref<4x64x128xf32, #tpu.memory_space<vmem>> -> memref<1x64x128xf32, #tpu.memory_space<vmem>>
          %dma_start3A_476 = tpu.memref_squeeze %dma_start3A_475 : memref<1x64x128xf32, #tpu.memory_space<vmem>> -> memref<64x128xf32, #tpu.memory_space<vmem>>
          %dma_start3A_477 = arith.constant 0 : i32
          %dma_start3A_478 = arith.constant 0 : i32
          %dma_start3A_479 = tpu.memref_slice %arg9[%scan3A_289, %dma_start3A_477, %dma_start3A_478] : memref<2x32x64xi32, #tpu.memory_space<vmem>> -> memref<1x32x64xi32, #tpu.memory_space<vmem>>
          %dma_start3A_480 = tpu.memref_squeeze %dma_start3A_479 : memref<1x32x64xi32, #tpu.memory_space<vmem>> -> memref<32x64xi32, #tpu.memory_space<vmem>>
          %dma_start3A_481 = arith.constant 0 : i32
          %dma_start3A_482 = tpu.memref_slice %dma_start3A_480[%add3A_451, %dma_start3A_481] : memref<32x64xi32, #tpu.memory_space<vmem>> -> memref<1x64xi32, #tpu.memory_space<vmem>>
          %dma_start3A_483 = tpu.memref_squeeze %dma_start3A_482 : memref<1x64xi32, #tpu.memory_space<vmem>> -> memref<64xi32, #tpu.memory_space<vmem>>
          %dma_start3A_484 = arith.constant 0 : i32
          %dma_start3A_485 = arith.constant 0 : i32
          %dma_start3A_486 = tpu.memref_slice %arg12[%dma_start3A_484, %dma_start3A_485] : memref<10016x128xf32, #tpu.memory_space<vmem_shared>> -> memref<10016x128xf32, #tpu.memory_space<vmem_shared>>
          tpu.enqueue_indirect_dma source(%dma_start3A_476 : memref<64x128xf32, #tpu.memory_space<vmem>>) target(%dma_start3A_486 : memref<10016x128xf32, #tpu.memory_space<vmem_shared>>) offsets(%dma_start3A_483 : memref<64xi32, #tpu.memory_space<vmem>>) semaphore(%arg14 : memref<!tpu.dma_semaphore, #tpu.memory_space<semaphore_mem>>) {add = true}
          %dma_wait3A_487 = arith.constant 0 : i32
          %dma_wait3A_488 = arith.constant 0 : i32
          %dma_wait3A_489 = arith.constant 0 : i32
          %dma_wait3A_490 = arith.constant 0 : i32
          %dma_wait3A_491 = tpu.memref_slice %arg10[%dma_wait3A_487, %dma_wait3A_489, %dma_wait3A_490] : memref<4x64x128xf32, #tpu.memory_space<vmem>> -> memref<1x64x128xf32, #tpu.memory_space<vmem>>
          %dma_wait3A_492 = tpu.memref_squeeze %dma_wait3A_491 : memref<1x64x128xf32, #tpu.memory_space<vmem>> -> memref<64x128xf32, #tpu.memory_space<vmem>>
          %dma_wait3A_493 = arith.constant 0 : i32
          %dma_wait3A_494 = arith.constant 0 : i32
          %dma_wait3A_495 = tpu.memref_slice %arg9[%scan3A_289, %dma_wait3A_493, %dma_wait3A_494] : memref<2x32x64xi32, #tpu.memory_space<vmem>> -> memref<1x32x64xi32, #tpu.memory_space<vmem>>
          %dma_wait3A_496 = tpu.memref_squeeze %dma_wait3A_495 : memref<1x32x64xi32, #tpu.memory_space<vmem>> -> memref<32x64xi32, #tpu.memory_space<vmem>>
          %dma_wait3A_497 = arith.constant 0 : i32
          %dma_wait3A_498 = tpu.memref_slice %dma_wait3A_496[%dma_wait3A_488, %dma_wait3A_497] : memref<32x64xi32, #tpu.memory_space<vmem>> -> memref<1x64xi32, #tpu.memory_space<vmem>>
          %dma_wait3A_499 = tpu.memref_squeeze %dma_wait3A_498 : memref<1x64xi32, #tpu.memory_space<vmem>> -> memref<64xi32, #tpu.memory_space<vmem>>
          %dma_wait3A_500 = arith.constant 0 : i32
          %dma_wait3A_501 = arith.constant 0 : i32
          %dma_wait3A_502 = tpu.memref_slice %arg12[%dma_wait3A_500, %dma_wait3A_501] : memref<10016x128xf32, #tpu.memory_space<vmem_shared>> -> memref<10016x128xf32, #tpu.memory_space<vmem_shared>>
          tpu.wait_indirect_dma semaphore(%arg14 : memref<!tpu.dma_semaphore, #tpu.memory_space<semaphore_mem>>) src(%dma_wait3A_492 : memref<64x128xf32, #tpu.memory_space<vmem>>) dst(%dma_wait3A_502 : memref<10016x128xf32, #tpu.memory_space<vmem_shared>>)
          %lt3A_503 = arith.constant 7 : i32
          %lt3A_504 = arith.cmpi slt, %scan3A_329, %lt3A_503 : i32
          %convert_element_type3A_505 = arith.extui %lt3A_504 : i1 to i32
          %cond3A_506 = arith.constant 0 : i32
          %cond3A_507 = arith.cmpi ne, %convert_element_type3A_505, %cond3A_506 : i32
          scf.if %cond3A_507 {
            %dma_start3A_568 = arith.constant 0 : i32
            %dma_start3A_569 = arith.constant 0 : i32
            %dma_start3A_570 = arith.constant 0 : i32
            %dma_start3A_571 = tpu.memref_slice %arg10[%dma_start3A_568, %dma_start3A_569, %dma_start3A_570] : memref<4x64x128xf32, #tpu.memory_space<vmem>> -> memref<1x64x128xf32, #tpu.memory_space<vmem>>
            %dma_start3A_572 = tpu.memref_squeeze %dma_start3A_571 : memref<1x64x128xf32, #tpu.memory_space<vmem>> -> memref<64x128xf32, #tpu.memory_space<vmem>>
            %dma_start3A_573 = arith.constant 0 : i32
            %dma_start3A_574 = arith.constant 0 : i32
            %dma_start3A_575 = tpu.memref_slice %arg8[%scan3A_288, %dma_start3A_573, %dma_start3A_574] : memref<2x32x64xi32, #tpu.memory_space<vmem>> -> memref<1x32x64xi32, #tpu.memory_space<vmem>>
            %dma_start3A_576 = tpu.memref_squeeze %dma_start3A_575 : memref<1x32x64xi32, #tpu.memory_space<vmem>> -> memref<32x64xi32, #tpu.memory_space<vmem>>
            %dma_start3A_577 = arith.constant 0 : i32
            %dma_start3A_578 = tpu.memref_slice %dma_start3A_576[%sub3A_455, %dma_start3A_577] : memref<32x64xi32, #tpu.memory_space<vmem>> -> memref<1x64xi32, #tpu.memory_space<vmem>>
            %dma_start3A_579 = tpu.memref_squeeze %dma_start3A_578 : memref<1x64xi32, #tpu.memory_space<vmem>> -> memref<64xi32, #tpu.memory_space<vmem>>
            %dma_start3A_580 = arith.constant 0 : i32
            %dma_start3A_581 = arith.constant 0 : i32
            %dma_start3A_582 = tpu.memref_slice %arg2[%dma_start3A_580, %dma_start3A_581] : memref<20000x128xf32, #tpu.memory_space<hbm>> -> memref<20000x128xf32, #tpu.memory_space<hbm>>
            tpu.enqueue_indirect_dma source(%dma_start3A_582 : memref<20000x128xf32, #tpu.memory_space<hbm>>) target(%dma_start3A_572 : memref<64x128xf32, #tpu.memory_space<vmem>>) offsets(%dma_start3A_579 : memref<64xi32, #tpu.memory_space<vmem>>) semaphore(%arg13 : memref<!tpu.dma_semaphore, #tpu.memory_space<semaphore_mem>>)
          } else {
          }
          %mul3A_508 = arith.constant 4 : i32
          %mul3A_509 = arith.muli %scan3A_329, %mul3A_508 : i32
          %add3A_510 = arith.constant 3 : i32
          %add3A_511 = arith.addi %mul3A_509, %add3A_510 : i32
          %add3A_512 = arith.constant 4 : i32
          %add3A_513 = arith.addi %add3A_511, %add3A_512 : i32
          %sub3A_514 = arith.constant 2 : i32
          %sub3A_515 = arith.subi %add3A_513, %sub3A_514 : i32
          %dma_wait3A_516 = arith.constant 0 : i32
          %dma_wait3A_517 = arith.constant 3 : i32
          %dma_wait3A_518 = arith.constant 0 : i32
          %dma_wait3A_519 = arith.constant 0 : i32
          %dma_wait3A_520 = tpu.memref_slice %arg10[%dma_wait3A_517, %dma_wait3A_518, %dma_wait3A_519] : memref<4x64x128xf32, #tpu.memory_space<vmem>> -> memref<1x64x128xf32, #tpu.memory_space<vmem>>
          %dma_wait3A_521 = tpu.memref_squeeze %dma_wait3A_520 : memref<1x64x128xf32, #tpu.memory_space<vmem>> -> memref<64x128xf32, #tpu.memory_space<vmem>>
          %dma_wait3A_522 = arith.constant 0 : i32
          %dma_wait3A_523 = arith.constant 0 : i32
          %dma_wait3A_524 = tpu.memref_slice %arg8[%scan3A_288, %dma_wait3A_522, %dma_wait3A_523] : memref<2x32x64xi32, #tpu.memory_space<vmem>> -> memref<1x32x64xi32, #tpu.memory_space<vmem>>
          %dma_wait3A_525 = tpu.memref_squeeze %dma_wait3A_524 : memref<1x32x64xi32, #tpu.memory_space<vmem>> -> memref<32x64xi32, #tpu.memory_space<vmem>>
          %dma_wait3A_526 = arith.constant 0 : i32
          %dma_wait3A_527 = tpu.memref_slice %dma_wait3A_525[%dma_wait3A_516, %dma_wait3A_526] : memref<32x64xi32, #tpu.memory_space<vmem>> -> memref<1x64xi32, #tpu.memory_space<vmem>>
          %dma_wait3A_528 = tpu.memref_squeeze %dma_wait3A_527 : memref<1x64xi32, #tpu.memory_space<vmem>> -> memref<64xi32, #tpu.memory_space<vmem>>
          %dma_wait3A_529 = arith.constant 0 : i32
          %dma_wait3A_530 = arith.constant 0 : i32
          %dma_wait3A_531 = tpu.memref_slice %arg2[%dma_wait3A_529, %dma_wait3A_530] : memref<20000x128xf32, #tpu.memory_space<hbm>> -> memref<20000x128xf32, #tpu.memory_space<hbm>>
          tpu.wait_indirect_dma semaphore(%arg13 : memref<!tpu.dma_semaphore, #tpu.memory_space<semaphore_mem>>) src(%dma_wait3A_531 : memref<20000x128xf32, #tpu.memory_space<hbm>>) dst(%dma_wait3A_521 : memref<64x128xf32, #tpu.memory_space<vmem>>)
          %dma_start3A_532 = arith.constant 3 : i32
          %dma_start3A_533 = arith.constant 0 : i32
          %dma_start3A_534 = arith.constant 0 : i32
          %dma_start3A_535 = tpu.memref_slice %arg10[%dma_start3A_532, %dma_start3A_533, %dma_start3A_534] : memref<4x64x128xf32, #tpu.memory_space<vmem>> -> memref<1x64x128xf32, #tpu.memory_space<vmem>>
          %dma_start3A_536 = tpu.memref_squeeze %dma_start3A_535 : memref<1x64x128xf32, #tpu.memory_space<vmem>> -> memref<64x128xf32, #tpu.memory_space<vmem>>
          %dma_start3A_537 = arith.constant 0 : i32
          %dma_start3A_538 = arith.constant 0 : i32
          %dma_start3A_539 = tpu.memref_slice %arg9[%scan3A_289, %dma_start3A_537, %dma_start3A_538] : memref<2x32x64xi32, #tpu.memory_space<vmem>> -> memref<1x32x64xi32, #tpu.memory_space<vmem>>
          %dma_start3A_540 = tpu.memref_squeeze %dma_start3A_539 : memref<1x32x64xi32, #tpu.memory_space<vmem>> -> memref<32x64xi32, #tpu.memory_space<vmem>>
          %dma_start3A_541 = arith.constant 0 : i32
          %dma_start3A_542 = tpu.memref_slice %dma_start3A_540[%add3A_511, %dma_start3A_541] : memref<32x64xi32, #tpu.memory_space<vmem>> -> memref<1x64xi32, #tpu.memory_space<vmem>>
          %dma_start3A_543 = tpu.memref_squeeze %dma_start3A_542 : memref<1x64xi32, #tpu.memory_space<vmem>> -> memref<64xi32, #tpu.memory_space<vmem>>
          %dma_start3A_544 = arith.constant 0 : i32
          %dma_start3A_545 = arith.constant 0 : i32
          %dma_start3A_546 = tpu.memref_slice %arg12[%dma_start3A_544, %dma_start3A_545] : memref<10016x128xf32, #tpu.memory_space<vmem_shared>> -> memref<10016x128xf32, #tpu.memory_space<vmem_shared>>
          tpu.enqueue_indirect_dma source(%dma_start3A_536 : memref<64x128xf32, #tpu.memory_space<vmem>>) target(%dma_start3A_546 : memref<10016x128xf32, #tpu.memory_space<vmem_shared>>) offsets(%dma_start3A_543 : memref<64xi32, #tpu.memory_space<vmem>>) semaphore(%arg14 : memref<!tpu.dma_semaphore, #tpu.memory_space<semaphore_mem>>) {add = true}
          %dma_wait3A_547 = arith.constant 1 : i32
          %dma_wait3A_548 = arith.constant 0 : i32
          %dma_wait3A_549 = arith.constant 0 : i32
          %dma_wait3A_550 = arith.constant 0 : i32
          %dma_wait3A_551 = tpu.memref_slice %arg10[%dma_wait3A_547, %dma_wait3A_549, %dma_wait3A_550] : memref<4x64x128xf32, #tpu.memory_space<vmem>> -> memref<1x64x128xf32, #tpu.memory_space<vmem>>
          %dma_wait3A_552 = tpu.memref_squeeze %dma_wait3A_551 : memref<1x64x128xf32, #tpu.memory_space<vmem>> -> memref<64x128xf32, #tpu.memory_space<vmem>>
          %dma_wait3A_553 = arith.constant 0 : i32
          %dma_wait3A_554 = arith.constant 0 : i32
          %dma_wait3A_555 = tpu.memref_slice %arg9[%scan3A_289, %dma_wait3A_553, %dma_wait3A_554] : memref<2x32x64xi32, #tpu.memory_space<vmem>> -> memref<1x32x64xi32, #tpu.memory_space<vmem>>
          %dma_wait3A_556 = tpu.memref_squeeze %dma_wait3A_555 : memref<1x32x64xi32, #tpu.memory_space<vmem>> -> memref<32x64xi32, #tpu.memory_space<vmem>>
          %dma_wait3A_557 = arith.constant 0 : i32
          %dma_wait3A_558 = tpu.memref_slice %dma_wait3A_556[%dma_wait3A_548, %dma_wait3A_557] : memref<32x64xi32, #tpu.memory_space<vmem>> -> memref<1x64xi32, #tpu.memory_space<vmem>>
          %dma_wait3A_559 = tpu.memref_squeeze %dma_wait3A_558 : memref<1x64xi32, #tpu.memory_space<vmem>> -> memref<64xi32, #tpu.memory_space<vmem>>
          %dma_wait3A_560 = arith.constant 0 : i32
          %dma_wait3A_561 = arith.constant 0 : i32
          %dma_wait3A_562 = tpu.memref_slice %arg12[%dma_wait3A_560, %dma_wait3A_561] : memref<10016x128xf32, #tpu.memory_space<vmem_shared>> -> memref<10016x128xf32, #tpu.memory_space<vmem_shared>>
          tpu.wait_indirect_dma semaphore(%arg14 : memref<!tpu.dma_semaphore, #tpu.memory_space<semaphore_mem>>) src(%dma_wait3A_552 : memref<64x128xf32, #tpu.memory_space<vmem>>) dst(%dma_wait3A_562 : memref<10016x128xf32, #tpu.memory_space<vmem_shared>>)
          %lt3A_563 = arith.constant 7 : i32
          %lt3A_564 = arith.cmpi slt, %scan3A_329, %lt3A_563 : i32
          %convert_element_type3A_565 = arith.extui %lt3A_564 : i1 to i32
          %cond3A_566 = arith.constant 0 : i32
          %cond3A_567 = arith.cmpi ne, %convert_element_type3A_565, %cond3A_566 : i32
          scf.if %cond3A_567 {
            %dma_start3A_568 = arith.constant 1 : i32
            %dma_start3A_569 = arith.constant 0 : i32
            %dma_start3A_570 = arith.constant 0 : i32
            %dma_start3A_571 = tpu.memref_slice %arg10[%dma_start3A_568, %dma_start3A_569, %dma_start3A_570] : memref<4x64x128xf32, #tpu.memory_space<vmem>> -> memref<1x64x128xf32, #tpu.memory_space<vmem>>
            %dma_start3A_572 = tpu.memref_squeeze %dma_start3A_571 : memref<1x64x128xf32, #tpu.memory_space<vmem>> -> memref<64x128xf32, #tpu.memory_space<vmem>>
            %dma_start3A_573 = arith.constant 0 : i32
            %dma_start3A_574 = arith.constant 0 : i32
            %dma_start3A_575 = tpu.memref_slice %arg8[%scan3A_288, %dma_start3A_573, %dma_start3A_574] : memref<2x32x64xi32, #tpu.memory_space<vmem>> -> memref<1x32x64xi32, #tpu.memory_space<vmem>>
            %dma_start3A_576 = tpu.memref_squeeze %dma_start3A_575 : memref<1x32x64xi32, #tpu.memory_space<vmem>> -> memref<32x64xi32, #tpu.memory_space<vmem>>
            %dma_start3A_577 = arith.constant 0 : i32
            %dma_start3A_578 = tpu.memref_slice %dma_start3A_576[%sub3A_515, %dma_start3A_577] : memref<32x64xi32, #tpu.memory_space<vmem>> -> memref<1x64xi32, #tpu.memory_space<vmem>>
            %dma_start3A_579 = tpu.memref_squeeze %dma_start3A_578 : memref<1x64xi32, #tpu.memory_space<vmem>> -> memref<64xi32, #tpu.memory_space<vmem>>
            %dma_start3A_580 = arith.constant 0 : i32
            %dma_start3A_581 = arith.constant 0 : i32
            %dma_start3A_582 = tpu.memref_slice %arg2[%dma_start3A_580, %dma_start3A_581] : memref<20000x128xf32, #tpu.memory_space<hbm>> -> memref<20000x128xf32, #tpu.memory_space<hbm>>
            tpu.enqueue_indirect_dma source(%dma_start3A_582 : memref<20000x128xf32, #tpu.memory_space<hbm>>) target(%dma_start3A_572 : memref<64x128xf32, #tpu.memory_space<vmem>>) offsets(%dma_start3A_579 : memref<64xi32, #tpu.memory_space<vmem>>) semaphore(%arg13 : memref<!tpu.dma_semaphore, #tpu.memory_space<semaphore_mem>>)
          } else {
          }
        }
        %scan3A_294 = arith.constant 8 : i32
        %dma_wait3A_295 = arith.constant 2 : i32
        %dma_wait3A_296 = arith.constant 1 : i32
        %dma_wait3A_297 = arith.constant 0 : i32
        %dma_wait3A_298 = arith.constant 0 : i32
        %dma_wait3A_299 = arith.constant 0 : i32
        %dma_wait3A_300 = tpu.memref_slice %arg10[%dma_wait3A_295, %dma_wait3A_298, %dma_wait3A_299] : memref<4x64x128xf32, #tpu.memory_space<vmem>> -> memref<1x64x128xf32, #tpu.memory_space<vmem>>
        %dma_wait3A_301 = tpu.memref_squeeze %dma_wait3A_300 : memref<1x64x128xf32, #tpu.memory_space<vmem>> -> memref<64x128xf32, #tpu.memory_space<vmem>>
        %dma_wait3A_302 = arith.constant 0 : i32
        %dma_wait3A_303 = arith.constant 0 : i32
        %dma_wait3A_304 = tpu.memref_slice %arg9[%dma_wait3A_296, %dma_wait3A_302, %dma_wait3A_303] : memref<2x32x64xi32, #tpu.memory_space<vmem>> -> memref<1x32x64xi32, #tpu.memory_space<vmem>>
        %dma_wait3A_305 = tpu.memref_squeeze %dma_wait3A_304 : memref<1x32x64xi32, #tpu.memory_space<vmem>> -> memref<32x64xi32, #tpu.memory_space<vmem>>
        %dma_wait3A_306 = arith.constant 0 : i32
        %dma_wait3A_307 = tpu.memref_slice %dma_wait3A_305[%dma_wait3A_297, %dma_wait3A_306] : memref<32x64xi32, #tpu.memory_space<vmem>> -> memref<1x64xi32, #tpu.memory_space<vmem>>
        %dma_wait3A_308 = tpu.memref_squeeze %dma_wait3A_307 : memref<1x64xi32, #tpu.memory_space<vmem>> -> memref<64xi32, #tpu.memory_space<vmem>>
        %dma_wait3A_309 = arith.constant 0 : i32
        %dma_wait3A_310 = arith.constant 0 : i32
        %dma_wait3A_311 = tpu.memref_slice %arg12[%dma_wait3A_309, %dma_wait3A_310] : memref<10016x128xf32, #tpu.memory_space<vmem_shared>> -> memref<10016x128xf32, #tpu.memory_space<vmem_shared>>
        tpu.wait_indirect_dma semaphore(%arg14 : memref<!tpu.dma_semaphore, #tpu.memory_space<semaphore_mem>>) src(%dma_wait3A_301 : memref<64x128xf32, #tpu.memory_space<vmem>>) dst(%dma_wait3A_311 : memref<10016x128xf32, #tpu.memory_space<vmem_shared>>)
        %dma_wait3A_312 = arith.constant 3 : i32
        %dma_wait3A_313 = arith.constant 1 : i32
        %dma_wait3A_314 = arith.constant 0 : i32
        %dma_wait3A_315 = arith.constant 0 : i32
        %dma_wait3A_316 = arith.constant 0 : i32
        %dma_wait3A_317 = tpu.memref_slice %arg10[%dma_wait3A_312, %dma_wait3A_315, %dma_wait3A_316] : memref<4x64x128xf32, #tpu.memory_space<vmem>> -> memref<1x64x128xf32, #tpu.memory_space<vmem>>
        %dma_wait3A_318 = tpu.memref_squeeze %dma_wait3A_317 : memref<1x64x128xf32, #tpu.memory_space<vmem>> -> memref<64x128xf32, #tpu.memory_space<vmem>>
        %dma_wait3A_319 = arith.constant 0 : i32
        %dma_wait3A_320 = arith.constant 0 : i32
        %dma_wait3A_321 = tpu.memref_slice %arg9[%dma_wait3A_313, %dma_wait3A_319, %dma_wait3A_320] : memref<2x32x64xi32, #tpu.memory_space<vmem>> -> memref<1x32x64xi32, #tpu.memory_space<vmem>>
        %dma_wait3A_322 = tpu.memref_squeeze %dma_wait3A_321 : memref<1x32x64xi32, #tpu.memory_space<vmem>> -> memref<32x64xi32, #tpu.memory_space<vmem>>
        %dma_wait3A_323 = arith.constant 0 : i32
        %dma_wait3A_324 = tpu.memref_slice %dma_wait3A_322[%dma_wait3A_314, %dma_wait3A_323] : memref<32x64xi32, #tpu.memory_space<vmem>> -> memref<1x64xi32, #tpu.memory_space<vmem>>
        %dma_wait3A_325 = tpu.memref_squeeze %dma_wait3A_324 : memref<1x64xi32, #tpu.memory_space<vmem>> -> memref<64xi32, #tpu.memory_space<vmem>>
        %dma_wait3A_326 = arith.constant 0 : i32
        %dma_wait3A_327 = arith.constant 0 : i32
        %dma_wait3A_328 = tpu.memref_slice %arg12[%dma_wait3A_326, %dma_wait3A_327] : memref<10016x128xf32, #tpu.memory_space<vmem_shared>> -> memref<10016x128xf32, #tpu.memory_space<vmem_shared>>
        tpu.wait_indirect_dma semaphore(%arg14 : memref<!tpu.dma_semaphore, #tpu.memory_space<semaphore_mem>>) src(%dma_wait3A_318 : memref<64x128xf32, #tpu.memory_space<vmem>>) dst(%dma_wait3A_328 : memref<10016x128xf32, #tpu.memory_space<vmem_shared>>)
      } else {
      }
      %add3A_213 = arith.constant 2 : i32
      %add3A_214 = arith.addi %add3A_123, %add3A_213 : i32
      %lt3A_215 = arith.cmpi slt, %add3A_214, %squeeze3A : i32
      %convert_element_type3A_216 = arith.extui %lt3A_215 : i1 to i32
      %cond3A_217 = arith.constant 0 : i32
      %cond3A_218 = arith.cmpi ne, %convert_element_type3A_216, %cond3A_217 : i32
      scf.if %cond3A_218 {
        %add3A_219 = arith.constant 2 : i32
        %add3A_220 = arith.addi %add3A_123, %add3A_219 : i32
        %mul3A_221 = arith.constant 32 : i32
        %mul3A_222 = arith.muli %add3A_220, %mul3A_221 : i32
        %dma_start3A_223 = arith.constant 1 : i32
        %dma_start3A_224 = arith.constant 0 : i32
        %dma_start3A_225 = arith.constant 0 : i32
        %dma_start3A_226 = tpu.memref_slice %arg8[%dma_start3A_223, %dma_start3A_224, %dma_start3A_225] : memref<2x32x64xi32, #tpu.memory_space<vmem>> -> memref<1x32x64xi32, #tpu.memory_space<vmem>>
        %dma_start3A_227 = tpu.memref_squeeze %dma_start3A_226 : memref<1x32x64xi32, #tpu.memory_space<vmem>> -> memref<32x64xi32, #tpu.memory_space<vmem>>
        %dma_start3A_228 = arith.constant 0 : i32
        %dma_start3A_229 = tpu.memref_slice %arg4[%arg0, %arg1, %mul3A_222, %dma_start3A_228] : memref<2x16x320x64xi32, #tpu.memory_space<hbm>> -> memref<1x1x32x64xi32, #tpu.memory_space<hbm>>
        %dma_start3A_230 = tpu.memref_squeeze %dma_start3A_229 : memref<1x1x32x64xi32, #tpu.memory_space<hbm>> -> memref<32x64xi32, #tpu.memory_space<hbm>>
        %dma_start3A_231 = arith.constant 0 : i32
        %dma_start3A_232 = arith.constant 0 : i32
        %dma_start3A_233 = tpu.memref_slice %arg8[%dma_start3A_223, %dma_start3A_231, %dma_start3A_232] : memref<2x32x64xi32, #tpu.memory_space<vmem>> -> memref<1x32x64xi32, #tpu.memory_space<vmem>>
        %dma_start3A_234 = tpu.memref_squeeze %dma_start3A_233 : memref<1x32x64xi32, #tpu.memory_space<vmem>> -> memref<32x64xi32, #tpu.memory_space<vmem>>
        %dma_start3A_235 = arith.constant 0 : i32
        %dma_start3A_236 = tpu.memref_slice %arg4[%arg0, %arg1, %mul3A_222, %dma_start3A_235] : memref<2x16x320x64xi32, #tpu.memory_space<hbm>> -> memref<1x1x32x64xi32, #tpu.memory_space<hbm>>
        %dma_start3A_237 = tpu.memref_squeeze %dma_start3A_236 : memref<1x1x32x64xi32, #tpu.memory_space<hbm>> -> memref<32x64xi32, #tpu.memory_space<hbm>>
        tpu.enqueue_dma source(%dma_start3A_237 : memref<32x64xi32, #tpu.memory_space<hbm>>) target(%dma_start3A_234 : memref<32x64xi32, #tpu.memory_space<vmem>>) target_semaphore(%arg16 : memref<!tpu.dma_semaphore, #tpu.memory_space<semaphore_mem>>)
        %mul3A_238 = arith.constant 32 : i32
        %mul3A_239 = arith.muli %add3A_220, %mul3A_238 : i32
        %dma_start3A_240 = arith.constant 1 : i32
        %dma_start3A_241 = arith.constant 0 : i32
        %dma_start3A_242 = arith.constant 0 : i32
        %dma_start3A_243 = tpu.memref_slice %arg9[%dma_start3A_240, %dma_start3A_241, %dma_start3A_242] : memref<2x32x64xi32, #tpu.memory_space<vmem>> -> memref<1x32x64xi32, #tpu.memory_space<vmem>>
        %dma_start3A_244 = tpu.memref_squeeze %dma_start3A_243 : memref<1x32x64xi32, #tpu.memory_space<vmem>> -> memref<32x64xi32, #tpu.memory_space<vmem>>
        %dma_start3A_245 = arith.constant 0 : i32
        %dma_start3A_246 = tpu.memref_slice %arg5[%arg0, %arg1, %mul3A_239, %dma_start3A_245] : memref<2x16x320x64xi32, #tpu.memory_space<hbm>> -> memref<1x1x32x64xi32, #tpu.memory_space<hbm>>
        %dma_start3A_247 = tpu.memref_squeeze %dma_start3A_246 : memref<1x1x32x64xi32, #tpu.memory_space<hbm>> -> memref<32x64xi32, #tpu.memory_space<hbm>>
        %dma_start3A_248 = arith.constant 0 : i32
        %dma_start3A_249 = arith.constant 0 : i32
        %dma_start3A_250 = tpu.memref_slice %arg9[%dma_start3A_240, %dma_start3A_248, %dma_start3A_249] : memref<2x32x64xi32, #tpu.memory_space<vmem>> -> memref<1x32x64xi32, #tpu.memory_space<vmem>>
        %dma_start3A_251 = tpu.memref_squeeze %dma_start3A_250 : memref<1x32x64xi32, #tpu.memory_space<vmem>> -> memref<32x64xi32, #tpu.memory_space<vmem>>
        %dma_start3A_252 = arith.constant 0 : i32
        %dma_start3A_253 = tpu.memref_slice %arg5[%arg0, %arg1, %mul3A_239, %dma_start3A_252] : memref<2x16x320x64xi32, #tpu.memory_space<hbm>> -> memref<1x1x32x64xi32, #tpu.memory_space<hbm>>
        %dma_start3A_254 = tpu.memref_squeeze %dma_start3A_253 : memref<1x1x32x64xi32, #tpu.memory_space<hbm>> -> memref<32x64xi32, #tpu.memory_space<hbm>>
        tpu.enqueue_dma source(%dma_start3A_254 : memref<32x64xi32, #tpu.memory_space<hbm>>) target(%dma_start3A_251 : memref<32x64xi32, #tpu.memory_space<vmem>>) target_semaphore(%arg16 : memref<!tpu.dma_semaphore, #tpu.memory_space<semaphore_mem>>)
      } else {
      }
    }
    %while3A_106 = arith.constant 1 : i32
    scf.for %while3A_119 = %while3A_104 to %while3A_100 step %while3A_106  : i32 {
      %mul3A_120 = arith.constant 2 : i32
      %mul3A_121 = arith.muli %mul3A_120, %while3A_119 : i32
      %add3A_122 = arith.constant 1 : i32
      %add3A_123 = arith.addi %mul3A_121, %add3A_122 : i32
      %gt3A_124 = arith.constant 0 : i32
      %gt3A_125 = arith.cmpi sgt, %while3A_119, %gt3A_124 : i32
      %convert_element_type3A_126 = arith.extui %gt3A_125 : i1 to i32
      %cond3A_127 = arith.constant 0 : i32
      %cond3A_128 = arith.cmpi ne, %convert_element_type3A_126, %cond3A_127 : i32
      scf.if %cond3A_128 {
        %dma_wait3A_219 = arith.constant 0 : i32
        %dma_wait3A_220 = arith.constant 0 : i32
        %dma_wait3A_221 = arith.constant 0 : i32
        %dma_wait3A_222 = tpu.memref_slice %arg8[%dma_wait3A_219, %dma_wait3A_220, %dma_wait3A_221] : memref<2x32x64xi32, #tpu.memory_space<vmem>> -> memref<1x32x64xi32, #tpu.memory_space<vmem>>
        %dma_wait3A_223 = tpu.memref_squeeze %dma_wait3A_222 : memref<1x32x64xi32, #tpu.memory_space<vmem>> -> memref<32x64xi32, #tpu.memory_space<vmem>>
        %dma_wait3A_224 = arith.constant 0 : i32
        %dma_wait3A_225 = arith.constant 0 : i32
        %dma_wait3A_226 = tpu.memref_slice %arg4[%arg0, %arg1, %dma_wait3A_224, %dma_wait3A_225] : memref<2x16x320x64xi32, #tpu.memory_space<hbm>> -> memref<1x1x32x64xi32, #tpu.memory_space<hbm>>
        %dma_wait3A_227 = tpu.memref_squeeze %dma_wait3A_226 : memref<1x1x32x64xi32, #tpu.memory_space<hbm>> -> memref<32x64xi32, #tpu.memory_space<hbm>>
        %dma_wait3A_228 = arith.constant 0 : i32
        %dma_wait3A_229 = arith.constant 0 : i32
        %dma_wait3A_230 = tpu.memref_slice %arg8[%dma_wait3A_219, %dma_wait3A_228, %dma_wait3A_229] : memref<2x32x64xi32, #tpu.memory_space<vmem>> -> memref<1x32x64xi32, #tpu.memory_space<vmem>>
        %dma_wait3A_231 = tpu.memref_squeeze %dma_wait3A_230 : memref<1x32x64xi32, #tpu.memory_space<vmem>> -> memref<32x64xi32, #tpu.memory_space<vmem>>
        %dma_wait3A_232 = arith.constant 0 : i32
        %dma_wait3A_233 = arith.constant 0 : i32
        %dma_wait3A_234 = tpu.memref_slice %arg4[%arg0, %arg1, %dma_wait3A_232, %dma_wait3A_233] : memref<2x16x320x64xi32, #tpu.memory_space<hbm>> -> memref<1x1x32x64xi32, #tpu.memory_space<hbm>>
        %dma_wait3A_235 = tpu.memref_squeeze %dma_wait3A_234 : memref<1x1x32x64xi32, #tpu.memory_space<hbm>> -> memref<32x64xi32, #tpu.memory_space<hbm>>
        tpu.wait_dma2 semaphore(%arg15 : memref<!tpu.dma_semaphore, #tpu.memory_space<semaphore_mem>>) src(%dma_wait3A_235 : memref<32x64xi32, #tpu.memory_space<hbm>>) dst(%dma_wait3A_231 : memref<32x64xi32, #tpu.memory_space<vmem>>)
        %dma_wait3A_236 = arith.constant 0 : i32
        %dma_wait3A_237 = arith.constant 0 : i32
        %dma_wait3A_238 = arith.constant 0 : i32
        %dma_wait3A_239 = tpu.memref_slice %arg9[%dma_wait3A_236, %dma_wait3A_237, %dma_wait3A_238] : memref<2x32x64xi32, #tpu.memory_space<vmem>> -> memref<1x32x64xi32, #tpu.memory_space<vmem>>
        %dma_wait3A_240 = tpu.memref_squeeze %dma_wait3A_239 : memref<1x32x64xi32, #tpu.memory_space<vmem>> -> memref<32x64xi32, #tpu.memory_space<vmem>>
        %dma_wait3A_241 = arith.constant 0 : i32
        %dma_wait3A_242 = arith.constant 0 : i32
        %dma_wait3A_243 = tpu.memref_slice %arg5[%arg0, %arg1, %dma_wait3A_241, %dma_wait3A_242] : memref<2x16x320x64xi32, #tpu.memory_space<hbm>> -> memref<1x1x32x64xi32, #tpu.memory_space<hbm>>
        %dma_wait3A_244 = tpu.memref_squeeze %dma_wait3A_243 : memref<1x1x32x64xi32, #tpu.memory_space<hbm>> -> memref<32x64xi32, #tpu.memory_space<hbm>>
        %dma_wait3A_245 = arith.constant 0 : i32
        %dma_wait3A_246 = arith.constant 0 : i32
        %dma_wait3A_247 = tpu.memref_slice %arg9[%dma_wait3A_236, %dma_wait3A_245, %dma_wait3A_246] : memref<2x32x64xi32, #tpu.memory_space<vmem>> -> memref<1x32x64xi32, #tpu.memory_space<vmem>>
        %dma_wait3A_248 = tpu.memref_squeeze %dma_wait3A_247 : memref<1x32x64xi32, #tpu.memory_space<vmem>> -> memref<32x64xi32, #tpu.memory_space<vmem>>
        %dma_wait3A_249 = arith.constant 0 : i32
        %dma_wait3A_250 = arith.constant 0 : i32
        %dma_wait3A_251 = tpu.memref_slice %arg5[%arg0, %arg1, %dma_wait3A_249, %dma_wait3A_250] : memref<2x16x320x64xi32, #tpu.memory_space<hbm>> -> memref<1x1x32x64xi32, #tpu.memory_space<hbm>>
        %dma_wait3A_252 = tpu.memref_squeeze %dma_wait3A_251 : memref<1x1x32x64xi32, #tpu.memory_space<hbm>> -> memref<32x64xi32, #tpu.memory_space<hbm>>
        tpu.wait_dma2 semaphore(%arg15 : memref<!tpu.dma_semaphore, #tpu.memory_space<semaphore_mem>>) src(%dma_wait3A_252 : memref<32x64xi32, #tpu.memory_space<hbm>>) dst(%dma_wait3A_248 : memref<32x64xi32, #tpu.memory_space<vmem>>)
      } else {
      }
      %dma_start3A_129 = arith.constant 0 : i32
      %dma_start3A_130 = arith.constant 0 : i32
      %dma_start3A_131 = arith.constant 0 : i32
      %dma_start3A_132 = arith.constant 0 : i32
      %dma_start3A_133 = arith.constant 0 : i32
      %dma_start3A_134 = tpu.memref_slice %arg10[%dma_start3A_131, %dma_start3A_132, %dma_start3A_133] : memref<4x64x128xf32, #tpu.memory_space<vmem>> -> memref<1x64x128xf32, #tpu.memory_space<vmem>>
      %dma_start3A_135 = tpu.memref_squeeze %dma_start3A_134 : memref<1x64x128xf32, #tpu.memory_space<vmem>> -> memref<64x128xf32, #tpu.memory_space<vmem>>
      %dma_start3A_136 = arith.constant 0 : i32
      %dma_start3A_137 = arith.constant 0 : i32
      %dma_start3A_138 = tpu.memref_slice %arg8[%dma_start3A_129, %dma_start3A_136, %dma_start3A_137] : memref<2x32x64xi32, #tpu.memory_space<vmem>> -> memref<1x32x64xi32, #tpu.memory_space<vmem>>
      %dma_start3A_139 = tpu.memref_squeeze %dma_start3A_138 : memref<1x32x64xi32, #tpu.memory_space<vmem>> -> memref<32x64xi32, #tpu.memory_space<vmem>>
      %dma_start3A_140 = arith.constant 0 : i32
      %dma_start3A_141 = tpu.memref_slice %dma_start3A_139[%dma_start3A_130, %dma_start3A_140] : memref<32x64xi32, #tpu.memory_space<vmem>> -> memref<1x64xi32, #tpu.memory_space<vmem>>
      %dma_start3A_142 = tpu.memref_squeeze %dma_start3A_141 : memref<1x64xi32, #tpu.memory_space<vmem>> -> memref<64xi32, #tpu.memory_space<vmem>>
      %dma_start3A_143 = arith.constant 0 : i32
      %dma_start3A_144 = arith.constant 0 : i32
      %dma_start3A_145 = tpu.memref_slice %arg2[%dma_start3A_143, %dma_start3A_144] : memref<20000x128xf32, #tpu.memory_space<hbm>> -> memref<20000x128xf32, #tpu.memory_space<hbm>>
      tpu.enqueue_indirect_dma source(%dma_start3A_145 : memref<20000x128xf32, #tpu.memory_space<hbm>>) target(%dma_start3A_135 : memref<64x128xf32, #tpu.memory_space<vmem>>) offsets(%dma_start3A_142 : memref<64xi32, #tpu.memory_space<vmem>>) semaphore(%arg13 : memref<!tpu.dma_semaphore, #tpu.memory_space<semaphore_mem>>)
      %dma_start3A_146 = arith.constant 0 : i32
      %dma_start3A_147 = arith.constant 1 : i32
      %dma_start3A_148 = arith.constant 1 : i32
      %dma_start3A_149 = arith.constant 0 : i32
      %dma_start3A_150 = arith.constant 0 : i32
      %dma_start3A_151 = tpu.memref_slice %arg10[%dma_start3A_148, %dma_start3A_149, %dma_start3A_150] : memref<4x64x128xf32, #tpu.memory_space<vmem>> -> memref<1x64x128xf32, #tpu.memory_space<vmem>>
      %dma_start3A_152 = tpu.memref_squeeze %dma_start3A_151 : memref<1x64x128xf32, #tpu.memory_space<vmem>> -> memref<64x128xf32, #tpu.memory_space<vmem>>
      %dma_start3A_153 = arith.constant 0 : i32
      %dma_start3A_154 = arith.constant 0 : i32
      %dma_start3A_155 = tpu.memref_slice %arg8[%dma_start3A_146, %dma_start3A_153, %dma_start3A_154] : memref<2x32x64xi32, #tpu.memory_space<vmem>> -> memref<1x32x64xi32, #tpu.memory_space<vmem>>
      %dma_start3A_156 = tpu.memref_squeeze %dma_start3A_155 : memref<1x32x64xi32, #tpu.memory_space<vmem>> -> memref<32x64xi32, #tpu.memory_space<vmem>>
      %dma_start3A_157 = arith.constant 0 : i32
      %dma_start3A_158 = tpu.memref_slice %dma_start3A_156[%dma_start3A_147, %dma_start3A_157] : memref<32x64xi32, #tpu.memory_space<vmem>> -> memref<1x64xi32, #tpu.memory_space<vmem>>
      %dma_start3A_159 = tpu.memref_squeeze %dma_start3A_158 : memref<1x64xi32, #tpu.memory_space<vmem>> -> memref<64xi32, #tpu.memory_space<vmem>>
      %dma_start3A_160 = arith.constant 0 : i32
      %dma_start3A_161 = arith.constant 0 : i32
      %dma_start3A_162 = tpu.memref_slice %arg2[%dma_start3A_160, %dma_start3A_161] : memref<20000x128xf32, #tpu.memory_space<hbm>> -> memref<20000x128xf32, #tpu.memory_space<hbm>>
      tpu.enqueue_indirect_dma source(%dma_start3A_162 : memref<20000x128xf32, #tpu.memory_space<hbm>>) target(%dma_start3A_152 : memref<64x128xf32, #tpu.memory_space<vmem>>) offsets(%dma_start3A_159 : memref<64xi32, #tpu.memory_space<vmem>>) semaphore(%arg13 : memref<!tpu.dma_semaphore, #tpu.memory_space<semaphore_mem>>)
      %scan3A = arith.constant 0 : i32
      %scan3A_163 = arith.constant 0 : i32
      %scan3A_164 = arith.constant 0 : i32
      %scan3A_165 = arith.constant 0 : i32
      %scan3A_166 = arith.constant 8 : i32
      %scan3A_167 = arith.addi %scan3A_165, %scan3A_166 : i32
      %scan3A_168 = arith.constant 1 : i32
      scf.for %scan3A_219 = %scan3A_165 to %scan3A_167 step %scan3A_168  : i32 {
        %mul3A_220 = arith.constant 4 : i32
        %mul3A_221 = arith.muli %scan3A_219, %mul3A_220 : i32
        %add3A_222 = arith.constant 0 : i32
        %add3A_223 = arith.addi %mul3A_221, %add3A_222 : i32
        %add3A_224 = arith.constant 4 : i32
        %add3A_225 = arith.addi %add3A_223, %add3A_224 : i32
        %sub3A_226 = arith.constant 2 : i32
        %sub3A_227 = arith.subi %add3A_225, %sub3A_226 : i32
        %dma_wait3A_228 = arith.constant 0 : i32
        %dma_wait3A_229 = arith.constant 0 : i32
        %dma_wait3A_230 = arith.constant 0 : i32
        %dma_wait3A_231 = arith.constant 0 : i32
        %dma_wait3A_232 = tpu.memref_slice %arg10[%dma_wait3A_229, %dma_wait3A_230, %dma_wait3A_231] : memref<4x64x128xf32, #tpu.memory_space<vmem>> -> memref<1x64x128xf32, #tpu.memory_space<vmem>>
        %dma_wait3A_233 = tpu.memref_squeeze %dma_wait3A_232 : memref<1x64x128xf32, #tpu.memory_space<vmem>> -> memref<64x128xf32, #tpu.memory_space<vmem>>
        %dma_wait3A_234 = arith.constant 0 : i32
        %dma_wait3A_235 = arith.constant 0 : i32
        %dma_wait3A_236 = tpu.memref_slice %arg8[%scan3A_163, %dma_wait3A_234, %dma_wait3A_235] : memref<2x32x64xi32, #tpu.memory_space<vmem>> -> memref<1x32x64xi32, #tpu.memory_space<vmem>>
        %dma_wait3A_237 = tpu.memref_squeeze %dma_wait3A_236 : memref<1x32x64xi32, #tpu.memory_space<vmem>> -> memref<32x64xi32, #tpu.memory_space<vmem>>
        %dma_wait3A_238 = arith.constant 0 : i32
        %dma_wait3A_239 = tpu.memref_slice %dma_wait3A_237[%dma_wait3A_228, %dma_wait3A_238] : memref<32x64xi32, #tpu.memory_space<vmem>> -> memref<1x64xi32, #tpu.memory_space<vmem>>
        %dma_wait3A_240 = tpu.memref_squeeze %dma_wait3A_239 : memref<1x64xi32, #tpu.memory_space<vmem>> -> memref<64xi32, #tpu.memory_space<vmem>>
        %dma_wait3A_241 = arith.constant 0 : i32
        %dma_wait3A_242 = arith.constant 0 : i32
        %dma_wait3A_243 = tpu.memref_slice %arg2[%dma_wait3A_241, %dma_wait3A_242] : memref<20000x128xf32, #tpu.memory_space<hbm>> -> memref<20000x128xf32, #tpu.memory_space<hbm>>
        tpu.wait_indirect_dma semaphore(%arg13 : memref<!tpu.dma_semaphore, #tpu.memory_space<semaphore_mem>>) src(%dma_wait3A_243 : memref<20000x128xf32, #tpu.memory_space<hbm>>) dst(%dma_wait3A_233 : memref<64x128xf32, #tpu.memory_space<vmem>>)
        %dma_start3A_244 = arith.constant 0 : i32
        %dma_start3A_245 = arith.constant 0 : i32
        %dma_start3A_246 = arith.constant 0 : i32
        %dma_start3A_247 = tpu.memref_slice %arg10[%dma_start3A_244, %dma_start3A_245, %dma_start3A_246] : memref<4x64x128xf32, #tpu.memory_space<vmem>> -> memref<1x64x128xf32, #tpu.memory_space<vmem>>
        %dma_start3A_248 = tpu.memref_squeeze %dma_start3A_247 : memref<1x64x128xf32, #tpu.memory_space<vmem>> -> memref<64x128xf32, #tpu.memory_space<vmem>>
        %dma_start3A_249 = arith.constant 0 : i32
        %dma_start3A_250 = arith.constant 0 : i32
        %dma_start3A_251 = tpu.memref_slice %arg9[%scan3A_164, %dma_start3A_249, %dma_start3A_250] : memref<2x32x64xi32, #tpu.memory_space<vmem>> -> memref<1x32x64xi32, #tpu.memory_space<vmem>>
        %dma_start3A_252 = tpu.memref_squeeze %dma_start3A_251 : memref<1x32x64xi32, #tpu.memory_space<vmem>> -> memref<32x64xi32, #tpu.memory_space<vmem>>
        %dma_start3A_253 = arith.constant 0 : i32
        %dma_start3A_254 = tpu.memref_slice %dma_start3A_252[%add3A_223, %dma_start3A_253] : memref<32x64xi32, #tpu.memory_space<vmem>> -> memref<1x64xi32, #tpu.memory_space<vmem>>
        %dma_start3A_255 = tpu.memref_squeeze %dma_start3A_254 : memref<1x64xi32, #tpu.memory_space<vmem>> -> memref<64xi32, #tpu.memory_space<vmem>>
        %dma_start3A_256 = arith.constant 0 : i32
        %dma_start3A_257 = arith.constant 0 : i32
        %dma_start3A_258 = tpu.memref_slice %arg12[%dma_start3A_256, %dma_start3A_257] : memref<10016x128xf32, #tpu.memory_space<vmem_shared>> -> memref<10016x128xf32, #tpu.memory_space<vmem_shared>>
        tpu.enqueue_indirect_dma source(%dma_start3A_248 : memref<64x128xf32, #tpu.memory_space<vmem>>) target(%dma_start3A_258 : memref<10016x128xf32, #tpu.memory_space<vmem_shared>>) offsets(%dma_start3A_255 : memref<64xi32, #tpu.memory_space<vmem>>) semaphore(%arg14 : memref<!tpu.dma_semaphore, #tpu.memory_space<semaphore_mem>>) {add = true}
        %gt3A_259 = arith.constant 0 : i32
        %gt3A_260 = arith.cmpi sgt, %scan3A_219, %gt3A_259 : i32
        %convert_element_type3A_261 = arith.extui %gt3A_260 : i1 to i32
        %cond3A_262 = arith.constant 0 : i32
        %cond3A_263 = arith.cmpi ne, %convert_element_type3A_261, %cond3A_262 : i32
        scf.if %cond3A_263 {
          %dma_wait3A_458 = arith.constant 2 : i32
          %dma_wait3A_459 = arith.constant 0 : i32
          %dma_wait3A_460 = arith.constant 0 : i32
          %dma_wait3A_461 = arith.constant 0 : i32
          %dma_wait3A_462 = tpu.memref_slice %arg10[%dma_wait3A_458, %dma_wait3A_460, %dma_wait3A_461] : memref<4x64x128xf32, #tpu.memory_space<vmem>> -> memref<1x64x128xf32, #tpu.memory_space<vmem>>
          %dma_wait3A_463 = tpu.memref_squeeze %dma_wait3A_462 : memref<1x64x128xf32, #tpu.memory_space<vmem>> -> memref<64x128xf32, #tpu.memory_space<vmem>>
          %dma_wait3A_464 = arith.constant 0 : i32
          %dma_wait3A_465 = arith.constant 0 : i32
          %dma_wait3A_466 = tpu.memref_slice %arg9[%scan3A_164, %dma_wait3A_464, %dma_wait3A_465] : memref<2x32x64xi32, #tpu.memory_space<vmem>> -> memref<1x32x64xi32, #tpu.memory_space<vmem>>
          %dma_wait3A_467 = tpu.memref_squeeze %dma_wait3A_466 : memref<1x32x64xi32, #tpu.memory_space<vmem>> -> memref<32x64xi32, #tpu.memory_space<vmem>>
          %dma_wait3A_468 = arith.constant 0 : i32
          %dma_wait3A_469 = tpu.memref_slice %dma_wait3A_467[%dma_wait3A_459, %dma_wait3A_468] : memref<32x64xi32, #tpu.memory_space<vmem>> -> memref<1x64xi32, #tpu.memory_space<vmem>>
          %dma_wait3A_470 = tpu.memref_squeeze %dma_wait3A_469 : memref<1x64xi32, #tpu.memory_space<vmem>> -> memref<64xi32, #tpu.memory_space<vmem>>
          %dma_wait3A_471 = arith.constant 0 : i32
          %dma_wait3A_472 = arith.constant 0 : i32
          %dma_wait3A_473 = tpu.memref_slice %arg12[%dma_wait3A_471, %dma_wait3A_472] : memref<10016x128xf32, #tpu.memory_space<vmem_shared>> -> memref<10016x128xf32, #tpu.memory_space<vmem_shared>>
          tpu.wait_indirect_dma semaphore(%arg14 : memref<!tpu.dma_semaphore, #tpu.memory_space<semaphore_mem>>) src(%dma_wait3A_463 : memref<64x128xf32, #tpu.memory_space<vmem>>) dst(%dma_wait3A_473 : memref<10016x128xf32, #tpu.memory_space<vmem_shared>>)
        } else {
        }
        %dma_start3A_264 = arith.constant 2 : i32
        %dma_start3A_265 = arith.constant 0 : i32
        %dma_start3A_266 = arith.constant 0 : i32
        %dma_start3A_267 = tpu.memref_slice %arg10[%dma_start3A_264, %dma_start3A_265, %dma_start3A_266] : memref<4x64x128xf32, #tpu.memory_space<vmem>> -> memref<1x64x128xf32, #tpu.memory_space<vmem>>
        %dma_start3A_268 = tpu.memref_squeeze %dma_start3A_267 : memref<1x64x128xf32, #tpu.memory_space<vmem>> -> memref<64x128xf32, #tpu.memory_space<vmem>>
        %dma_start3A_269 = arith.constant 0 : i32
        %dma_start3A_270 = arith.constant 0 : i32
        %dma_start3A_271 = tpu.memref_slice %arg8[%scan3A_163, %dma_start3A_269, %dma_start3A_270] : memref<2x32x64xi32, #tpu.memory_space<vmem>> -> memref<1x32x64xi32, #tpu.memory_space<vmem>>
        %dma_start3A_272 = tpu.memref_squeeze %dma_start3A_271 : memref<1x32x64xi32, #tpu.memory_space<vmem>> -> memref<32x64xi32, #tpu.memory_space<vmem>>
        %dma_start3A_273 = arith.constant 0 : i32
        %dma_start3A_274 = tpu.memref_slice %dma_start3A_272[%sub3A_227, %dma_start3A_273] : memref<32x64xi32, #tpu.memory_space<vmem>> -> memref<1x64xi32, #tpu.memory_space<vmem>>
        %dma_start3A_275 = tpu.memref_squeeze %dma_start3A_274 : memref<1x64xi32, #tpu.memory_space<vmem>> -> memref<64xi32, #tpu.memory_space<vmem>>
        %dma_start3A_276 = arith.constant 0 : i32
        %dma_start3A_277 = arith.constant 0 : i32
        %dma_start3A_278 = tpu.memref_slice %arg2[%dma_start3A_276, %dma_start3A_277] : memref<20000x128xf32, #tpu.memory_space<hbm>> -> memref<20000x128xf32, #tpu.memory_space<hbm>>
        tpu.enqueue_indirect_dma source(%dma_start3A_278 : memref<20000x128xf32, #tpu.memory_space<hbm>>) target(%dma_start3A_268 : memref<64x128xf32, #tpu.memory_space<vmem>>) offsets(%dma_start3A_275 : memref<64xi32, #tpu.memory_space<vmem>>) semaphore(%arg13 : memref<!tpu.dma_semaphore, #tpu.memory_space<semaphore_mem>>)
        %mul3A_279 = arith.constant 4 : i32
        %mul3A_280 = arith.muli %scan3A_219, %mul3A_279 : i32
        %add3A_281 = arith.constant 1 : i32
        %add3A_282 = arith.addi %mul3A_280, %add3A_281 : i32
        %add3A_283 = arith.constant 4 : i32
        %add3A_284 = arith.addi %add3A_282, %add3A_283 : i32
        %sub3A_285 = arith.constant 2 : i32
        %sub3A_286 = arith.subi %add3A_284, %sub3A_285 : i32
        %dma_wait3A_287 = arith.constant 0 : i32
        %dma_wait3A_288 = arith.constant 1 : i32
        %dma_wait3A_289 = arith.constant 0 : i32
        %dma_wait3A_290 = arith.constant 0 : i32
        %dma_wait3A_291 = tpu.memref_slice %arg10[%dma_wait3A_288, %dma_wait3A_289, %dma_wait3A_290] : memref<4x64x128xf32, #tpu.memory_space<vmem>> -> memref<1x64x128xf32, #tpu.memory_space<vmem>>
        %dma_wait3A_292 = tpu.memref_squeeze %dma_wait3A_291 : memref<1x64x128xf32, #tpu.memory_space<vmem>> -> memref<64x128xf32, #tpu.memory_space<vmem>>
        %dma_wait3A_293 = arith.constant 0 : i32
        %dma_wait3A_294 = arith.constant 0 : i32
        %dma_wait3A_295 = tpu.memref_slice %arg8[%scan3A_163, %dma_wait3A_293, %dma_wait3A_294] : memref<2x32x64xi32, #tpu.memory_space<vmem>> -> memref<1x32x64xi32, #tpu.memory_space<vmem>>
        %dma_wait3A_296 = tpu.memref_squeeze %dma_wait3A_295 : memref<1x32x64xi32, #tpu.memory_space<vmem>> -> memref<32x64xi32, #tpu.memory_space<vmem>>
        %dma_wait3A_297 = arith.constant 0 : i32
        %dma_wait3A_298 = tpu.memref_slice %dma_wait3A_296[%dma_wait3A_287, %dma_wait3A_297] : memref<32x64xi32, #tpu.memory_space<vmem>> -> memref<1x64xi32, #tpu.memory_space<vmem>>
        %dma_wait3A_299 = tpu.memref_squeeze %dma_wait3A_298 : memref<1x64xi32, #tpu.memory_space<vmem>> -> memref<64xi32, #tpu.memory_space<vmem>>
        %dma_wait3A_300 = arith.constant 0 : i32
        %dma_wait3A_301 = arith.constant 0 : i32
        %dma_wait3A_302 = tpu.memref_slice %arg2[%dma_wait3A_300, %dma_wait3A_301] : memref<20000x128xf32, #tpu.memory_space<hbm>> -> memref<20000x128xf32, #tpu.memory_space<hbm>>
        tpu.wait_indirect_dma semaphore(%arg13 : memref<!tpu.dma_semaphore, #tpu.memory_space<semaphore_mem>>) src(%dma_wait3A_302 : memref<20000x128xf32, #tpu.memory_space<hbm>>) dst(%dma_wait3A_292 : memref<64x128xf32, #tpu.memory_space<vmem>>)
        %dma_start3A_303 = arith.constant 1 : i32
        %dma_start3A_304 = arith.constant 0 : i32
        %dma_start3A_305 = arith.constant 0 : i32
        %dma_start3A_306 = tpu.memref_slice %arg10[%dma_start3A_303, %dma_start3A_304, %dma_start3A_305] : memref<4x64x128xf32, #tpu.memory_space<vmem>> -> memref<1x64x128xf32, #tpu.memory_space<vmem>>
        %dma_start3A_307 = tpu.memref_squeeze %dma_start3A_306 : memref<1x64x128xf32, #tpu.memory_space<vmem>> -> memref<64x128xf32, #tpu.memory_space<vmem>>
        %dma_start3A_308 = arith.constant 0 : i32
        %dma_start3A_309 = arith.constant 0 : i32
        %dma_start3A_310 = tpu.memref_slice %arg9[%scan3A_164, %dma_start3A_308, %dma_start3A_309] : memref<2x32x64xi32, #tpu.memory_space<vmem>> -> memref<1x32x64xi32, #tpu.memory_space<vmem>>
        %dma_start3A_311 = tpu.memref_squeeze %dma_start3A_310 : memref<1x32x64xi32, #tpu.memory_space<vmem>> -> memref<32x64xi32, #tpu.memory_space<vmem>>
        %dma_start3A_312 = arith.constant 0 : i32
        %dma_start3A_313 = tpu.memref_slice %dma_start3A_311[%add3A_282, %dma_start3A_312] : memref<32x64xi32, #tpu.memory_space<vmem>> -> memref<1x64xi32, #tpu.memory_space<vmem>>
        %dma_start3A_314 = tpu.memref_squeeze %dma_start3A_313 : memref<1x64xi32, #tpu.memory_space<vmem>> -> memref<64xi32, #tpu.memory_space<vmem>>
        %dma_start3A_315 = arith.constant 0 : i32
        %dma_start3A_316 = arith.constant 0 : i32
        %dma_start3A_317 = tpu.memref_slice %arg12[%dma_start3A_315, %dma_start3A_316] : memref<10016x128xf32, #tpu.memory_space<vmem_shared>> -> memref<10016x128xf32, #tpu.memory_space<vmem_shared>>
        tpu.enqueue_indirect_dma source(%dma_start3A_307 : memref<64x128xf32, #tpu.memory_space<vmem>>) target(%dma_start3A_317 : memref<10016x128xf32, #tpu.memory_space<vmem_shared>>) offsets(%dma_start3A_314 : memref<64xi32, #tpu.memory_space<vmem>>) semaphore(%arg14 : memref<!tpu.dma_semaphore, #tpu.memory_space<semaphore_mem>>) {add = true}
        %gt3A_318 = arith.constant 0 : i32
        %gt3A_319 = arith.cmpi sgt, %scan3A_219, %gt3A_318 : i32
        %convert_element_type3A_320 = arith.extui %gt3A_319 : i1 to i32
        %cond3A_321 = arith.constant 0 : i32
        %cond3A_322 = arith.cmpi ne, %convert_element_type3A_320, %cond3A_321 : i32
        scf.if %cond3A_322 {
          %dma_wait3A_458 = arith.constant 3 : i32
          %dma_wait3A_459 = arith.constant 0 : i32
          %dma_wait3A_460 = arith.constant 0 : i32
          %dma_wait3A_461 = arith.constant 0 : i32
          %dma_wait3A_462 = tpu.memref_slice %arg10[%dma_wait3A_458, %dma_wait3A_460, %dma_wait3A_461] : memref<4x64x128xf32, #tpu.memory_space<vmem>> -> memref<1x64x128xf32, #tpu.memory_space<vmem>>
          %dma_wait3A_463 = tpu.memref_squeeze %dma_wait3A_462 : memref<1x64x128xf32, #tpu.memory_space<vmem>> -> memref<64x128xf32, #tpu.memory_space<vmem>>
          %dma_wait3A_464 = arith.constant 0 : i32
          %dma_wait3A_465 = arith.constant 0 : i32
          %dma_wait3A_466 = tpu.memref_slice %arg9[%scan3A_164, %dma_wait3A_464, %dma_wait3A_465] : memref<2x32x64xi32, #tpu.memory_space<vmem>> -> memref<1x32x64xi32, #tpu.memory_space<vmem>>
          %dma_wait3A_467 = tpu.memref_squeeze %dma_wait3A_466 : memref<1x32x64xi32, #tpu.memory_space<vmem>> -> memref<32x64xi32, #tpu.memory_space<vmem>>
          %dma_wait3A_468 = arith.constant 0 : i32
          %dma_wait3A_469 = tpu.memref_slice %dma_wait3A_467[%dma_wait3A_459, %dma_wait3A_468] : memref<32x64xi32, #tpu.memory_space<vmem>> -> memref<1x64xi32, #tpu.memory_space<vmem>>
          %dma_wait3A_470 = tpu.memref_squeeze %dma_wait3A_469 : memref<1x64xi32, #tpu.memory_space<vmem>> -> memref<64xi32, #tpu.memory_space<vmem>>
          %dma_wait3A_471 = arith.constant 0 : i32
          %dma_wait3A_472 = arith.constant 0 : i32
          %dma_wait3A_473 = tpu.memref_slice %arg12[%dma_wait3A_471, %dma_wait3A_472] : memref<10016x128xf32, #tpu.memory_space<vmem_shared>> -> memref<10016x128xf32, #tpu.memory_space<vmem_shared>>
          tpu.wait_indirect_dma semaphore(%arg14 : memref<!tpu.dma_semaphore, #tpu.memory_space<semaphore_mem>>) src(%dma_wait3A_463 : memref<64x128xf32, #tpu.memory_space<vmem>>) dst(%dma_wait3A_473 : memref<10016x128xf32, #tpu.memory_space<vmem_shared>>)
        } else {
        }
        %dma_start3A_323 = arith.constant 3 : i32
        %dma_start3A_324 = arith.constant 0 : i32
        %dma_start3A_325 = arith.constant 0 : i32
        %dma_start3A_326 = tpu.memref_slice %arg10[%dma_start3A_323, %dma_start3A_324, %dma_start3A_325] : memref<4x64x128xf32, #tpu.memory_space<vmem>> -> memref<1x64x128xf32, #tpu.memory_space<vmem>>
        %dma_start3A_327 = tpu.memref_squeeze %dma_start3A_326 : memref<1x64x128xf32, #tpu.memory_space<vmem>> -> memref<64x128xf32, #tpu.memory_space<vmem>>
        %dma_start3A_328 = arith.constant 0 : i32
        %dma_start3A_329 = arith.constant 0 : i32
        %dma_start3A_330 = tpu.memref_slice %arg8[%scan3A_163, %dma_start3A_328, %dma_start3A_329] : memref<2x32x64xi32, #tpu.memory_space<vmem>> -> memref<1x32x64xi32, #tpu.memory_space<vmem>>
        %dma_start3A_331 = tpu.memref_squeeze %dma_start3A_330 : memref<1x32x64xi32, #tpu.memory_space<vmem>> -> memref<32x64xi32, #tpu.memory_space<vmem>>
        %dma_start3A_332 = arith.constant 0 : i32
        %dma_start3A_333 = tpu.memref_slice %dma_start3A_331[%sub3A_286, %dma_start3A_332] : memref<32x64xi32, #tpu.memory_space<vmem>> -> memref<1x64xi32, #tpu.memory_space<vmem>>
        %dma_start3A_334 = tpu.memref_squeeze %dma_start3A_333 : memref<1x64xi32, #tpu.memory_space<vmem>> -> memref<64xi32, #tpu.memory_space<vmem>>
        %dma_start3A_335 = arith.constant 0 : i32
        %dma_start3A_336 = arith.constant 0 : i32
        %dma_start3A_337 = tpu.memref_slice %arg2[%dma_start3A_335, %dma_start3A_336] : memref<20000x128xf32, #tpu.memory_space<hbm>> -> memref<20000x128xf32, #tpu.memory_space<hbm>>
        tpu.enqueue_indirect_dma source(%dma_start3A_337 : memref<20000x128xf32, #tpu.memory_space<hbm>>) target(%dma_start3A_327 : memref<64x128xf32, #tpu.memory_space<vmem>>) offsets(%dma_start3A_334 : memref<64xi32, #tpu.memory_space<vmem>>) semaphore(%arg13 : memref<!tpu.dma_semaphore, #tpu.memory_space<semaphore_mem>>)
        %mul3A_338 = arith.constant 4 : i32
        %mul3A_339 = arith.muli %scan3A_219, %mul3A_338 : i32
        %add3A_340 = arith.constant 2 : i32
        %add3A_341 = arith.addi %mul3A_339, %add3A_340 : i32
        %add3A_342 = arith.constant 4 : i32
        %add3A_343 = arith.addi %add3A_341, %add3A_342 : i32
        %sub3A_344 = arith.constant 2 : i32
        %sub3A_345 = arith.subi %add3A_343, %sub3A_344 : i32
        %dma_wait3A_346 = arith.constant 0 : i32
        %dma_wait3A_347 = arith.constant 2 : i32
        %dma_wait3A_348 = arith.constant 0 : i32
        %dma_wait3A_349 = arith.constant 0 : i32
        %dma_wait3A_350 = tpu.memref_slice %arg10[%dma_wait3A_347, %dma_wait3A_348, %dma_wait3A_349] : memref<4x64x128xf32, #tpu.memory_space<vmem>> -> memref<1x64x128xf32, #tpu.memory_space<vmem>>
        %dma_wait3A_351 = tpu.memref_squeeze %dma_wait3A_350 : memref<1x64x128xf32, #tpu.memory_space<vmem>> -> memref<64x128xf32, #tpu.memory_space<vmem>>
        %dma_wait3A_352 = arith.constant 0 : i32
        %dma_wait3A_353 = arith.constant 0 : i32
        %dma_wait3A_354 = tpu.memref_slice %arg8[%scan3A_163, %dma_wait3A_352, %dma_wait3A_353] : memref<2x32x64xi32, #tpu.memory_space<vmem>> -> memref<1x32x64xi32, #tpu.memory_space<vmem>>
        %dma_wait3A_355 = tpu.memref_squeeze %dma_wait3A_354 : memref<1x32x64xi32, #tpu.memory_space<vmem>> -> memref<32x64xi32, #tpu.memory_space<vmem>>
        %dma_wait3A_356 = arith.constant 0 : i32
        %dma_wait3A_357 = tpu.memref_slice %dma_wait3A_355[%dma_wait3A_346, %dma_wait3A_356] : memref<32x64xi32, #tpu.memory_space<vmem>> -> memref<1x64xi32, #tpu.memory_space<vmem>>
        %dma_wait3A_358 = tpu.memref_squeeze %dma_wait3A_357 : memref<1x64xi32, #tpu.memory_space<vmem>> -> memref<64xi32, #tpu.memory_space<vmem>>
        %dma_wait3A_359 = arith.constant 0 : i32
        %dma_wait3A_360 = arith.constant 0 : i32
        %dma_wait3A_361 = tpu.memref_slice %arg2[%dma_wait3A_359, %dma_wait3A_360] : memref<20000x128xf32, #tpu.memory_space<hbm>> -> memref<20000x128xf32, #tpu.memory_space<hbm>>
        tpu.wait_indirect_dma semaphore(%arg13 : memref<!tpu.dma_semaphore, #tpu.memory_space<semaphore_mem>>) src(%dma_wait3A_361 : memref<20000x128xf32, #tpu.memory_space<hbm>>) dst(%dma_wait3A_351 : memref<64x128xf32, #tpu.memory_space<vmem>>)
        %dma_start3A_362 = arith.constant 2 : i32
        %dma_start3A_363 = arith.constant 0 : i32
        %dma_start3A_364 = arith.constant 0 : i32
        %dma_start3A_365 = tpu.memref_slice %arg10[%dma_start3A_362, %dma_start3A_363, %dma_start3A_364] : memref<4x64x128xf32, #tpu.memory_space<vmem>> -> memref<1x64x128xf32, #tpu.memory_space<vmem>>
        %dma_start3A_366 = tpu.memref_squeeze %dma_start3A_365 : memref<1x64x128xf32, #tpu.memory_space<vmem>> -> memref<64x128xf32, #tpu.memory_space<vmem>>
        %dma_start3A_367 = arith.constant 0 : i32
        %dma_start3A_368 = arith.constant 0 : i32
        %dma_start3A_369 = tpu.memref_slice %arg9[%scan3A_164, %dma_start3A_367, %dma_start3A_368] : memref<2x32x64xi32, #tpu.memory_space<vmem>> -> memref<1x32x64xi32, #tpu.memory_space<vmem>>
        %dma_start3A_370 = tpu.memref_squeeze %dma_start3A_369 : memref<1x32x64xi32, #tpu.memory_space<vmem>> -> memref<32x64xi32, #tpu.memory_space<vmem>>
        %dma_start3A_371 = arith.constant 0 : i32
        %dma_start3A_372 = tpu.memref_slice %dma_start3A_370[%add3A_341, %dma_start3A_371] : memref<32x64xi32, #tpu.memory_space<vmem>> -> memref<1x64xi32, #tpu.memory_space<vmem>>
        %dma_start3A_373 = tpu.memref_squeeze %dma_start3A_372 : memref<1x64xi32, #tpu.memory_space<vmem>> -> memref<64xi32, #tpu.memory_space<vmem>>
        %dma_start3A_374 = arith.constant 0 : i32
        %dma_start3A_375 = arith.constant 0 : i32
        %dma_start3A_376 = tpu.memref_slice %arg12[%dma_start3A_374, %dma_start3A_375] : memref<10016x128xf32, #tpu.memory_space<vmem_shared>> -> memref<10016x128xf32, #tpu.memory_space<vmem_shared>>
        tpu.enqueue_indirect_dma source(%dma_start3A_366 : memref<64x128xf32, #tpu.memory_space<vmem>>) target(%dma_start3A_376 : memref<10016x128xf32, #tpu.memory_space<vmem_shared>>) offsets(%dma_start3A_373 : memref<64xi32, #tpu.memory_space<vmem>>) semaphore(%arg14 : memref<!tpu.dma_semaphore, #tpu.memory_space<semaphore_mem>>) {add = true}
        %dma_wait3A_377 = arith.constant 0 : i32
        %dma_wait3A_378 = arith.constant 0 : i32
        %dma_wait3A_379 = arith.constant 0 : i32
        %dma_wait3A_380 = arith.constant 0 : i32
        %dma_wait3A_381 = tpu.memref_slice %arg10[%dma_wait3A_377, %dma_wait3A_379, %dma_wait3A_380] : memref<4x64x128xf32, #tpu.memory_space<vmem>> -> memref<1x64x128xf32, #tpu.memory_space<vmem>>
        %dma_wait3A_382 = tpu.memref_squeeze %dma_wait3A_381 : memref<1x64x128xf32, #tpu.memory_space<vmem>> -> memref<64x128xf32, #tpu.memory_space<vmem>>
        %dma_wait3A_383 = arith.constant 0 : i32
        %dma_wait3A_384 = arith.constant 0 : i32
        %dma_wait3A_385 = tpu.memref_slice %arg9[%scan3A_164, %dma_wait3A_383, %dma_wait3A_384] : memref<2x32x64xi32, #tpu.memory_space<vmem>> -> memref<1x32x64xi32, #tpu.memory_space<vmem>>
        %dma_wait3A_386 = tpu.memref_squeeze %dma_wait3A_385 : memref<1x32x64xi32, #tpu.memory_space<vmem>> -> memref<32x64xi32, #tpu.memory_space<vmem>>
        %dma_wait3A_387 = arith.constant 0 : i32
        %dma_wait3A_388 = tpu.memref_slice %dma_wait3A_386[%dma_wait3A_378, %dma_wait3A_387] : memref<32x64xi32, #tpu.memory_space<vmem>> -> memref<1x64xi32, #tpu.memory_space<vmem>>
        %dma_wait3A_389 = tpu.memref_squeeze %dma_wait3A_388 : memref<1x64xi32, #tpu.memory_space<vmem>> -> memref<64xi32, #tpu.memory_space<vmem>>
        %dma_wait3A_390 = arith.constant 0 : i32
        %dma_wait3A_391 = arith.constant 0 : i32
        %dma_wait3A_392 = tpu.memref_slice %arg12[%dma_wait3A_390, %dma_wait3A_391] : memref<10016x128xf32, #tpu.memory_space<vmem_shared>> -> memref<10016x128xf32, #tpu.memory_space<vmem_shared>>
        tpu.wait_indirect_dma semaphore(%arg14 : memref<!tpu.dma_semaphore, #tpu.memory_space<semaphore_mem>>) src(%dma_wait3A_382 : memref<64x128xf32, #tpu.memory_space<vmem>>) dst(%dma_wait3A_392 : memref<10016x128xf32, #tpu.memory_space<vmem_shared>>)
        %lt3A_393 = arith.constant 7 : i32
        %lt3A_394 = arith.cmpi slt, %scan3A_219, %lt3A_393 : i32
        %convert_element_type3A_395 = arith.extui %lt3A_394 : i1 to i32
        %cond3A_396 = arith.constant 0 : i32
        %cond3A_397 = arith.cmpi ne, %convert_element_type3A_395, %cond3A_396 : i32
        scf.if %cond3A_397 {
          %dma_start3A_458 = arith.constant 0 : i32
          %dma_start3A_459 = arith.constant 0 : i32
          %dma_start3A_460 = arith.constant 0 : i32
          %dma_start3A_461 = tpu.memref_slice %arg10[%dma_start3A_458, %dma_start3A_459, %dma_start3A_460] : memref<4x64x128xf32, #tpu.memory_space<vmem>> -> memref<1x64x128xf32, #tpu.memory_space<vmem>>
          %dma_start3A_462 = tpu.memref_squeeze %dma_start3A_461 : memref<1x64x128xf32, #tpu.memory_space<vmem>> -> memref<64x128xf32, #tpu.memory_space<vmem>>
          %dma_start3A_463 = arith.constant 0 : i32
          %dma_start3A_464 = arith.constant 0 : i32
          %dma_start3A_465 = tpu.memref_slice %arg8[%scan3A_163, %dma_start3A_463, %dma_start3A_464] : memref<2x32x64xi32, #tpu.memory_space<vmem>> -> memref<1x32x64xi32, #tpu.memory_space<vmem>>
          %dma_start3A_466 = tpu.memref_squeeze %dma_start3A_465 : memref<1x32x64xi32, #tpu.memory_space<vmem>> -> memref<32x64xi32, #tpu.memory_space<vmem>>
          %dma_start3A_467 = arith.constant 0 : i32
          %dma_start3A_468 = tpu.memref_slice %dma_start3A_466[%sub3A_345, %dma_start3A_467] : memref<32x64xi32, #tpu.memory_space<vmem>> -> memref<1x64xi32, #tpu.memory_space<vmem>>
          %dma_start3A_469 = tpu.memref_squeeze %dma_start3A_468 : memref<1x64xi32, #tpu.memory_space<vmem>> -> memref<64xi32, #tpu.memory_space<vmem>>
          %dma_start3A_470 = arith.constant 0 : i32
          %dma_start3A_471 = arith.constant 0 : i32
          %dma_start3A_472 = tpu.memref_slice %arg2[%dma_start3A_470, %dma_start3A_471] : memref<20000x128xf32, #tpu.memory_space<hbm>> -> memref<20000x128xf32, #tpu.memory_space<hbm>>
          tpu.enqueue_indirect_dma source(%dma_start3A_472 : memref<20000x128xf32, #tpu.memory_space<hbm>>) target(%dma_start3A_462 : memref<64x128xf32, #tpu.memory_space<vmem>>) offsets(%dma_start3A_469 : memref<64xi32, #tpu.memory_space<vmem>>) semaphore(%arg13 : memref<!tpu.dma_semaphore, #tpu.memory_space<semaphore_mem>>)
        } else {
        }
        %mul3A_398 = arith.constant 4 : i32
        %mul3A_399 = arith.muli %scan3A_219, %mul3A_398 : i32
        %add3A_400 = arith.constant 3 : i32
        %add3A_401 = arith.addi %mul3A_399, %add3A_400 : i32
        %add3A_402 = arith.constant 4 : i32
        %add3A_403 = arith.addi %add3A_401, %add3A_402 : i32
        %sub3A_404 = arith.constant 2 : i32
        %sub3A_405 = arith.subi %add3A_403, %sub3A_404 : i32
        %dma_wait3A_406 = arith.constant 0 : i32
        %dma_wait3A_407 = arith.constant 3 : i32
        %dma_wait3A_408 = arith.constant 0 : i32
        %dma_wait3A_409 = arith.constant 0 : i32
        %dma_wait3A_410 = tpu.memref_slice %arg10[%dma_wait3A_407, %dma_wait3A_408, %dma_wait3A_409] : memref<4x64x128xf32, #tpu.memory_space<vmem>> -> memref<1x64x128xf32, #tpu.memory_space<vmem>>
        %dma_wait3A_411 = tpu.memref_squeeze %dma_wait3A_410 : memref<1x64x128xf32, #tpu.memory_space<vmem>> -> memref<64x128xf32, #tpu.memory_space<vmem>>
        %dma_wait3A_412 = arith.constant 0 : i32
        %dma_wait3A_413 = arith.constant 0 : i32
        %dma_wait3A_414 = tpu.memref_slice %arg8[%scan3A_163, %dma_wait3A_412, %dma_wait3A_413] : memref<2x32x64xi32, #tpu.memory_space<vmem>> -> memref<1x32x64xi32, #tpu.memory_space<vmem>>
        %dma_wait3A_415 = tpu.memref_squeeze %dma_wait3A_414 : memref<1x32x64xi32, #tpu.memory_space<vmem>> -> memref<32x64xi32, #tpu.memory_space<vmem>>
        %dma_wait3A_416 = arith.constant 0 : i32
        %dma_wait3A_417 = tpu.memref_slice %dma_wait3A_415[%dma_wait3A_406, %dma_wait3A_416] : memref<32x64xi32, #tpu.memory_space<vmem>> -> memref<1x64xi32, #tpu.memory_space<vmem>>
        %dma_wait3A_418 = tpu.memref_squeeze %dma_wait3A_417 : memref<1x64xi32, #tpu.memory_space<vmem>> -> memref<64xi32, #tpu.memory_space<vmem>>
        %dma_wait3A_419 = arith.constant 0 : i32
        %dma_wait3A_420 = arith.constant 0 : i32
        %dma_wait3A_421 = tpu.memref_slice %arg2[%dma_wait3A_419, %dma_wait3A_420] : memref<20000x128xf32, #tpu.memory_space<hbm>> -> memref<20000x128xf32, #tpu.memory_space<hbm>>
        tpu.wait_indirect_dma semaphore(%arg13 : memref<!tpu.dma_semaphore, #tpu.memory_space<semaphore_mem>>) src(%dma_wait3A_421 : memref<20000x128xf32, #tpu.memory_space<hbm>>) dst(%dma_wait3A_411 : memref<64x128xf32, #tpu.memory_space<vmem>>)
        %dma_start3A_422 = arith.constant 3 : i32
        %dma_start3A_423 = arith.constant 0 : i32
        %dma_start3A_424 = arith.constant 0 : i32
        %dma_start3A_425 = tpu.memref_slice %arg10[%dma_start3A_422, %dma_start3A_423, %dma_start3A_424] : memref<4x64x128xf32, #tpu.memory_space<vmem>> -> memref<1x64x128xf32, #tpu.memory_space<vmem>>
        %dma_start3A_426 = tpu.memref_squeeze %dma_start3A_425 : memref<1x64x128xf32, #tpu.memory_space<vmem>> -> memref<64x128xf32, #tpu.memory_space<vmem>>
        %dma_start3A_427 = arith.constant 0 : i32
        %dma_start3A_428 = arith.constant 0 : i32
        %dma_start3A_429 = tpu.memref_slice %arg9[%scan3A_164, %dma_start3A_427, %dma_start3A_428] : memref<2x32x64xi32, #tpu.memory_space<vmem>> -> memref<1x32x64xi32, #tpu.memory_space<vmem>>
        %dma_start3A_430 = tpu.memref_squeeze %dma_start3A_429 : memref<1x32x64xi32, #tpu.memory_space<vmem>> -> memref<32x64xi32, #tpu.memory_space<vmem>>
        %dma_start3A_431 = arith.constant 0 : i32
        %dma_start3A_432 = tpu.memref_slice %dma_start3A_430[%add3A_401, %dma_start3A_431] : memref<32x64xi32, #tpu.memory_space<vmem>> -> memref<1x64xi32, #tpu.memory_space<vmem>>
        %dma_start3A_433 = tpu.memref_squeeze %dma_start3A_432 : memref<1x64xi32, #tpu.memory_space<vmem>> -> memref<64xi32, #tpu.memory_space<vmem>>
        %dma_start3A_434 = arith.constant 0 : i32
        %dma_start3A_435 = arith.constant 0 : i32
        %dma_start3A_436 = tpu.memref_slice %arg12[%dma_start3A_434, %dma_start3A_435] : memref<10016x128xf32, #tpu.memory_space<vmem_shared>> -> memref<10016x128xf32, #tpu.memory_space<vmem_shared>>
        tpu.enqueue_indirect_dma source(%dma_start3A_426 : memref<64x128xf32, #tpu.memory_space<vmem>>) target(%dma_start3A_436 : memref<10016x128xf32, #tpu.memory_space<vmem_shared>>) offsets(%dma_start3A_433 : memref<64xi32, #tpu.memory_space<vmem>>) semaphore(%arg14 : memref<!tpu.dma_semaphore, #tpu.memory_space<semaphore_mem>>) {add = true}
        %dma_wait3A_437 = arith.constant 1 : i32
        %dma_wait3A_438 = arith.constant 0 : i32
        %dma_wait3A_439 = arith.constant 0 : i32
        %dma_wait3A_440 = arith.constant 0 : i32
        %dma_wait3A_441 = tpu.memref_slice %arg10[%dma_wait3A_437, %dma_wait3A_439, %dma_wait3A_440] : memref<4x64x128xf32, #tpu.memory_space<vmem>> -> memref<1x64x128xf32, #tpu.memory_space<vmem>>
        %dma_wait3A_442 = tpu.memref_squeeze %dma_wait3A_441 : memref<1x64x128xf32, #tpu.memory_space<vmem>> -> memref<64x128xf32, #tpu.memory_space<vmem>>
        %dma_wait3A_443 = arith.constant 0 : i32
        %dma_wait3A_444 = arith.constant 0 : i32
        %dma_wait3A_445 = tpu.memref_slice %arg9[%scan3A_164, %dma_wait3A_443, %dma_wait3A_444] : memref<2x32x64xi32, #tpu.memory_space<vmem>> -> memref<1x32x64xi32, #tpu.memory_space<vmem>>
        %dma_wait3A_446 = tpu.memref_squeeze %dma_wait3A_445 : memref<1x32x64xi32, #tpu.memory_space<vmem>> -> memref<32x64xi32, #tpu.memory_space<vmem>>
        %dma_wait3A_447 = arith.constant 0 : i32
        %dma_wait3A_448 = tpu.memref_slice %dma_wait3A_446[%dma_wait3A_438, %dma_wait3A_447] : memref<32x64xi32, #tpu.memory_space<vmem>> -> memref<1x64xi32, #tpu.memory_space<vmem>>
        %dma_wait3A_449 = tpu.memref_squeeze %dma_wait3A_448 : memref<1x64xi32, #tpu.memory_space<vmem>> -> memref<64xi32, #tpu.memory_space<vmem>>
        %dma_wait3A_450 = arith.constant 0 : i32
        %dma_wait3A_451 = arith.constant 0 : i32
        %dma_wait3A_452 = tpu.memref_slice %arg12[%dma_wait3A_450, %dma_wait3A_451] : memref<10016x128xf32, #tpu.memory_space<vmem_shared>> -> memref<10016x128xf32, #tpu.memory_space<vmem_shared>>
        tpu.wait_indirect_dma semaphore(%arg14 : memref<!tpu.dma_semaphore, #tpu.memory_space<semaphore_mem>>) src(%dma_wait3A_442 : memref<64x128xf32, #tpu.memory_space<vmem>>) dst(%dma_wait3A_452 : memref<10016x128xf32, #tpu.memory_space<vmem_shared>>)
        %lt3A_453 = arith.constant 7 : i32
        %lt3A_454 = arith.cmpi slt, %scan3A_219, %lt3A_453 : i32
        %convert_element_type3A_455 = arith.extui %lt3A_454 : i1 to i32
        %cond3A_456 = arith.constant 0 : i32
        %cond3A_457 = arith.cmpi ne, %convert_element_type3A_455, %cond3A_456 : i32
        scf.if %cond3A_457 {
          %dma_start3A_458 = arith.constant 1 : i32
          %dma_start3A_459 = arith.constant 0 : i32
          %dma_start3A_460 = arith.constant 0 : i32
          %dma_start3A_461 = tpu.memref_slice %arg10[%dma_start3A_458, %dma_start3A_459, %dma_start3A_460] : memref<4x64x128xf32, #tpu.memory_space<vmem>> -> memref<1x64x128xf32, #tpu.memory_space<vmem>>
          %dma_start3A_462 = tpu.memref_squeeze %dma_start3A_461 : memref<1x64x128xf32, #tpu.memory_space<vmem>> -> memref<64x128xf32, #tpu.memory_space<vmem>>
          %dma_start3A_463 = arith.constant 0 : i32
          %dma_start3A_464 = arith.constant 0 : i32
          %dma_start3A_465 = tpu.memref_slice %arg8[%scan3A_163, %dma_start3A_463, %dma_start3A_464] : memref<2x32x64xi32, #tpu.memory_space<vmem>> -> memref<1x32x64xi32, #tpu.memory_space<vmem>>
          %dma_start3A_466 = tpu.memref_squeeze %dma_start3A_465 : memref<1x32x64xi32, #tpu.memory_space<vmem>> -> memref<32x64xi32, #tpu.memory_space<vmem>>
          %dma_start3A_467 = arith.constant 0 : i32
          %dma_start3A_468 = tpu.memref_slice %dma_start3A_466[%sub3A_405, %dma_start3A_467] : memref<32x64xi32, #tpu.memory_space<vmem>> -> memref<1x64xi32, #tpu.memory_space<vmem>>
          %dma_start3A_469 = tpu.memref_squeeze %dma_start3A_468 : memref<1x64xi32, #tpu.memory_space<vmem>> -> memref<64xi32, #tpu.memory_space<vmem>>
          %dma_start3A_470 = arith.constant 0 : i32
          %dma_start3A_471 = arith.constant 0 : i32
          %dma_start3A_472 = tpu.memref_slice %arg2[%dma_start3A_470, %dma_start3A_471] : memref<20000x128xf32, #tpu.memory_space<hbm>> -> memref<20000x128xf32, #tpu.memory_space<hbm>>
          tpu.enqueue_indirect_dma source(%dma_start3A_472 : memref<20000x128xf32, #tpu.memory_space<hbm>>) target(%dma_start3A_462 : memref<64x128xf32, #tpu.memory_space<vmem>>) offsets(%dma_start3A_469 : memref<64xi32, #tpu.memory_space<vmem>>) semaphore(%arg13 : memref<!tpu.dma_semaphore, #tpu.memory_space<semaphore_mem>>)
        } else {
        }
      }
      %scan3A_169 = arith.constant 8 : i32
      %dma_wait3A_170 = arith.constant 2 : i32
      %dma_wait3A_171 = arith.constant 0 : i32
      %dma_wait3A_172 = arith.constant 0 : i32
      %dma_wait3A_173 = arith.constant 0 : i32
      %dma_wait3A_174 = arith.constant 0 : i32
      %dma_wait3A_175 = tpu.memref_slice %arg10[%dma_wait3A_170, %dma_wait3A_173, %dma_wait3A_174] : memref<4x64x128xf32, #tpu.memory_space<vmem>> -> memref<1x64x128xf32, #tpu.memory_space<vmem>>
      %dma_wait3A_176 = tpu.memref_squeeze %dma_wait3A_175 : memref<1x64x128xf32, #tpu.memory_space<vmem>> -> memref<64x128xf32, #tpu.memory_space<vmem>>
      %dma_wait3A_177 = arith.constant 0 : i32
      %dma_wait3A_178 = arith.constant 0 : i32
      %dma_wait3A_179 = tpu.memref_slice %arg9[%dma_wait3A_171, %dma_wait3A_177, %dma_wait3A_178] : memref<2x32x64xi32, #tpu.memory_space<vmem>> -> memref<1x32x64xi32, #tpu.memory_space<vmem>>
      %dma_wait3A_180 = tpu.memref_squeeze %dma_wait3A_179 : memref<1x32x64xi32, #tpu.memory_space<vmem>> -> memref<32x64xi32, #tpu.memory_space<vmem>>
      %dma_wait3A_181 = arith.constant 0 : i32
      %dma_wait3A_182 = tpu.memref_slice %dma_wait3A_180[%dma_wait3A_172, %dma_wait3A_181] : memref<32x64xi32, #tpu.memory_space<vmem>> -> memref<1x64xi32, #tpu.memory_space<vmem>>
      %dma_wait3A_183 = tpu.memref_squeeze %dma_wait3A_182 : memref<1x64xi32, #tpu.memory_space<vmem>> -> memref<64xi32, #tpu.memory_space<vmem>>
      %dma_wait3A_184 = arith.constant 0 : i32
      %dma_wait3A_185 = arith.constant 0 : i32
      %dma_wait3A_186 = tpu.memref_slice %arg12[%dma_wait3A_184, %dma_wait3A_185] : memref<10016x128xf32, #tpu.memory_space<vmem_shared>> -> memref<10016x128xf32, #tpu.memory_space<vmem_shared>>
      tpu.wait_indirect_dma semaphore(%arg14 : memref<!tpu.dma_semaphore, #tpu.memory_space<semaphore_mem>>) src(%dma_wait3A_176 : memref<64x128xf32, #tpu.memory_space<vmem>>) dst(%dma_wait3A_186 : memref<10016x128xf32, #tpu.memory_space<vmem_shared>>)
      %dma_wait3A_187 = arith.constant 3 : i32
      %dma_wait3A_188 = arith.constant 0 : i32
      %dma_wait3A_189 = arith.constant 0 : i32
      %dma_wait3A_190 = arith.constant 0 : i32
      %dma_wait3A_191 = arith.constant 0 : i32
      %dma_wait3A_192 = tpu.memref_slice %arg10[%dma_wait3A_187, %dma_wait3A_190, %dma_wait3A_191] : memref<4x64x128xf32, #tpu.memory_space<vmem>> -> memref<1x64x128xf32, #tpu.memory_space<vmem>>
      %dma_wait3A_193 = tpu.memref_squeeze %dma_wait3A_192 : memref<1x64x128xf32, #tpu.memory_space<vmem>> -> memref<64x128xf32, #tpu.memory_space<vmem>>
      %dma_wait3A_194 = arith.constant 0 : i32
      %dma_wait3A_195 = arith.constant 0 : i32
      %dma_wait3A_196 = tpu.memref_slice %arg9[%dma_wait3A_188, %dma_wait3A_194, %dma_wait3A_195] : memref<2x32x64xi32, #tpu.memory_space<vmem>> -> memref<1x32x64xi32, #tpu.memory_space<vmem>>
      %dma_wait3A_197 = tpu.memref_squeeze %dma_wait3A_196 : memref<1x32x64xi32, #tpu.memory_space<vmem>> -> memref<32x64xi32, #tpu.memory_space<vmem>>
      %dma_wait3A_198 = arith.constant 0 : i32
      %dma_wait3A_199 = tpu.memref_slice %dma_wait3A_197[%dma_wait3A_189, %dma_wait3A_198] : memref<32x64xi32, #tpu.memory_space<vmem>> -> memref<1x64xi32, #tpu.memory_space<vmem>>
      %dma_wait3A_200 = tpu.memref_squeeze %dma_wait3A_199 : memref<1x64xi32, #tpu.memory_space<vmem>> -> memref<64xi32, #tpu.memory_space<vmem>>
      %dma_wait3A_201 = arith.constant 0 : i32
      %dma_wait3A_202 = arith.constant 0 : i32
      %dma_wait3A_203 = tpu.memref_slice %arg12[%dma_wait3A_201, %dma_wait3A_202] : memref<10016x128xf32, #tpu.memory_space<vmem_shared>> -> memref<10016x128xf32, #tpu.memory_space<vmem_shared>>
      tpu.wait_indirect_dma semaphore(%arg14 : memref<!tpu.dma_semaphore, #tpu.memory_space<semaphore_mem>>) src(%dma_wait3A_193 : memref<64x128xf32, #tpu.memory_space<vmem>>) dst(%dma_wait3A_203 : memref<10016x128xf32, #tpu.memory_space<vmem_shared>>)
      %add3A_204 = arith.constant 2 : i32
      %add3A_205 = arith.addi %mul3A_121, %add3A_204 : i32
      %lt3A = arith.cmpi slt, %add3A_205, %squeeze3A : i32
      %convert_element_type3A_206 = arith.extui %lt3A : i1 to i32
      %cond3A_207 = arith.constant 0 : i32
      %cond3A_208 = arith.cmpi ne, %convert_element_type3A_206, %cond3A_207 : i32
      scf.if %cond3A_208 {
        %add3A_219 = arith.constant 2 : i32
        %add3A_220 = arith.addi %mul3A_121, %add3A_219 : i32
        %mul3A_221 = arith.constant 32 : i32
        %mul3A_222 = arith.muli %add3A_220, %mul3A_221 : i32
        %dma_start3A_223 = arith.constant 0 : i32
        %dma_start3A_224 = arith.constant 0 : i32
        %dma_start3A_225 = arith.constant 0 : i32
        %dma_start3A_226 = tpu.memref_slice %arg8[%dma_start3A_223, %dma_start3A_224, %dma_start3A_225] : memref<2x32x64xi32, #tpu.memory_space<vmem>> -> memref<1x32x64xi32, #tpu.memory_space<vmem>>
        %dma_start3A_227 = tpu.memref_squeeze %dma_start3A_226 : memref<1x32x64xi32, #tpu.memory_space<vmem>> -> memref<32x64xi32, #tpu.memory_space<vmem>>
        %dma_start3A_228 = arith.constant 0 : i32
        %dma_start3A_229 = tpu.memref_slice %arg4[%arg0, %arg1, %mul3A_222, %dma_start3A_228] : memref<2x16x320x64xi32, #tpu.memory_space<hbm>> -> memref<1x1x32x64xi32, #tpu.memory_space<hbm>>
        %dma_start3A_230 = tpu.memref_squeeze %dma_start3A_229 : memref<1x1x32x64xi32, #tpu.memory_space<hbm>> -> memref<32x64xi32, #tpu.memory_space<hbm>>
        %dma_start3A_231 = arith.constant 0 : i32
        %dma_start3A_232 = arith.constant 0 : i32
        %dma_start3A_233 = tpu.memref_slice %arg8[%dma_start3A_223, %dma_start3A_231, %dma_start3A_232] : memref<2x32x64xi32, #tpu.memory_space<vmem>> -> memref<1x32x64xi32, #tpu.memory_space<vmem>>
        %dma_start3A_234 = tpu.memref_squeeze %dma_start3A_233 : memref<1x32x64xi32, #tpu.memory_space<vmem>> -> memref<32x64xi32, #tpu.memory_space<vmem>>
        %dma_start3A_235 = arith.constant 0 : i32
        %dma_start3A_236 = tpu.memref_slice %arg4[%arg0, %arg1, %mul3A_222, %dma_start3A_235] : memref<2x16x320x64xi32, #tpu.memory_space<hbm>> -> memref<1x1x32x64xi32, #tpu.memory_space<hbm>>
        %dma_start3A_237 = tpu.memref_squeeze %dma_start3A_236 : memref<1x1x32x64xi32, #tpu.memory_space<hbm>> -> memref<32x64xi32, #tpu.memory_space<hbm>>
        tpu.enqueue_dma source(%dma_start3A_237 : memref<32x64xi32, #tpu.memory_space<hbm>>) target(%dma_start3A_234 : memref<32x64xi32, #tpu.memory_space<vmem>>) target_semaphore(%arg15 : memref<!tpu.dma_semaphore, #tpu.memory_space<semaphore_mem>>)
        %mul3A_238 = arith.constant 32 : i32
        %mul3A_239 = arith.muli %add3A_220, %mul3A_238 : i32
        %dma_start3A_240 = arith.constant 0 : i32
        %dma_start3A_241 = arith.constant 0 : i32
        %dma_start3A_242 = arith.constant 0 : i32
        %dma_start3A_243 = tpu.memref_slice %arg9[%dma_start3A_240, %dma_start3A_241, %dma_start3A_242] : memref<2x32x64xi32, #tpu.memory_space<vmem>> -> memref<1x32x64xi32, #tpu.memory_space<vmem>>
        %dma_start3A_244 = tpu.memref_squeeze %dma_start3A_243 : memref<1x32x64xi32, #tpu.memory_space<vmem>> -> memref<32x64xi32, #tpu.memory_space<vmem>>
        %dma_start3A_245 = arith.constant 0 : i32
        %dma_start3A_246 = tpu.memref_slice %arg5[%arg0, %arg1, %mul3A_239, %dma_start3A_245] : memref<2x16x320x64xi32, #tpu.memory_space<hbm>> -> memref<1x1x32x64xi32, #tpu.memory_space<hbm>>
        %dma_start3A_247 = tpu.memref_squeeze %dma_start3A_246 : memref<1x1x32x64xi32, #tpu.memory_space<hbm>> -> memref<32x64xi32, #tpu.memory_space<hbm>>
        %dma_start3A_248 = arith.constant 0 : i32
        %dma_start3A_249 = arith.constant 0 : i32
        %dma_start3A_250 = tpu.memref_slice %arg9[%dma_start3A_240, %dma_start3A_248, %dma_start3A_249] : memref<2x32x64xi32, #tpu.memory_space<vmem>> -> memref<1x32x64xi32, #tpu.memory_space<vmem>>
        %dma_start3A_251 = tpu.memref_squeeze %dma_start3A_250 : memref<1x32x64xi32, #tpu.memory_space<vmem>> -> memref<32x64xi32, #tpu.memory_space<vmem>>
        %dma_start3A_252 = arith.constant 0 : i32
        %dma_start3A_253 = tpu.memref_slice %arg5[%arg0, %arg1, %mul3A_239, %dma_start3A_252] : memref<2x16x320x64xi32, #tpu.memory_space<hbm>> -> memref<1x1x32x64xi32, #tpu.memory_space<hbm>>
        %dma_start3A_254 = tpu.memref_squeeze %dma_start3A_253 : memref<1x1x32x64xi32, #tpu.memory_space<hbm>> -> memref<32x64xi32, #tpu.memory_space<hbm>>
        tpu.enqueue_dma source(%dma_start3A_254 : memref<32x64xi32, #tpu.memory_space<hbm>>) target(%dma_start3A_251 : memref<32x64xi32, #tpu.memory_space<vmem>>) target_semaphore(%arg15 : memref<!tpu.dma_semaphore, #tpu.memory_space<semaphore_mem>>)
      } else {
      }
      %lt3A_209 = arith.cmpi slt, %add3A_123, %squeeze3A : i32
      %convert_element_type3A_210 = arith.extui %lt3A_209 : i1 to i32
      %cond3A_211 = arith.constant 0 : i32
      %cond3A_212 = arith.cmpi ne, %convert_element_type3A_210, %cond3A_211 : i32
      scf.if %cond3A_212 {
        %dma_wait3A_219 = arith.constant 1 : i32
        %dma_wait3A_220 = arith.constant 0 : i32
        %dma_wait3A_221 = arith.constant 0 : i32
        %dma_wait3A_222 = tpu.memref_slice %arg8[%dma_wait3A_219, %dma_wait3A_220, %dma_wait3A_221] : memref<2x32x64xi32, #tpu.memory_space<vmem>> -> memref<1x32x64xi32, #tpu.memory_space<vmem>>
        %dma_wait3A_223 = tpu.memref_squeeze %dma_wait3A_222 : memref<1x32x64xi32, #tpu.memory_space<vmem>> -> memref<32x64xi32, #tpu.memory_space<vmem>>
        %dma_wait3A_224 = arith.constant 0 : i32
        %dma_wait3A_225 = arith.constant 0 : i32
        %dma_wait3A_226 = tpu.memref_slice %arg4[%arg0, %arg1, %dma_wait3A_224, %dma_wait3A_225] : memref<2x16x320x64xi32, #tpu.memory_space<hbm>> -> memref<1x1x32x64xi32, #tpu.memory_space<hbm>>
        %dma_wait3A_227 = tpu.memref_squeeze %dma_wait3A_226 : memref<1x1x32x64xi32, #tpu.memory_space<hbm>> -> memref<32x64xi32, #tpu.memory_space<hbm>>
        %dma_wait3A_228 = arith.constant 0 : i32
        %dma_wait3A_229 = arith.constant 0 : i32
        %dma_wait3A_230 = tpu.memref_slice %arg8[%dma_wait3A_219, %dma_wait3A_228, %dma_wait3A_229] : memref<2x32x64xi32, #tpu.memory_space<vmem>> -> memref<1x32x64xi32, #tpu.memory_space<vmem>>
        %dma_wait3A_231 = tpu.memref_squeeze %dma_wait3A_230 : memref<1x32x64xi32, #tpu.memory_space<vmem>> -> memref<32x64xi32, #tpu.memory_space<vmem>>
        %dma_wait3A_232 = arith.constant 0 : i32
        %dma_wait3A_233 = arith.constant 0 : i32
        %dma_wait3A_234 = tpu.memref_slice %arg4[%arg0, %arg1, %dma_wait3A_232, %dma_wait3A_233] : memref<2x16x320x64xi32, #tpu.memory_space<hbm>> -> memref<1x1x32x64xi32, #tpu.memory_space<hbm>>
        %dma_wait3A_235 = tpu.memref_squeeze %dma_wait3A_234 : memref<1x1x32x64xi32, #tpu.memory_space<hbm>> -> memref<32x64xi32, #tpu.memory_space<hbm>>
        tpu.wait_dma2 semaphore(%arg16 : memref<!tpu.dma_semaphore, #tpu.memory_space<semaphore_mem>>) src(%dma_wait3A_235 : memref<32x64xi32, #tpu.memory_space<hbm>>) dst(%dma_wait3A_231 : memref<32x64xi32, #tpu.memory_space<vmem>>)
        %dma_wait3A_236 = arith.constant 1 : i32
        %dma_wait3A_237 = arith.constant 0 : i32
        %dma_wait3A_238 = arith.constant 0 : i32
        %dma_wait3A_239 = tpu.memref_slice %arg9[%dma_wait3A_236, %dma_wait3A_237, %dma_wait3A_238] : memref<2x32x64xi32, #tpu.memory_space<vmem>> -> memref<1x32x64xi32, #tpu.memory_space<vmem>>
        %dma_wait3A_240 = tpu.memref_squeeze %dma_wait3A_239 : memref<1x32x64xi32, #tpu.memory_space<vmem>> -> memref<32x64xi32, #tpu.memory_space<vmem>>
        %dma_wait3A_241 = arith.constant 0 : i32
        %dma_wait3A_242 = arith.constant 0 : i32
        %dma_wait3A_243 = tpu.memref_slice %arg5[%arg0, %arg1, %dma_wait3A_241, %dma_wait3A_242] : memref<2x16x320x64xi32, #tpu.memory_space<hbm>> -> memref<1x1x32x64xi32, #tpu.memory_space<hbm>>
        %dma_wait3A_244 = tpu.memref_squeeze %dma_wait3A_243 : memref<1x1x32x64xi32, #tpu.memory_space<hbm>> -> memref<32x64xi32, #tpu.memory_space<hbm>>
        %dma_wait3A_245 = arith.constant 0 : i32
        %dma_wait3A_246 = arith.constant 0 : i32
        %dma_wait3A_247 = tpu.memref_slice %arg9[%dma_wait3A_236, %dma_wait3A_245, %dma_wait3A_246] : memref<2x32x64xi32, #tpu.memory_space<vmem>> -> memref<1x32x64xi32, #tpu.memory_space<vmem>>
        %dma_wait3A_248 = tpu.memref_squeeze %dma_wait3A_247 : memref<1x32x64xi32, #tpu.memory_space<vmem>> -> memref<32x64xi32, #tpu.memory_space<vmem>>
        %dma_wait3A_249 = arith.constant 0 : i32
        %dma_wait3A_250 = arith.constant 0 : i32
        %dma_wait3A_251 = tpu.memref_slice %arg5[%arg0, %arg1, %dma_wait3A_249, %dma_wait3A_250] : memref<2x16x320x64xi32, #tpu.memory_space<hbm>> -> memref<1x1x32x64xi32, #tpu.memory_space<hbm>>
        %dma_wait3A_252 = tpu.memref_squeeze %dma_wait3A_251 : memref<1x1x32x64xi32, #tpu.memory_space<hbm>> -> memref<32x64xi32, #tpu.memory_space<hbm>>
        tpu.wait_dma2 semaphore(%arg16 : memref<!tpu.dma_semaphore, #tpu.memory_space<semaphore_mem>>) src(%dma_wait3A_252 : memref<32x64xi32, #tpu.memory_space<hbm>>) dst(%dma_wait3A_248 : memref<32x64xi32, #tpu.memory_space<vmem>>)
        %dma_start3A_253 = arith.constant 1 : i32
        %dma_start3A_254 = arith.constant 0 : i32
        %dma_start3A_255 = arith.constant 0 : i32
        %dma_start3A_256 = arith.constant 0 : i32
        %dma_start3A_257 = arith.constant 0 : i32
        %dma_start3A_258 = tpu.memref_slice %arg10[%dma_start3A_255, %dma_start3A_256, %dma_start3A_257] : memref<4x64x128xf32, #tpu.memory_space<vmem>> -> memref<1x64x128xf32, #tpu.memory_space<vmem>>
        %dma_start3A_259 = tpu.memref_squeeze %dma_start3A_258 : memref<1x64x128xf32, #tpu.memory_space<vmem>> -> memref<64x128xf32, #tpu.memory_space<vmem>>
        %dma_start3A_260 = arith.constant 0 : i32
        %dma_start3A_261 = arith.constant 0 : i32
        %dma_start3A_262 = tpu.memref_slice %arg8[%dma_start3A_253, %dma_start3A_260, %dma_start3A_261] : memref<2x32x64xi32, #tpu.memory_space<vmem>> -> memref<1x32x64xi32, #tpu.memory_space<vmem>>
        %dma_start3A_263 = tpu.memref_squeeze %dma_start3A_262 : memref<1x32x64xi32, #tpu.memory_space<vmem>> -> memref<32x64xi32, #tpu.memory_space<vmem>>
        %dma_start3A_264 = arith.constant 0 : i32
        %dma_start3A_265 = tpu.memref_slice %dma_start3A_263[%dma_start3A_254, %dma_start3A_264] : memref<32x64xi32, #tpu.memory_space<vmem>> -> memref<1x64xi32, #tpu.memory_space<vmem>>
        %dma_start3A_266 = tpu.memref_squeeze %dma_start3A_265 : memref<1x64xi32, #tpu.memory_space<vmem>> -> memref<64xi32, #tpu.memory_space<vmem>>
        %dma_start3A_267 = arith.constant 0 : i32
        %dma_start3A_268 = arith.constant 0 : i32
        %dma_start3A_269 = tpu.memref_slice %arg2[%dma_start3A_267, %dma_start3A_268] : memref<20000x128xf32, #tpu.memory_space<hbm>> -> memref<20000x128xf32, #tpu.memory_space<hbm>>
        tpu.enqueue_indirect_dma source(%dma_start3A_269 : memref<20000x128xf32, #tpu.memory_space<hbm>>) target(%dma_start3A_259 : memref<64x128xf32, #tpu.memory_space<vmem>>) offsets(%dma_start3A_266 : memref<64xi32, #tpu.memory_space<vmem>>) semaphore(%arg13 : memref<!tpu.dma_semaphore, #tpu.memory_space<semaphore_mem>>)
        %dma_start3A_270 = arith.constant 1 : i32
        %dma_start3A_271 = arith.constant 1 : i32
        %dma_start3A_272 = arith.constant 1 : i32
        %dma_start3A_273 = arith.constant 0 : i32
        %dma_start3A_274 = arith.constant 0 : i32
        %dma_start3A_275 = tpu.memref_slice %arg10[%dma_start3A_272, %dma_start3A_273, %dma_start3A_274] : memref<4x64x128xf32, #tpu.memory_space<vmem>> -> memref<1x64x128xf32, #tpu.memory_space<vmem>>
        %dma_start3A_276 = tpu.memref_squeeze %dma_start3A_275 : memref<1x64x128xf32, #tpu.memory_space<vmem>> -> memref<64x128xf32, #tpu.memory_space<vmem>>
        %dma_start3A_277 = arith.constant 0 : i32
        %dma_start3A_278 = arith.constant 0 : i32
        %dma_start3A_279 = tpu.memref_slice %arg8[%dma_start3A_270, %dma_start3A_277, %dma_start3A_278] : memref<2x32x64xi32, #tpu.memory_space<vmem>> -> memref<1x32x64xi32, #tpu.memory_space<vmem>>
        %dma_start3A_280 = tpu.memref_squeeze %dma_start3A_279 : memref<1x32x64xi32, #tpu.memory_space<vmem>> -> memref<32x64xi32, #tpu.memory_space<vmem>>
        %dma_start3A_281 = arith.constant 0 : i32
        %dma_start3A_282 = tpu.memref_slice %dma_start3A_280[%dma_start3A_271, %dma_start3A_281] : memref<32x64xi32, #tpu.memory_space<vmem>> -> memref<1x64xi32, #tpu.memory_space<vmem>>
        %dma_start3A_283 = tpu.memref_squeeze %dma_start3A_282 : memref<1x64xi32, #tpu.memory_space<vmem>> -> memref<64xi32, #tpu.memory_space<vmem>>
        %dma_start3A_284 = arith.constant 0 : i32
        %dma_start3A_285 = arith.constant 0 : i32
        %dma_start3A_286 = tpu.memref_slice %arg2[%dma_start3A_284, %dma_start3A_285] : memref<20000x128xf32, #tpu.memory_space<hbm>> -> memref<20000x128xf32, #tpu.memory_space<hbm>>
        tpu.enqueue_indirect_dma source(%dma_start3A_286 : memref<20000x128xf32, #tpu.memory_space<hbm>>) target(%dma_start3A_276 : memref<64x128xf32, #tpu.memory_space<vmem>>) offsets(%dma_start3A_283 : memref<64xi32, #tpu.memory_space<vmem>>) semaphore(%arg13 : memref<!tpu.dma_semaphore, #tpu.memory_space<semaphore_mem>>)
        %scan3A_287 = arith.constant 0 : i32
        %scan3A_288 = arith.constant 1 : i32
        %scan3A_289 = arith.constant 1 : i32
        %scan3A_290 = arith.constant 0 : i32
        %scan3A_291 = arith.constant 8 : i32
        %scan3A_292 = arith.addi %scan3A_290, %scan3A_291 : i32
        %scan3A_293 = arith.constant 1 : i32
        scf.for %scan3A_329 = %scan3A_290 to %scan3A_292 step %scan3A_293  : i32 {
          %mul3A_330 = arith.constant 4 : i32
          %mul3A_331 = arith.muli %scan3A_329, %mul3A_330 : i32
          %add3A_332 = arith.constant 0 : i32
          %add3A_333 = arith.addi %mul3A_331, %add3A_332 : i32
          %add3A_334 = arith.constant 4 : i32
          %add3A_335 = arith.addi %add3A_333, %add3A_334 : i32
          %sub3A_336 = arith.constant 2 : i32
          %sub3A_337 = arith.subi %add3A_335, %sub3A_336 : i32
          %dma_wait3A_338 = arith.constant 0 : i32
          %dma_wait3A_339 = arith.constant 0 : i32
          %dma_wait3A_340 = arith.constant 0 : i32
          %dma_wait3A_341 = arith.constant 0 : i32
          %dma_wait3A_342 = tpu.memref_slice %arg10[%dma_wait3A_339, %dma_wait3A_340, %dma_wait3A_341] : memref<4x64x128xf32, #tpu.memory_space<vmem>> -> memref<1x64x128xf32, #tpu.memory_space<vmem>>
          %dma_wait3A_343 = tpu.memref_squeeze %dma_wait3A_342 : memref<1x64x128xf32, #tpu.memory_space<vmem>> -> memref<64x128xf32, #tpu.memory_space<vmem>>
          %dma_wait3A_344 = arith.constant 0 : i32
          %dma_wait3A_345 = arith.constant 0 : i32
          %dma_wait3A_346 = tpu.memref_slice %arg8[%scan3A_288, %dma_wait3A_344, %dma_wait3A_345] : memref<2x32x64xi32, #tpu.memory_space<vmem>> -> memref<1x32x64xi32, #tpu.memory_space<vmem>>
          %dma_wait3A_347 = tpu.memref_squeeze %dma_wait3A_346 : memref<1x32x64xi32, #tpu.memory_space<vmem>> -> memref<32x64xi32, #tpu.memory_space<vmem>>
          %dma_wait3A_348 = arith.constant 0 : i32
          %dma_wait3A_349 = tpu.memref_slice %dma_wait3A_347[%dma_wait3A_338, %dma_wait3A_348] : memref<32x64xi32, #tpu.memory_space<vmem>> -> memref<1x64xi32, #tpu.memory_space<vmem>>
          %dma_wait3A_350 = tpu.memref_squeeze %dma_wait3A_349 : memref<1x64xi32, #tpu.memory_space<vmem>> -> memref<64xi32, #tpu.memory_space<vmem>>
          %dma_wait3A_351 = arith.constant 0 : i32
          %dma_wait3A_352 = arith.constant 0 : i32
          %dma_wait3A_353 = tpu.memref_slice %arg2[%dma_wait3A_351, %dma_wait3A_352] : memref<20000x128xf32, #tpu.memory_space<hbm>> -> memref<20000x128xf32, #tpu.memory_space<hbm>>
          tpu.wait_indirect_dma semaphore(%arg13 : memref<!tpu.dma_semaphore, #tpu.memory_space<semaphore_mem>>) src(%dma_wait3A_353 : memref<20000x128xf32, #tpu.memory_space<hbm>>) dst(%dma_wait3A_343 : memref<64x128xf32, #tpu.memory_space<vmem>>)
          %dma_start3A_354 = arith.constant 0 : i32
          %dma_start3A_355 = arith.constant 0 : i32
          %dma_start3A_356 = arith.constant 0 : i32
          %dma_start3A_357 = tpu.memref_slice %arg10[%dma_start3A_354, %dma_start3A_355, %dma_start3A_356] : memref<4x64x128xf32, #tpu.memory_space<vmem>> -> memref<1x64x128xf32, #tpu.memory_space<vmem>>
          %dma_start3A_358 = tpu.memref_squeeze %dma_start3A_357 : memref<1x64x128xf32, #tpu.memory_space<vmem>> -> memref<64x128xf32, #tpu.memory_space<vmem>>
          %dma_start3A_359 = arith.constant 0 : i32
          %dma_start3A_360 = arith.constant 0 : i32
          %dma_start3A_361 = tpu.memref_slice %arg9[%scan3A_289, %dma_start3A_359, %dma_start3A_360] : memref<2x32x64xi32, #tpu.memory_space<vmem>> -> memref<1x32x64xi32, #tpu.memory_space<vmem>>
          %dma_start3A_362 = tpu.memref_squeeze %dma_start3A_361 : memref<1x32x64xi32, #tpu.memory_space<vmem>> -> memref<32x64xi32, #tpu.memory_space<vmem>>
          %dma_start3A_363 = arith.constant 0 : i32
          %dma_start3A_364 = tpu.memref_slice %dma_start3A_362[%add3A_333, %dma_start3A_363] : memref<32x64xi32, #tpu.memory_space<vmem>> -> memref<1x64xi32, #tpu.memory_space<vmem>>
          %dma_start3A_365 = tpu.memref_squeeze %dma_start3A_364 : memref<1x64xi32, #tpu.memory_space<vmem>> -> memref<64xi32, #tpu.memory_space<vmem>>
          %dma_start3A_366 = arith.constant 0 : i32
          %dma_start3A_367 = arith.constant 0 : i32
          %dma_start3A_368 = tpu.memref_slice %arg12[%dma_start3A_366, %dma_start3A_367] : memref<10016x128xf32, #tpu.memory_space<vmem_shared>> -> memref<10016x128xf32, #tpu.memory_space<vmem_shared>>
          tpu.enqueue_indirect_dma source(%dma_start3A_358 : memref<64x128xf32, #tpu.memory_space<vmem>>) target(%dma_start3A_368 : memref<10016x128xf32, #tpu.memory_space<vmem_shared>>) offsets(%dma_start3A_365 : memref<64xi32, #tpu.memory_space<vmem>>) semaphore(%arg14 : memref<!tpu.dma_semaphore, #tpu.memory_space<semaphore_mem>>) {add = true}
          %gt3A_369 = arith.constant 0 : i32
          %gt3A_370 = arith.cmpi sgt, %scan3A_329, %gt3A_369 : i32
          %convert_element_type3A_371 = arith.extui %gt3A_370 : i1 to i32
          %cond3A_372 = arith.constant 0 : i32
          %cond3A_373 = arith.cmpi ne, %convert_element_type3A_371, %cond3A_372 : i32
          scf.if %cond3A_373 {
            %dma_wait3A_568 = arith.constant 2 : i32
            %dma_wait3A_569 = arith.constant 0 : i32
            %dma_wait3A_570 = arith.constant 0 : i32
            %dma_wait3A_571 = arith.constant 0 : i32
            %dma_wait3A_572 = tpu.memref_slice %arg10[%dma_wait3A_568, %dma_wait3A_570, %dma_wait3A_571] : memref<4x64x128xf32, #tpu.memory_space<vmem>> -> memref<1x64x128xf32, #tpu.memory_space<vmem>>
            %dma_wait3A_573 = tpu.memref_squeeze %dma_wait3A_572 : memref<1x64x128xf32, #tpu.memory_space<vmem>> -> memref<64x128xf32, #tpu.memory_space<vmem>>
            %dma_wait3A_574 = arith.constant 0 : i32
            %dma_wait3A_575 = arith.constant 0 : i32
            %dma_wait3A_576 = tpu.memref_slice %arg9[%scan3A_289, %dma_wait3A_574, %dma_wait3A_575] : memref<2x32x64xi32, #tpu.memory_space<vmem>> -> memref<1x32x64xi32, #tpu.memory_space<vmem>>
            %dma_wait3A_577 = tpu.memref_squeeze %dma_wait3A_576 : memref<1x32x64xi32, #tpu.memory_space<vmem>> -> memref<32x64xi32, #tpu.memory_space<vmem>>
            %dma_wait3A_578 = arith.constant 0 : i32
            %dma_wait3A_579 = tpu.memref_slice %dma_wait3A_577[%dma_wait3A_569, %dma_wait3A_578] : memref<32x64xi32, #tpu.memory_space<vmem>> -> memref<1x64xi32, #tpu.memory_space<vmem>>
            %dma_wait3A_580 = tpu.memref_squeeze %dma_wait3A_579 : memref<1x64xi32, #tpu.memory_space<vmem>> -> memref<64xi32, #tpu.memory_space<vmem>>
            %dma_wait3A_581 = arith.constant 0 : i32
            %dma_wait3A_582 = arith.constant 0 : i32
            %dma_wait3A_583 = tpu.memref_slice %arg12[%dma_wait3A_581, %dma_wait3A_582] : memref<10016x128xf32, #tpu.memory_space<vmem_shared>> -> memref<10016x128xf32, #tpu.memory_space<vmem_shared>>
            tpu.wait_indirect_dma semaphore(%arg14 : memref<!tpu.dma_semaphore, #tpu.memory_space<semaphore_mem>>) src(%dma_wait3A_573 : memref<64x128xf32, #tpu.memory_space<vmem>>) dst(%dma_wait3A_583 : memref<10016x128xf32, #tpu.memory_space<vmem_shared>>)
          } else {
          }
          %dma_start3A_374 = arith.constant 2 : i32
          %dma_start3A_375 = arith.constant 0 : i32
          %dma_start3A_376 = arith.constant 0 : i32
          %dma_start3A_377 = tpu.memref_slice %arg10[%dma_start3A_374, %dma_start3A_375, %dma_start3A_376] : memref<4x64x128xf32, #tpu.memory_space<vmem>> -> memref<1x64x128xf32, #tpu.memory_space<vmem>>
          %dma_start3A_378 = tpu.memref_squeeze %dma_start3A_377 : memref<1x64x128xf32, #tpu.memory_space<vmem>> -> memref<64x128xf32, #tpu.memory_space<vmem>>
          %dma_start3A_379 = arith.constant 0 : i32
          %dma_start3A_380 = arith.constant 0 : i32
          %dma_start3A_381 = tpu.memref_slice %arg8[%scan3A_288, %dma_start3A_379, %dma_start3A_380] : memref<2x32x64xi32, #tpu.memory_space<vmem>> -> memref<1x32x64xi32, #tpu.memory_space<vmem>>
          %dma_start3A_382 = tpu.memref_squeeze %dma_start3A_381 : memref<1x32x64xi32, #tpu.memory_space<vmem>> -> memref<32x64xi32, #tpu.memory_space<vmem>>
          %dma_start3A_383 = arith.constant 0 : i32
          %dma_start3A_384 = tpu.memref_slice %dma_start3A_382[%sub3A_337, %dma_start3A_383] : memref<32x64xi32, #tpu.memory_space<vmem>> -> memref<1x64xi32, #tpu.memory_space<vmem>>
          %dma_start3A_385 = tpu.memref_squeeze %dma_start3A_384 : memref<1x64xi32, #tpu.memory_space<vmem>> -> memref<64xi32, #tpu.memory_space<vmem>>
          %dma_start3A_386 = arith.constant 0 : i32
          %dma_start3A_387 = arith.constant 0 : i32
          %dma_start3A_388 = tpu.memref_slice %arg2[%dma_start3A_386, %dma_start3A_387] : memref<20000x128xf32, #tpu.memory_space<hbm>> -> memref<20000x128xf32, #tpu.memory_space<hbm>>
          tpu.enqueue_indirect_dma source(%dma_start3A_388 : memref<20000x128xf32, #tpu.memory_space<hbm>>) target(%dma_start3A_378 : memref<64x128xf32, #tpu.memory_space<vmem>>) offsets(%dma_start3A_385 : memref<64xi32, #tpu.memory_space<vmem>>) semaphore(%arg13 : memref<!tpu.dma_semaphore, #tpu.memory_space<semaphore_mem>>)
          %mul3A_389 = arith.constant 4 : i32
          %mul3A_390 = arith.muli %scan3A_329, %mul3A_389 : i32
          %add3A_391 = arith.constant 1 : i32
          %add3A_392 = arith.addi %mul3A_390, %add3A_391 : i32
          %add3A_393 = arith.constant 4 : i32
          %add3A_394 = arith.addi %add3A_392, %add3A_393 : i32
          %sub3A_395 = arith.constant 2 : i32
          %sub3A_396 = arith.subi %add3A_394, %sub3A_395 : i32
          %dma_wait3A_397 = arith.constant 0 : i32
          %dma_wait3A_398 = arith.constant 1 : i32
          %dma_wait3A_399 = arith.constant 0 : i32
          %dma_wait3A_400 = arith.constant 0 : i32
          %dma_wait3A_401 = tpu.memref_slice %arg10[%dma_wait3A_398, %dma_wait3A_399, %dma_wait3A_400] : memref<4x64x128xf32, #tpu.memory_space<vmem>> -> memref<1x64x128xf32, #tpu.memory_space<vmem>>
          %dma_wait3A_402 = tpu.memref_squeeze %dma_wait3A_401 : memref<1x64x128xf32, #tpu.memory_space<vmem>> -> memref<64x128xf32, #tpu.memory_space<vmem>>
          %dma_wait3A_403 = arith.constant 0 : i32
          %dma_wait3A_404 = arith.constant 0 : i32
          %dma_wait3A_405 = tpu.memref_slice %arg8[%scan3A_288, %dma_wait3A_403, %dma_wait3A_404] : memref<2x32x64xi32, #tpu.memory_space<vmem>> -> memref<1x32x64xi32, #tpu.memory_space<vmem>>
          %dma_wait3A_406 = tpu.memref_squeeze %dma_wait3A_405 : memref<1x32x64xi32, #tpu.memory_space<vmem>> -> memref<32x64xi32, #tpu.memory_space<vmem>>
          %dma_wait3A_407 = arith.constant 0 : i32
          %dma_wait3A_408 = tpu.memref_slice %dma_wait3A_406[%dma_wait3A_397, %dma_wait3A_407] : memref<32x64xi32, #tpu.memory_space<vmem>> -> memref<1x64xi32, #tpu.memory_space<vmem>>
          %dma_wait3A_409 = tpu.memref_squeeze %dma_wait3A_408 : memref<1x64xi32, #tpu.memory_space<vmem>> -> memref<64xi32, #tpu.memory_space<vmem>>
          %dma_wait3A_410 = arith.constant 0 : i32
          %dma_wait3A_411 = arith.constant 0 : i32
          %dma_wait3A_412 = tpu.memref_slice %arg2[%dma_wait3A_410, %dma_wait3A_411] : memref<20000x128xf32, #tpu.memory_space<hbm>> -> memref<20000x128xf32, #tpu.memory_space<hbm>>
          tpu.wait_indirect_dma semaphore(%arg13 : memref<!tpu.dma_semaphore, #tpu.memory_space<semaphore_mem>>) src(%dma_wait3A_412 : memref<20000x128xf32, #tpu.memory_space<hbm>>) dst(%dma_wait3A_402 : memref<64x128xf32, #tpu.memory_space<vmem>>)
          %dma_start3A_413 = arith.constant 1 : i32
          %dma_start3A_414 = arith.constant 0 : i32
          %dma_start3A_415 = arith.constant 0 : i32
          %dma_start3A_416 = tpu.memref_slice %arg10[%dma_start3A_413, %dma_start3A_414, %dma_start3A_415] : memref<4x64x128xf32, #tpu.memory_space<vmem>> -> memref<1x64x128xf32, #tpu.memory_space<vmem>>
          %dma_start3A_417 = tpu.memref_squeeze %dma_start3A_416 : memref<1x64x128xf32, #tpu.memory_space<vmem>> -> memref<64x128xf32, #tpu.memory_space<vmem>>
          %dma_start3A_418 = arith.constant 0 : i32
          %dma_start3A_419 = arith.constant 0 : i32
          %dma_start3A_420 = tpu.memref_slice %arg9[%scan3A_289, %dma_start3A_418, %dma_start3A_419] : memref<2x32x64xi32, #tpu.memory_space<vmem>> -> memref<1x32x64xi32, #tpu.memory_space<vmem>>
          %dma_start3A_421 = tpu.memref_squeeze %dma_start3A_420 : memref<1x32x64xi32, #tpu.memory_space<vmem>> -> memref<32x64xi32, #tpu.memory_space<vmem>>
          %dma_start3A_422 = arith.constant 0 : i32
          %dma_start3A_423 = tpu.memref_slice %dma_start3A_421[%add3A_392, %dma_start3A_422] : memref<32x64xi32, #tpu.memory_space<vmem>> -> memref<1x64xi32, #tpu.memory_space<vmem>>
          %dma_start3A_424 = tpu.memref_squeeze %dma_start3A_423 : memref<1x64xi32, #tpu.memory_space<vmem>> -> memref<64xi32, #tpu.memory_space<vmem>>
          %dma_start3A_425 = arith.constant 0 : i32
          %dma_start3A_426 = arith.constant 0 : i32
          %dma_start3A_427 = tpu.memref_slice %arg12[%dma_start3A_425, %dma_start3A_426] : memref<10016x128xf32, #tpu.memory_space<vmem_shared>> -> memref<10016x128xf32, #tpu.memory_space<vmem_shared>>
          tpu.enqueue_indirect_dma source(%dma_start3A_417 : memref<64x128xf32, #tpu.memory_space<vmem>>) target(%dma_start3A_427 : memref<10016x128xf32, #tpu.memory_space<vmem_shared>>) offsets(%dma_start3A_424 : memref<64xi32, #tpu.memory_space<vmem>>) semaphore(%arg14 : memref<!tpu.dma_semaphore, #tpu.memory_space<semaphore_mem>>) {add = true}
          %gt3A_428 = arith.constant 0 : i32
          %gt3A_429 = arith.cmpi sgt, %scan3A_329, %gt3A_428 : i32
          %convert_element_type3A_430 = arith.extui %gt3A_429 : i1 to i32
          %cond3A_431 = arith.constant 0 : i32
          %cond3A_432 = arith.cmpi ne, %convert_element_type3A_430, %cond3A_431 : i32
          scf.if %cond3A_432 {
            %dma_wait3A_568 = arith.constant 3 : i32
            %dma_wait3A_569 = arith.constant 0 : i32
            %dma_wait3A_570 = arith.constant 0 : i32
            %dma_wait3A_571 = arith.constant 0 : i32
            %dma_wait3A_572 = tpu.memref_slice %arg10[%dma_wait3A_568, %dma_wait3A_570, %dma_wait3A_571] : memref<4x64x128xf32, #tpu.memory_space<vmem>> -> memref<1x64x128xf32, #tpu.memory_space<vmem>>
            %dma_wait3A_573 = tpu.memref_squeeze %dma_wait3A_572 : memref<1x64x128xf32, #tpu.memory_space<vmem>> -> memref<64x128xf32, #tpu.memory_space<vmem>>
            %dma_wait3A_574 = arith.constant 0 : i32
            %dma_wait3A_575 = arith.constant 0 : i32
            %dma_wait3A_576 = tpu.memref_slice %arg9[%scan3A_289, %dma_wait3A_574, %dma_wait3A_575] : memref<2x32x64xi32, #tpu.memory_space<vmem>> -> memref<1x32x64xi32, #tpu.memory_space<vmem>>
            %dma_wait3A_577 = tpu.memref_squeeze %dma_wait3A_576 : memref<1x32x64xi32, #tpu.memory_space<vmem>> -> memref<32x64xi32, #tpu.memory_space<vmem>>
            %dma_wait3A_578 = arith.constant 0 : i32
            %dma_wait3A_579 = tpu.memref_slice %dma_wait3A_577[%dma_wait3A_569, %dma_wait3A_578] : memref<32x64xi32, #tpu.memory_space<vmem>> -> memref<1x64xi32, #tpu.memory_space<vmem>>
            %dma_wait3A_580 = tpu.memref_squeeze %dma_wait3A_579 : memref<1x64xi32, #tpu.memory_space<vmem>> -> memref<64xi32, #tpu.memory_space<vmem>>
            %dma_wait3A_581 = arith.constant 0 : i32
            %dma_wait3A_582 = arith.constant 0 : i32
            %dma_wait3A_583 = tpu.memref_slice %arg12[%dma_wait3A_581, %dma_wait3A_582] : memref<10016x128xf32, #tpu.memory_space<vmem_shared>> -> memref<10016x128xf32, #tpu.memory_space<vmem_shared>>
            tpu.wait_indirect_dma semaphore(%arg14 : memref<!tpu.dma_semaphore, #tpu.memory_space<semaphore_mem>>) src(%dma_wait3A_573 : memref<64x128xf32, #tpu.memory_space<vmem>>) dst(%dma_wait3A_583 : memref<10016x128xf32, #tpu.memory_space<vmem_shared>>)
          } else {
          }
          %dma_start3A_433 = arith.constant 3 : i32
          %dma_start3A_434 = arith.constant 0 : i32
          %dma_start3A_435 = arith.constant 0 : i32
          %dma_start3A_436 = tpu.memref_slice %arg10[%dma_start3A_433, %dma_start3A_434, %dma_start3A_435] : memref<4x64x128xf32, #tpu.memory_space<vmem>> -> memref<1x64x128xf32, #tpu.memory_space<vmem>>
          %dma_start3A_437 = tpu.memref_squeeze %dma_start3A_436 : memref<1x64x128xf32, #tpu.memory_space<vmem>> -> memref<64x128xf32, #tpu.memory_space<vmem>>
          %dma_start3A_438 = arith.constant 0 : i32
          %dma_start3A_439 = arith.constant 0 : i32
          %dma_start3A_440 = tpu.memref_slice %arg8[%scan3A_288, %dma_start3A_438, %dma_start3A_439] : memref<2x32x64xi32, #tpu.memory_space<vmem>> -> memref<1x32x64xi32, #tpu.memory_space<vmem>>
          %dma_start3A_441 = tpu.memref_squeeze %dma_start3A_440 : memref<1x32x64xi32, #tpu.memory_space<vmem>> -> memref<32x64xi32, #tpu.memory_space<vmem>>
          %dma_start3A_442 = arith.constant 0 : i32
          %dma_start3A_443 = tpu.memref_slice %dma_start3A_441[%sub3A_396, %dma_start3A_442] : memref<32x64xi32, #tpu.memory_space<vmem>> -> memref<1x64xi32, #tpu.memory_space<vmem>>
          %dma_start3A_444 = tpu.memref_squeeze %dma_start3A_443 : memref<1x64xi32, #tpu.memory_space<vmem>> -> memref<64xi32, #tpu.memory_space<vmem>>
          %dma_start3A_445 = arith.constant 0 : i32
          %dma_start3A_446 = arith.constant 0 : i32
          %dma_start3A_447 = tpu.memref_slice %arg2[%dma_start3A_445, %dma_start3A_446] : memref<20000x128xf32, #tpu.memory_space<hbm>> -> memref<20000x128xf32, #tpu.memory_space<hbm>>
          tpu.enqueue_indirect_dma source(%dma_start3A_447 : memref<20000x128xf32, #tpu.memory_space<hbm>>) target(%dma_start3A_437 : memref<64x128xf32, #tpu.memory_space<vmem>>) offsets(%dma_start3A_444 : memref<64xi32, #tpu.memory_space<vmem>>) semaphore(%arg13 : memref<!tpu.dma_semaphore, #tpu.memory_space<semaphore_mem>>)
          %mul3A_448 = arith.constant 4 : i32
          %mul3A_449 = arith.muli %scan3A_329, %mul3A_448 : i32
          %add3A_450 = arith.constant 2 : i32
          %add3A_451 = arith.addi %mul3A_449, %add3A_450 : i32
          %add3A_452 = arith.constant 4 : i32
          %add3A_453 = arith.addi %add3A_451, %add3A_452 : i32
          %sub3A_454 = arith.constant 2 : i32
          %sub3A_455 = arith.subi %add3A_453, %sub3A_454 : i32
          %dma_wait3A_456 = arith.constant 0 : i32
          %dma_wait3A_457 = arith.constant 2 : i32
          %dma_wait3A_458 = arith.constant 0 : i32
          %dma_wait3A_459 = arith.constant 0 : i32
          %dma_wait3A_460 = tpu.memref_slice %arg10[%dma_wait3A_457, %dma_wait3A_458, %dma_wait3A_459] : memref<4x64x128xf32, #tpu.memory_space<vmem>> -> memref<1x64x128xf32, #tpu.memory_space<vmem>>
          %dma_wait3A_461 = tpu.memref_squeeze %dma_wait3A_460 : memref<1x64x128xf32, #tpu.memory_space<vmem>> -> memref<64x128xf32, #tpu.memory_space<vmem>>
          %dma_wait3A_462 = arith.constant 0 : i32
          %dma_wait3A_463 = arith.constant 0 : i32
          %dma_wait3A_464 = tpu.memref_slice %arg8[%scan3A_288, %dma_wait3A_462, %dma_wait3A_463] : memref<2x32x64xi32, #tpu.memory_space<vmem>> -> memref<1x32x64xi32, #tpu.memory_space<vmem>>
          %dma_wait3A_465 = tpu.memref_squeeze %dma_wait3A_464 : memref<1x32x64xi32, #tpu.memory_space<vmem>> -> memref<32x64xi32, #tpu.memory_space<vmem>>
          %dma_wait3A_466 = arith.constant 0 : i32
          %dma_wait3A_467 = tpu.memref_slice %dma_wait3A_465[%dma_wait3A_456, %dma_wait3A_466] : memref<32x64xi32, #tpu.memory_space<vmem>> -> memref<1x64xi32, #tpu.memory_space<vmem>>
          %dma_wait3A_468 = tpu.memref_squeeze %dma_wait3A_467 : memref<1x64xi32, #tpu.memory_space<vmem>> -> memref<64xi32, #tpu.memory_space<vmem>>
          %dma_wait3A_469 = arith.constant 0 : i32
          %dma_wait3A_470 = arith.constant 0 : i32
          %dma_wait3A_471 = tpu.memref_slice %arg2[%dma_wait3A_469, %dma_wait3A_470] : memref<20000x128xf32, #tpu.memory_space<hbm>> -> memref<20000x128xf32, #tpu.memory_space<hbm>>
          tpu.wait_indirect_dma semaphore(%arg13 : memref<!tpu.dma_semaphore, #tpu.memory_space<semaphore_mem>>) src(%dma_wait3A_471 : memref<20000x128xf32, #tpu.memory_space<hbm>>) dst(%dma_wait3A_461 : memref<64x128xf32, #tpu.memory_space<vmem>>)
          %dma_start3A_472 = arith.constant 2 : i32
          %dma_start3A_473 = arith.constant 0 : i32
          %dma_start3A_474 = arith.constant 0 : i32
          %dma_start3A_475 = tpu.memref_slice %arg10[%dma_start3A_472, %dma_start3A_473, %dma_start3A_474] : memref<4x64x128xf32, #tpu.memory_space<vmem>> -> memref<1x64x128xf32, #tpu.memory_space<vmem>>
          %dma_start3A_476 = tpu.memref_squeeze %dma_start3A_475 : memref<1x64x128xf32, #tpu.memory_space<vmem>> -> memref<64x128xf32, #tpu.memory_space<vmem>>
          %dma_start3A_477 = arith.constant 0 : i32
          %dma_start3A_478 = arith.constant 0 : i32
          %dma_start3A_479 = tpu.memref_slice %arg9[%scan3A_289, %dma_start3A_477, %dma_start3A_478] : memref<2x32x64xi32, #tpu.memory_space<vmem>> -> memref<1x32x64xi32, #tpu.memory_space<vmem>>
          %dma_start3A_480 = tpu.memref_squeeze %dma_start3A_479 : memref<1x32x64xi32, #tpu.memory_space<vmem>> -> memref<32x64xi32, #tpu.memory_space<vmem>>
          %dma_start3A_481 = arith.constant 0 : i32
          %dma_start3A_482 = tpu.memref_slice %dma_start3A_480[%add3A_451, %dma_start3A_481] : memref<32x64xi32, #tpu.memory_space<vmem>> -> memref<1x64xi32, #tpu.memory_space<vmem>>
          %dma_start3A_483 = tpu.memref_squeeze %dma_start3A_482 : memref<1x64xi32, #tpu.memory_space<vmem>> -> memref<64xi32, #tpu.memory_space<vmem>>
          %dma_start3A_484 = arith.constant 0 : i32
          %dma_start3A_485 = arith.constant 0 : i32
          %dma_start3A_486 = tpu.memref_slice %arg12[%dma_start3A_484, %dma_start3A_485] : memref<10016x128xf32, #tpu.memory_space<vmem_shared>> -> memref<10016x128xf32, #tpu.memory_space<vmem_shared>>
          tpu.enqueue_indirect_dma source(%dma_start3A_476 : memref<64x128xf32, #tpu.memory_space<vmem>>) target(%dma_start3A_486 : memref<10016x128xf32, #tpu.memory_space<vmem_shared>>) offsets(%dma_start3A_483 : memref<64xi32, #tpu.memory_space<vmem>>) semaphore(%arg14 : memref<!tpu.dma_semaphore, #tpu.memory_space<semaphore_mem>>) {add = true}
          %dma_wait3A_487 = arith.constant 0 : i32
          %dma_wait3A_488 = arith.constant 0 : i32
          %dma_wait3A_489 = arith.constant 0 : i32
          %dma_wait3A_490 = arith.constant 0 : i32
          %dma_wait3A_491 = tpu.memref_slice %arg10[%dma_wait3A_487, %dma_wait3A_489, %dma_wait3A_490] : memref<4x64x128xf32, #tpu.memory_space<vmem>> -> memref<1x64x128xf32, #tpu.memory_space<vmem>>
          %dma_wait3A_492 = tpu.memref_squeeze %dma_wait3A_491 : memref<1x64x128xf32, #tpu.memory_space<vmem>> -> memref<64x128xf32, #tpu.memory_space<vmem>>
          %dma_wait3A_493 = arith.constant 0 : i32
          %dma_wait3A_494 = arith.constant 0 : i32
          %dma_wait3A_495 = tpu.memref_slice %arg9[%scan3A_289, %dma_wait3A_493, %dma_wait3A_494] : memref<2x32x64xi32, #tpu.memory_space<vmem>> -> memref<1x32x64xi32, #tpu.memory_space<vmem>>
          %dma_wait3A_496 = tpu.memref_squeeze %dma_wait3A_495 : memref<1x32x64xi32, #tpu.memory_space<vmem>> -> memref<32x64xi32, #tpu.memory_space<vmem>>
          %dma_wait3A_497 = arith.constant 0 : i32
          %dma_wait3A_498 = tpu.memref_slice %dma_wait3A_496[%dma_wait3A_488, %dma_wait3A_497] : memref<32x64xi32, #tpu.memory_space<vmem>> -> memref<1x64xi32, #tpu.memory_space<vmem>>
          %dma_wait3A_499 = tpu.memref_squeeze %dma_wait3A_498 : memref<1x64xi32, #tpu.memory_space<vmem>> -> memref<64xi32, #tpu.memory_space<vmem>>
          %dma_wait3A_500 = arith.constant 0 : i32
          %dma_wait3A_501 = arith.constant 0 : i32
          %dma_wait3A_502 = tpu.memref_slice %arg12[%dma_wait3A_500, %dma_wait3A_501] : memref<10016x128xf32, #tpu.memory_space<vmem_shared>> -> memref<10016x128xf32, #tpu.memory_space<vmem_shared>>
          tpu.wait_indirect_dma semaphore(%arg14 : memref<!tpu.dma_semaphore, #tpu.memory_space<semaphore_mem>>) src(%dma_wait3A_492 : memref<64x128xf32, #tpu.memory_space<vmem>>) dst(%dma_wait3A_502 : memref<10016x128xf32, #tpu.memory_space<vmem_shared>>)
          %lt3A_503 = arith.constant 7 : i32
          %lt3A_504 = arith.cmpi slt, %scan3A_329, %lt3A_503 : i32
          %convert_element_type3A_505 = arith.extui %lt3A_504 : i1 to i32
          %cond3A_506 = arith.constant 0 : i32
          %cond3A_507 = arith.cmpi ne, %convert_element_type3A_505, %cond3A_506 : i32
          scf.if %cond3A_507 {
            %dma_start3A_568 = arith.constant 0 : i32
            %dma_start3A_569 = arith.constant 0 : i32
            %dma_start3A_570 = arith.constant 0 : i32
            %dma_start3A_571 = tpu.memref_slice %arg10[%dma_start3A_568, %dma_start3A_569, %dma_start3A_570] : memref<4x64x128xf32, #tpu.memory_space<vmem>> -> memref<1x64x128xf32, #tpu.memory_space<vmem>>
            %dma_start3A_572 = tpu.memref_squeeze %dma_start3A_571 : memref<1x64x128xf32, #tpu.memory_space<vmem>> -> memref<64x128xf32, #tpu.memory_space<vmem>>
            %dma_start3A_573 = arith.constant 0 : i32
            %dma_start3A_574 = arith.constant 0 : i32
            %dma_start3A_575 = tpu.memref_slice %arg8[%scan3A_288, %dma_start3A_573, %dma_start3A_574] : memref<2x32x64xi32, #tpu.memory_space<vmem>> -> memref<1x32x64xi32, #tpu.memory_space<vmem>>
            %dma_start3A_576 = tpu.memref_squeeze %dma_start3A_575 : memref<1x32x64xi32, #tpu.memory_space<vmem>> -> memref<32x64xi32, #tpu.memory_space<vmem>>
            %dma_start3A_577 = arith.constant 0 : i32
            %dma_start3A_578 = tpu.memref_slice %dma_start3A_576[%sub3A_455, %dma_start3A_577] : memref<32x64xi32, #tpu.memory_space<vmem>> -> memref<1x64xi32, #tpu.memory_space<vmem>>
            %dma_start3A_579 = tpu.memref_squeeze %dma_start3A_578 : memref<1x64xi32, #tpu.memory_space<vmem>> -> memref<64xi32, #tpu.memory_space<vmem>>
            %dma_start3A_580 = arith.constant 0 : i32
            %dma_start3A_581 = arith.constant 0 : i32
            %dma_start3A_582 = tpu.memref_slice %arg2[%dma_start3A_580, %dma_start3A_581] : memref<20000x128xf32, #tpu.memory_space<hbm>> -> memref<20000x128xf32, #tpu.memory_space<hbm>>
            tpu.enqueue_indirect_dma source(%dma_start3A_582 : memref<20000x128xf32, #tpu.memory_space<hbm>>) target(%dma_start3A_572 : memref<64x128xf32, #tpu.memory_space<vmem>>) offsets(%dma_start3A_579 : memref<64xi32, #tpu.memory_space<vmem>>) semaphore(%arg13 : memref<!tpu.dma_semaphore, #tpu.memory_space<semaphore_mem>>)
          } else {
          }
          %mul3A_508 = arith.constant 4 : i32
          %mul3A_509 = arith.muli %scan3A_329, %mul3A_508 : i32
          %add3A_510 = arith.constant 3 : i32
          %add3A_511 = arith.addi %mul3A_509, %add3A_510 : i32
          %add3A_512 = arith.constant 4 : i32
          %add3A_513 = arith.addi %add3A_511, %add3A_512 : i32
          %sub3A_514 = arith.constant 2 : i32
          %sub3A_515 = arith.subi %add3A_513, %sub3A_514 : i32
          %dma_wait3A_516 = arith.constant 0 : i32
          %dma_wait3A_517 = arith.constant 3 : i32
          %dma_wait3A_518 = arith.constant 0 : i32
          %dma_wait3A_519 = arith.constant 0 : i32
          %dma_wait3A_520 = tpu.memref_slice %arg10[%dma_wait3A_517, %dma_wait3A_518, %dma_wait3A_519] : memref<4x64x128xf32, #tpu.memory_space<vmem>> -> memref<1x64x128xf32, #tpu.memory_space<vmem>>
          %dma_wait3A_521 = tpu.memref_squeeze %dma_wait3A_520 : memref<1x64x128xf32, #tpu.memory_space<vmem>> -> memref<64x128xf32, #tpu.memory_space<vmem>>
          %dma_wait3A_522 = arith.constant 0 : i32
          %dma_wait3A_523 = arith.constant 0 : i32
          %dma_wait3A_524 = tpu.memref_slice %arg8[%scan3A_288, %dma_wait3A_522, %dma_wait3A_523] : memref<2x32x64xi32, #tpu.memory_space<vmem>> -> memref<1x32x64xi32, #tpu.memory_space<vmem>>
          %dma_wait3A_525 = tpu.memref_squeeze %dma_wait3A_524 : memref<1x32x64xi32, #tpu.memory_space<vmem>> -> memref<32x64xi32, #tpu.memory_space<vmem>>
          %dma_wait3A_526 = arith.constant 0 : i32
          %dma_wait3A_527 = tpu.memref_slice %dma_wait3A_525[%dma_wait3A_516, %dma_wait3A_526] : memref<32x64xi32, #tpu.memory_space<vmem>> -> memref<1x64xi32, #tpu.memory_space<vmem>>
          %dma_wait3A_528 = tpu.memref_squeeze %dma_wait3A_527 : memref<1x64xi32, #tpu.memory_space<vmem>> -> memref<64xi32, #tpu.memory_space<vmem>>
          %dma_wait3A_529 = arith.constant 0 : i32
          %dma_wait3A_530 = arith.constant 0 : i32
          %dma_wait3A_531 = tpu.memref_slice %arg2[%dma_wait3A_529, %dma_wait3A_530] : memref<20000x128xf32, #tpu.memory_space<hbm>> -> memref<20000x128xf32, #tpu.memory_space<hbm>>
          tpu.wait_indirect_dma semaphore(%arg13 : memref<!tpu.dma_semaphore, #tpu.memory_space<semaphore_mem>>) src(%dma_wait3A_531 : memref<20000x128xf32, #tpu.memory_space<hbm>>) dst(%dma_wait3A_521 : memref<64x128xf32, #tpu.memory_space<vmem>>)
          %dma_start3A_532 = arith.constant 3 : i32
          %dma_start3A_533 = arith.constant 0 : i32
          %dma_start3A_534 = arith.constant 0 : i32
          %dma_start3A_535 = tpu.memref_slice %arg10[%dma_start3A_532, %dma_start3A_533, %dma_start3A_534] : memref<4x64x128xf32, #tpu.memory_space<vmem>> -> memref<1x64x128xf32, #tpu.memory_space<vmem>>
          %dma_start3A_536 = tpu.memref_squeeze %dma_start3A_535 : memref<1x64x128xf32, #tpu.memory_space<vmem>> -> memref<64x128xf32, #tpu.memory_space<vmem>>
          %dma_start3A_537 = arith.constant 0 : i32
          %dma_start3A_538 = arith.constant 0 : i32
          %dma_start3A_539 = tpu.memref_slice %arg9[%scan3A_289, %dma_start3A_537, %dma_start3A_538] : memref<2x32x64xi32, #tpu.memory_space<vmem>> -> memref<1x32x64xi32, #tpu.memory_space<vmem>>
          %dma_start3A_540 = tpu.memref_squeeze %dma_start3A_539 : memref<1x32x64xi32, #tpu.memory_space<vmem>> -> memref<32x64xi32, #tpu.memory_space<vmem>>
          %dma_start3A_541 = arith.constant 0 : i32
          %dma_start3A_542 = tpu.memref_slice %dma_start3A_540[%add3A_511, %dma_start3A_541] : memref<32x64xi32, #tpu.memory_space<vmem>> -> memref<1x64xi32, #tpu.memory_space<vmem>>
          %dma_start3A_543 = tpu.memref_squeeze %dma_start3A_542 : memref<1x64xi32, #tpu.memory_space<vmem>> -> memref<64xi32, #tpu.memory_space<vmem>>
          %dma_start3A_544 = arith.constant 0 : i32
          %dma_start3A_545 = arith.constant 0 : i32
          %dma_start3A_546 = tpu.memref_slice %arg12[%dma_start3A_544, %dma_start3A_545] : memref<10016x128xf32, #tpu.memory_space<vmem_shared>> -> memref<10016x128xf32, #tpu.memory_space<vmem_shared>>
          tpu.enqueue_indirect_dma source(%dma_start3A_536 : memref<64x128xf32, #tpu.memory_space<vmem>>) target(%dma_start3A_546 : memref<10016x128xf32, #tpu.memory_space<vmem_shared>>) offsets(%dma_start3A_543 : memref<64xi32, #tpu.memory_space<vmem>>) semaphore(%arg14 : memref<!tpu.dma_semaphore, #tpu.memory_space<semaphore_mem>>) {add = true}
          %dma_wait3A_547 = arith.constant 1 : i32
          %dma_wait3A_548 = arith.constant 0 : i32
          %dma_wait3A_549 = arith.constant 0 : i32
          %dma_wait3A_550 = arith.constant 0 : i32
          %dma_wait3A_551 = tpu.memref_slice %arg10[%dma_wait3A_547, %dma_wait3A_549, %dma_wait3A_550] : memref<4x64x128xf32, #tpu.memory_space<vmem>> -> memref<1x64x128xf32, #tpu.memory_space<vmem>>
          %dma_wait3A_552 = tpu.memref_squeeze %dma_wait3A_551 : memref<1x64x128xf32, #tpu.memory_space<vmem>> -> memref<64x128xf32, #tpu.memory_space<vmem>>
          %dma_wait3A_553 = arith.constant 0 : i32
          %dma_wait3A_554 = arith.constant 0 : i32
          %dma_wait3A_555 = tpu.memref_slice %arg9[%scan3A_289, %dma_wait3A_553, %dma_wait3A_554] : memref<2x32x64xi32, #tpu.memory_space<vmem>> -> memref<1x32x64xi32, #tpu.memory_space<vmem>>
          %dma_wait3A_556 = tpu.memref_squeeze %dma_wait3A_555 : memref<1x32x64xi32, #tpu.memory_space<vmem>> -> memref<32x64xi32, #tpu.memory_space<vmem>>
          %dma_wait3A_557 = arith.constant 0 : i32
          %dma_wait3A_558 = tpu.memref_slice %dma_wait3A_556[%dma_wait3A_548, %dma_wait3A_557] : memref<32x64xi32, #tpu.memory_space<vmem>> -> memref<1x64xi32, #tpu.memory_space<vmem>>
          %dma_wait3A_559 = tpu.memref_squeeze %dma_wait3A_558 : memref<1x64xi32, #tpu.memory_space<vmem>> -> memref<64xi32, #tpu.memory_space<vmem>>
          %dma_wait3A_560 = arith.constant 0 : i32
          %dma_wait3A_561 = arith.constant 0 : i32
          %dma_wait3A_562 = tpu.memref_slice %arg12[%dma_wait3A_560, %dma_wait3A_561] : memref<10016x128xf32, #tpu.memory_space<vmem_shared>> -> memref<10016x128xf32, #tpu.memory_space<vmem_shared>>
          tpu.wait_indirect_dma semaphore(%arg14 : memref<!tpu.dma_semaphore, #tpu.memory_space<semaphore_mem>>) src(%dma_wait3A_552 : memref<64x128xf32, #tpu.memory_space<vmem>>) dst(%dma_wait3A_562 : memref<10016x128xf32, #tpu.memory_space<vmem_shared>>)
          %lt3A_563 = arith.constant 7 : i32
          %lt3A_564 = arith.cmpi slt, %scan3A_329, %lt3A_563 : i32
          %convert_element_type3A_565 = arith.extui %lt3A_564 : i1 to i32
          %cond3A_566 = arith.constant 0 : i32
          %cond3A_567 = arith.cmpi ne, %convert_element_type3A_565, %cond3A_566 : i32
          scf.if %cond3A_567 {
            %dma_start3A_568 = arith.constant 1 : i32
            %dma_start3A_569 = arith.constant 0 : i32
            %dma_start3A_570 = arith.constant 0 : i32
            %dma_start3A_571 = tpu.memref_slice %arg10[%dma_start3A_568, %dma_start3A_569, %dma_start3A_570] : memref<4x64x128xf32, #tpu.memory_space<vmem>> -> memref<1x64x128xf32, #tpu.memory_space<vmem>>
            %dma_start3A_572 = tpu.memref_squeeze %dma_start3A_571 : memref<1x64x128xf32, #tpu.memory_space<vmem>> -> memref<64x128xf32, #tpu.memory_space<vmem>>
            %dma_start3A_573 = arith.constant 0 : i32
            %dma_start3A_574 = arith.constant 0 : i32
            %dma_start3A_575 = tpu.memref_slice %arg8[%scan3A_288, %dma_start3A_573, %dma_start3A_574] : memref<2x32x64xi32, #tpu.memory_space<vmem>> -> memref<1x32x64xi32, #tpu.memory_space<vmem>>
            %dma_start3A_576 = tpu.memref_squeeze %dma_start3A_575 : memref<1x32x64xi32, #tpu.memory_space<vmem>> -> memref<32x64xi32, #tpu.memory_space<vmem>>
            %dma_start3A_577 = arith.constant 0 : i32
            %dma_start3A_578 = tpu.memref_slice %dma_start3A_576[%sub3A_515, %dma_start3A_577] : memref<32x64xi32, #tpu.memory_space<vmem>> -> memref<1x64xi32, #tpu.memory_space<vmem>>
            %dma_start3A_579 = tpu.memref_squeeze %dma_start3A_578 : memref<1x64xi32, #tpu.memory_space<vmem>> -> memref<64xi32, #tpu.memory_space<vmem>>
            %dma_start3A_580 = arith.constant 0 : i32
            %dma_start3A_581 = arith.constant 0 : i32
            %dma_start3A_582 = tpu.memref_slice %arg2[%dma_start3A_580, %dma_start3A_581] : memref<20000x128xf32, #tpu.memory_space<hbm>> -> memref<20000x128xf32, #tpu.memory_space<hbm>>
            tpu.enqueue_indirect_dma source(%dma_start3A_582 : memref<20000x128xf32, #tpu.memory_space<hbm>>) target(%dma_start3A_572 : memref<64x128xf32, #tpu.memory_space<vmem>>) offsets(%dma_start3A_579 : memref<64xi32, #tpu.memory_space<vmem>>) semaphore(%arg13 : memref<!tpu.dma_semaphore, #tpu.memory_space<semaphore_mem>>)
          } else {
          }
        }
        %scan3A_294 = arith.constant 8 : i32
        %dma_wait3A_295 = arith.constant 2 : i32
        %dma_wait3A_296 = arith.constant 1 : i32
        %dma_wait3A_297 = arith.constant 0 : i32
        %dma_wait3A_298 = arith.constant 0 : i32
        %dma_wait3A_299 = arith.constant 0 : i32
        %dma_wait3A_300 = tpu.memref_slice %arg10[%dma_wait3A_295, %dma_wait3A_298, %dma_wait3A_299] : memref<4x64x128xf32, #tpu.memory_space<vmem>> -> memref<1x64x128xf32, #tpu.memory_space<vmem>>
        %dma_wait3A_301 = tpu.memref_squeeze %dma_wait3A_300 : memref<1x64x128xf32, #tpu.memory_space<vmem>> -> memref<64x128xf32, #tpu.memory_space<vmem>>
        %dma_wait3A_302 = arith.constant 0 : i32
        %dma_wait3A_303 = arith.constant 0 : i32
        %dma_wait3A_304 = tpu.memref_slice %arg9[%dma_wait3A_296, %dma_wait3A_302, %dma_wait3A_303] : memref<2x32x64xi32, #tpu.memory_space<vmem>> -> memref<1x32x64xi32, #tpu.memory_space<vmem>>
        %dma_wait3A_305 = tpu.memref_squeeze %dma_wait3A_304 : memref<1x32x64xi32, #tpu.memory_space<vmem>> -> memref<32x64xi32, #tpu.memory_space<vmem>>
        %dma_wait3A_306 = arith.constant 0 : i32
        %dma_wait3A_307 = tpu.memref_slice %dma_wait3A_305[%dma_wait3A_297, %dma_wait3A_306] : memref<32x64xi32, #tpu.memory_space<vmem>> -> memref<1x64xi32, #tpu.memory_space<vmem>>
        %dma_wait3A_308 = tpu.memref_squeeze %dma_wait3A_307 : memref<1x64xi32, #tpu.memory_space<vmem>> -> memref<64xi32, #tpu.memory_space<vmem>>
        %dma_wait3A_309 = arith.constant 0 : i32
        %dma_wait3A_310 = arith.constant 0 : i32
        %dma_wait3A_311 = tpu.memref_slice %arg12[%dma_wait3A_309, %dma_wait3A_310] : memref<10016x128xf32, #tpu.memory_space<vmem_shared>> -> memref<10016x128xf32, #tpu.memory_space<vmem_shared>>
        tpu.wait_indirect_dma semaphore(%arg14 : memref<!tpu.dma_semaphore, #tpu.memory_space<semaphore_mem>>) src(%dma_wait3A_301 : memref<64x128xf32, #tpu.memory_space<vmem>>) dst(%dma_wait3A_311 : memref<10016x128xf32, #tpu.memory_space<vmem_shared>>)
        %dma_wait3A_312 = arith.constant 3 : i32
        %dma_wait3A_313 = arith.constant 1 : i32
        %dma_wait3A_314 = arith.constant 0 : i32
        %dma_wait3A_315 = arith.constant 0 : i32
        %dma_wait3A_316 = arith.constant 0 : i32
        %dma_wait3A_317 = tpu.memref_slice %arg10[%dma_wait3A_312, %dma_wait3A_315, %dma_wait3A_316] : memref<4x64x128xf32, #tpu.memory_space<vmem>> -> memref<1x64x128xf32, #tpu.memory_space<vmem>>
        %dma_wait3A_318 = tpu.memref_squeeze %dma_wait3A_317 : memref<1x64x128xf32, #tpu.memory_space<vmem>> -> memref<64x128xf32, #tpu.memory_space<vmem>>
        %dma_wait3A_319 = arith.constant 0 : i32
        %dma_wait3A_320 = arith.constant 0 : i32
        %dma_wait3A_321 = tpu.memref_slice %arg9[%dma_wait3A_313, %dma_wait3A_319, %dma_wait3A_320] : memref<2x32x64xi32, #tpu.memory_space<vmem>> -> memref<1x32x64xi32, #tpu.memory_space<vmem>>
        %dma_wait3A_322 = tpu.memref_squeeze %dma_wait3A_321 : memref<1x32x64xi32, #tpu.memory_space<vmem>> -> memref<32x64xi32, #tpu.memory_space<vmem>>
        %dma_wait3A_323 = arith.constant 0 : i32
        %dma_wait3A_324 = tpu.memref_slice %dma_wait3A_322[%dma_wait3A_314, %dma_wait3A_323] : memref<32x64xi32, #tpu.memory_space<vmem>> -> memref<1x64xi32, #tpu.memory_space<vmem>>
        %dma_wait3A_325 = tpu.memref_squeeze %dma_wait3A_324 : memref<1x64xi32, #tpu.memory_space<vmem>> -> memref<64xi32, #tpu.memory_space<vmem>>
        %dma_wait3A_326 = arith.constant 0 : i32
        %dma_wait3A_327 = arith.constant 0 : i32
        %dma_wait3A_328 = tpu.memref_slice %arg12[%dma_wait3A_326, %dma_wait3A_327] : memref<10016x128xf32, #tpu.memory_space<vmem_shared>> -> memref<10016x128xf32, #tpu.memory_space<vmem_shared>>
        tpu.wait_indirect_dma semaphore(%arg14 : memref<!tpu.dma_semaphore, #tpu.memory_space<semaphore_mem>>) src(%dma_wait3A_318 : memref<64x128xf32, #tpu.memory_space<vmem>>) dst(%dma_wait3A_328 : memref<10016x128xf32, #tpu.memory_space<vmem_shared>>)
      } else {
      }
      %add3A_213 = arith.constant 2 : i32
      %add3A_214 = arith.addi %add3A_123, %add3A_213 : i32
      %lt3A_215 = arith.cmpi slt, %add3A_214, %squeeze3A : i32
      %convert_element_type3A_216 = arith.extui %lt3A_215 : i1 to i32
      %cond3A_217 = arith.constant 0 : i32
      %cond3A_218 = arith.cmpi ne, %convert_element_type3A_216, %cond3A_217 : i32
      scf.if %cond3A_218 {
        %add3A_219 = arith.constant 2 : i32
        %add3A_220 = arith.addi %add3A_123, %add3A_219 : i32
        %mul3A_221 = arith.constant 32 : i32
        %mul3A_222 = arith.muli %add3A_220, %mul3A_221 : i32
        %dma_start3A_223 = arith.constant 1 : i32
        %dma_start3A_224 = arith.constant 0 : i32
        %dma_start3A_225 = arith.constant 0 : i32
        %dma_start3A_226 = tpu.memref_slice %arg8[%dma_start3A_223, %dma_start3A_224, %dma_start3A_225] : memref<2x32x64xi32, #tpu.memory_space<vmem>> -> memref<1x32x64xi32, #tpu.memory_space<vmem>>
        %dma_start3A_227 = tpu.memref_squeeze %dma_start3A_226 : memref<1x32x64xi32, #tpu.memory_space<vmem>> -> memref<32x64xi32, #tpu.memory_space<vmem>>
        %dma_start3A_228 = arith.constant 0 : i32
        %dma_start3A_229 = tpu.memref_slice %arg4[%arg0, %arg1, %mul3A_222, %dma_start3A_228] : memref<2x16x320x64xi32, #tpu.memory_space<hbm>> -> memref<1x1x32x64xi32, #tpu.memory_space<hbm>>
        %dma_start3A_230 = tpu.memref_squeeze %dma_start3A_229 : memref<1x1x32x64xi32, #tpu.memory_space<hbm>> -> memref<32x64xi32, #tpu.memory_space<hbm>>
        %dma_start3A_231 = arith.constant 0 : i32
        %dma_start3A_232 = arith.constant 0 : i32
        %dma_start3A_233 = tpu.memref_slice %arg8[%dma_start3A_223, %dma_start3A_231, %dma_start3A_232] : memref<2x32x64xi32, #tpu.memory_space<vmem>> -> memref<1x32x64xi32, #tpu.memory_space<vmem>>
        %dma_start3A_234 = tpu.memref_squeeze %dma_start3A_233 : memref<1x32x64xi32, #tpu.memory_space<vmem>> -> memref<32x64xi32, #tpu.memory_space<vmem>>
        %dma_start3A_235 = arith.constant 0 : i32
        %dma_start3A_236 = tpu.memref_slice %arg4[%arg0, %arg1, %mul3A_222, %dma_start3A_235] : memref<2x16x320x64xi32, #tpu.memory_space<hbm>> -> memref<1x1x32x64xi32, #tpu.memory_space<hbm>>
        %dma_start3A_237 = tpu.memref_squeeze %dma_start3A_236 : memref<1x1x32x64xi32, #tpu.memory_space<hbm>> -> memref<32x64xi32, #tpu.memory_space<hbm>>
        tpu.enqueue_dma source(%dma_start3A_237 : memref<32x64xi32, #tpu.memory_space<hbm>>) target(%dma_start3A_234 : memref<32x64xi32, #tpu.memory_space<vmem>>) target_semaphore(%arg16 : memref<!tpu.dma_semaphore, #tpu.memory_space<semaphore_mem>>)
        %mul3A_238 = arith.constant 32 : i32
        %mul3A_239 = arith.muli %add3A_220, %mul3A_238 : i32
        %dma_start3A_240 = arith.constant 1 : i32
        %dma_start3A_241 = arith.constant 0 : i32
        %dma_start3A_242 = arith.constant 0 : i32
        %dma_start3A_243 = tpu.memref_slice %arg9[%dma_start3A_240, %dma_start3A_241, %dma_start3A_242] : memref<2x32x64xi32, #tpu.memory_space<vmem>> -> memref<1x32x64xi32, #tpu.memory_space<vmem>>
        %dma_start3A_244 = tpu.memref_squeeze %dma_start3A_243 : memref<1x32x64xi32, #tpu.memory_space<vmem>> -> memref<32x64xi32, #tpu.memory_space<vmem>>
        %dma_start3A_245 = arith.constant 0 : i32
        %dma_start3A_246 = tpu.memref_slice %arg5[%arg0, %arg1, %mul3A_239, %dma_start3A_245] : memref<2x16x320x64xi32, #tpu.memory_space<hbm>> -> memref<1x1x32x64xi32, #tpu.memory_space<hbm>>
        %dma_start3A_247 = tpu.memref_squeeze %dma_start3A_246 : memref<1x1x32x64xi32, #tpu.memory_space<hbm>> -> memref<32x64xi32, #tpu.memory_space<hbm>>
        %dma_start3A_248 = arith.constant 0 : i32
        %dma_start3A_249 = arith.constant 0 : i32
        %dma_start3A_250 = tpu.memref_slice %arg9[%dma_start3A_240, %dma_start3A_248, %dma_start3A_249] : memref<2x32x64xi32, #tpu.memory_space<vmem>> -> memref<1x32x64xi32, #tpu.memory_space<vmem>>
        %dma_start3A_251 = tpu.memref_squeeze %dma_start3A_250 : memref<1x32x64xi32, #tpu.memory_space<vmem>> -> memref<32x64xi32, #tpu.memory_space<vmem>>
        %dma_start3A_252 = arith.constant 0 : i32
        %dma_start3A_253 = tpu.memref_slice %arg5[%arg0, %arg1, %mul3A_239, %dma_start3A_252] : memref<2x16x320x64xi32, #tpu.memory_space<hbm>> -> memref<1x1x32x64xi32, #tpu.memory_space<hbm>>
        %dma_start3A_254 = tpu.memref_squeeze %dma_start3A_253 : memref<1x1x32x64xi32, #tpu.memory_space<hbm>> -> memref<32x64xi32, #tpu.memory_space<hbm>>
        tpu.enqueue_dma source(%dma_start3A_254 : memref<32x64xi32, #tpu.memory_space<hbm>>) target(%dma_start3A_251 : memref<32x64xi32, #tpu.memory_space<vmem>>) target_semaphore(%arg16 : memref<!tpu.dma_semaphore, #tpu.memory_space<semaphore_mem>>)
      } else {
      }
    }
    %barrier3A_107 = arith.constant 0 : index
    tpu.barrier barrier_id(%barrier3A_107)
    %mul3A = arith.constant 624 : i32
    %mul3A_108 = arith.muli %arg1, %mul3A : i32
    %mul3A_109 = arith.constant 10000 : i32
    %mul3A_110 = arith.muli %arg0, %mul3A_109 : i32
    %mul3A_111 = arith.constant 624 : i32
    %mul3A_112 = arith.muli %arg1, %mul3A_111 : i32
    %add3A_113 = arith.addi %mul3A_110, %mul3A_112 : i32
    "tpu.region"() ({
      %run_scoped3A = tpu.sem_alloc : memref<!tpu.dma_semaphore, #tpu.memory_space<semaphore_mem>>
      %dma_start3A_119 = arith.constant 0 : i32
      %dma_start3A_120 = tpu.memref_slice %arg7[%add3A_113, %dma_start3A_119] : memref<20000x128xf32, #tpu.memory_space<hbm>> -> memref<624x128xf32, #tpu.memory_space<hbm>>
      %dma_start3A_121 = arith.constant 0 : i32
      %dma_start3A_122 = tpu.memref_slice %arg12[%mul3A_108, %dma_start3A_121] : memref<10016x128xf32, #tpu.memory_space<vmem_shared>> -> memref<624x128xf32, #tpu.memory_space<vmem_shared>>
      tpu.enqueue_dma source(%dma_start3A_122 : memref<624x128xf32, #tpu.memory_space<vmem_shared>>) target(%dma_start3A_120 : memref<624x128xf32, #tpu.memory_space<hbm>>) target_semaphore(%run_scoped3A : memref<!tpu.dma_semaphore, #tpu.memory_space<semaphore_mem>>)
      %dma_wait3A_123 = arith.constant 0 : i32
      %dma_wait3A_124 = tpu.memref_slice %arg7[%add3A_113, %dma_wait3A_123] : memref<20000x128xf32, #tpu.memory_space<hbm>> -> memref<624x128xf32, #tpu.memory_space<hbm>>
      %dma_wait3A_125 = arith.constant 0 : i32
      %dma_wait3A_126 = tpu.memref_slice %arg12[%mul3A_108, %dma_wait3A_125] : memref<10016x128xf32, #tpu.memory_space<vmem_shared>> -> memref<624x128xf32, #tpu.memory_space<vmem_shared>>
      tpu.wait_dma2 semaphore(%run_scoped3A : memref<!tpu.dma_semaphore, #tpu.memory_space<semaphore_mem>>) src(%dma_wait3A_126 : memref<624x128xf32, #tpu.memory_space<vmem_shared>>) dst(%dma_wait3A_124 : memref<624x128xf32, #tpu.memory_space<hbm>>)
      tpu.yield
    }) : () -> ()
    %eq3A_114 = arith.constant 15 : i32
    %eq3A_115 = arith.cmpi eq, %arg1, %eq3A_114 : i32
    %convert_element_type3A_116 = arith.extui %eq3A_115 : i1 to i32
    %cond3A_117 = arith.constant 0 : i32
    %cond3A_118 = arith.cmpi ne, %convert_element_type3A_116, %cond3A_117 : i32
    scf.if %cond3A_118 {
      %mul3A_119 = arith.constant 10000 : i32
      %mul3A_120 = arith.muli %arg0, %mul3A_119 : i32
      %add3A_121 = arith.constant 9984 : i32
      %add3A_122 = arith.addi %mul3A_120, %add3A_121 : i32
      "tpu.region"() ({
        %run_scoped3A = tpu.sem_alloc : memref<!tpu.dma_semaphore, #tpu.memory_space<semaphore_mem>>
        %dma_start3A_123 = arith.constant 0 : i32
        %dma_start3A_124 = tpu.memref_slice %arg7[%add3A_122, %dma_start3A_123] : memref<20000x128xf32, #tpu.memory_space<hbm>> -> memref<16x128xf32, #tpu.memory_space<hbm>>
        %dma_start3A_125 = arith.constant 9984 : i32
        %dma_start3A_126 = arith.constant 0 : i32
        %dma_start3A_127 = tpu.memref_slice %arg12[%dma_start3A_125, %dma_start3A_126] : memref<10016x128xf32, #tpu.memory_space<vmem_shared>> -> memref<16x128xf32, #tpu.memory_space<vmem_shared>>
        tpu.enqueue_dma source(%dma_start3A_127 : memref<16x128xf32, #tpu.memory_space<vmem_shared>>) target(%dma_start3A_124 : memref<16x128xf32, #tpu.memory_space<hbm>>) target_semaphore(%run_scoped3A : memref<!tpu.dma_semaphore, #tpu.memory_space<semaphore_mem>>)
        %dma_wait3A_128 = arith.constant 0 : i32
        %dma_wait3A_129 = tpu.memref_slice %arg7[%add3A_122, %dma_wait3A_128] : memref<20000x128xf32, #tpu.memory_space<hbm>> -> memref<16x128xf32, #tpu.memory_space<hbm>>
        %dma_wait3A_130 = arith.constant 9984 : i32
        %dma_wait3A_131 = arith.constant 0 : i32
        %dma_wait3A_132 = tpu.memref_slice %arg12[%dma_wait3A_130, %dma_wait3A_131] : memref<10016x128xf32, #tpu.memory_space<vmem_shared>> -> memref<16x128xf32, #tpu.memory_space<vmem_shared>>
        tpu.wait_dma2 semaphore(%run_scoped3A : memref<!tpu.dma_semaphore, #tpu.memory_space<semaphore_mem>>) src(%dma_wait3A_132 : memref<16x128xf32, #tpu.memory_space<vmem_shared>>) dst(%dma_wait3A_129 : memref<16x128xf32, #tpu.memory_space<hbm>>)
        tpu.yield
      }) : () -> ()
    } else {
    }
    return
  }
}

module attributes {stable_mosaic.version = 14 : i64} {
  func.func @body(%arg0: i32, %arg1: memref<2x1000x128xf32, #tpu.memory_space<vmem>>, %arg2: memref<256x256xf32, #tpu.memory_space<vmem>>, %arg3: memref<1x256xf32, #tpu.memory_space<vmem>>, %arg4: memref<256x256xf32, #tpu.memory_space<vmem>>, %arg5: memref<1x256xf32, #tpu.memory_space<vmem>>, %arg6: memref<2x1000x128xf32, #tpu.memory_space<vmem>>) attributes {dimension_semantics = [#tpu.dimension_semantics<arbitrary>], iteration_bounds = array<i64: 10>, scalar_prefetch = 0 : i64, scratch_operands = 0 : i64, tpu.core_type = #tpu.core_type<tc>, window_params = [{transform_indices = @transform_0, window_bounds = array<i64: 2, 1000, 128>}, {pipeline_mode = #tpu.pipeline_mode<synchronous>, transform_indices = @transform_1, window_bounds = array<i64: 256, 256>}, {pipeline_mode = #tpu.pipeline_mode<synchronous>, transform_indices = @transform_2, window_bounds = array<i64: 1, 256>}, {pipeline_mode = #tpu.pipeline_mode<synchronous>, transform_indices = @transform_3, window_bounds = array<i64: 256, 256>}, {pipeline_mode = #tpu.pipeline_mode<synchronous>, transform_indices = @transform_4, window_bounds = array<i64: 1, 256>}, {transform_indices = @transform_5, window_bounds = array<i64: 2, 1000, 128>}]} {
    %get3A = arith.constant 0 : index
    %get3A_0 = arith.constant 0 : index
    %get3A_1 = arith.constant 0 : index
    %get3A_2 = vector.load %arg1[%get3A, %get3A_0, %get3A_1] : memref<2x1000x128xf32, #tpu.memory_space<vmem>>, vector<1x1000x128xf32>
    %get3A_3 = vector.shape_cast %get3A_2 : vector<1x1000x128xf32> to vector<1000x128xf32>
    %get3A_4 = arith.constant 1 : index
    %get3A_5 = arith.constant 0 : index
    %get3A_6 = arith.constant 0 : index
    %get3A_7 = vector.load %arg1[%get3A_4, %get3A_5, %get3A_6] : memref<2x1000x128xf32, #tpu.memory_space<vmem>>, vector<1x1000x128xf32>
    %get3A_8 = vector.shape_cast %get3A_7 : vector<1x1000x128xf32> to vector<1000x128xf32>
    %concatenate3A = tpu.concatenate %get3A_3, %get3A_8 in 1 : vector<1000x128xf32>, vector<1000x128xf32> -> vector<1000x256xf32>
    %get3A_9 = arith.constant 0 : index
    %get3A_10 = arith.constant 0 : index
    %get3A_11 = vector.load %arg2[%get3A_9, %get3A_10] : memref<256x256xf32, #tpu.memory_space<vmem>>, vector<256x256xf32>
    %dot_general3A = arith.constant dense<0.000000e+00> : vector<1000x256xf32>
    %dot_general3A_12 = tpu.matmul %concatenate3A, %get3A_11, %dot_general3A {dimension_numbers = #tpu.dot_dimension_numbers<[1], [0], [0], [1], [0, 0, 1, 1], [], []>, precision = #tpu.contract_precision<fp32>, transpose_lhs_hint = false} : vector<1000x256xf32>, vector<256x256xf32>, vector<1000x256xf32> -> vector<1000x256xf32>
    %get3A_13 = arith.constant 0 : index
    %get3A_14 = arith.constant 0 : index
    %get3A_15 = vector.load %arg3[%get3A_13, %get3A_14] : memref<1x256xf32, #tpu.memory_space<vmem>>, vector<1x256xf32>
    %add3A = vector.broadcast %get3A_15 : vector<1x256xf32> to vector<1000x256xf32>
    %add3A_16 = arith.addf %dot_general3A_12, %add3A : vector<1000x256xf32>
    %max3A = arith.constant 0.000000e+00 : f32
    %max3A_17 = vector.broadcast %max3A : f32 to vector<1000x256xf32>
    %max3A_18 = arith.maximumf %add3A_16, %max3A_17 : vector<1000x256xf32>
    %get3A_19 = arith.constant 0 : index
    %get3A_20 = arith.constant 0 : index
    %get3A_21 = vector.load %arg4[%get3A_19, %get3A_20] : memref<256x256xf32, #tpu.memory_space<vmem>>, vector<256x256xf32>
    %dot_general3A_22 = arith.constant dense<0.000000e+00> : vector<1000x256xf32>
    %dot_general3A_23 = tpu.matmul %max3A_18, %get3A_21, %dot_general3A_22 {dimension_numbers = #tpu.dot_dimension_numbers<[1], [0], [0], [1], [0, 0, 1, 1], [], []>, precision = #tpu.contract_precision<fp32>, transpose_lhs_hint = false} : vector<1000x256xf32>, vector<256x256xf32>, vector<1000x256xf32> -> vector<1000x256xf32>
    %get3A_24 = arith.constant 0 : index
    %get3A_25 = arith.constant 0 : index
    %get3A_26 = vector.load %arg5[%get3A_24, %get3A_25] : memref<1x256xf32, #tpu.memory_space<vmem>>, vector<1x256xf32>
    %add3A_27 = vector.broadcast %get3A_26 : vector<1x256xf32> to vector<1000x256xf32>
    %add3A_28 = arith.addf %dot_general3A_23, %add3A_27 : vector<1000x256xf32>
    %max3A_29 = arith.constant 0.000000e+00 : f32
    %max3A_30 = vector.broadcast %max3A_29 : f32 to vector<1000x256xf32>
    %max3A_31 = arith.maximumf %add3A_28, %max3A_30 : vector<1000x256xf32>
    %slice3A = vector.extract_strided_slice %max3A_31 {offsets = [0, 0], sizes = [1000, 128], strides = [1, 1]} : vector<1000x256xf32> to vector<1000x128xf32>
    %swap3A = arith.constant 0 : index
    %swap3A_32 = arith.constant 0 : index
    %swap3A_33 = arith.constant 0 : index
    %swap3A_34 = vector.load %arg6[%swap3A, %swap3A_32, %swap3A_33] : memref<2x1000x128xf32, #tpu.memory_space<vmem>>, vector<1x1000x128xf32>
    %swap3A_35 = vector.shape_cast %swap3A_34 : vector<1x1000x128xf32> to vector<1000x128xf32>
    %swap3A_36 = vector.shape_cast %slice3A : vector<1000x128xf32> to vector<1x1000x128xf32>
    tpu.vector_store %arg6[%swap3A, %swap3A_32, %swap3A_33], %swap3A_36 {strides = array<i32>} : memref<2x1000x128xf32, #tpu.memory_space<vmem>>, vector<1x1000x128xf32>,
    %slice3A_37 = vector.extract_strided_slice %max3A_31 {offsets = [0, 128], sizes = [1000, 128], strides = [1, 1]} : vector<1000x256xf32> to vector<1000x128xf32>
    %swap3A_38 = arith.constant 1 : index
    %swap3A_39 = arith.constant 0 : index
    %swap3A_40 = arith.constant 0 : index
    %swap3A_41 = vector.load %arg6[%swap3A_38, %swap3A_39, %swap3A_40] : memref<2x1000x128xf32, #tpu.memory_space<vmem>>, vector<1x1000x128xf32>
    %swap3A_42 = vector.shape_cast %swap3A_41 : vector<1x1000x128xf32> to vector<1000x128xf32>
    %swap3A_43 = vector.shape_cast %slice3A_37 : vector<1000x128xf32> to vector<1x1000x128xf32>
    tpu.vector_store %arg6[%swap3A_38, %swap3A_39, %swap3A_40], %swap3A_43 {strides = array<i32>} : memref<2x1000x128xf32, #tpu.memory_space<vmem>>, vector<1x1000x128xf32>,
    return
  }
  func.func @transform_0(%arg0: i32) -> (i32, i32, i32) {
    %c0_i32 = arith.constant 0 : i32
    %c0_i32_0 = arith.constant 0 : i32
    %c0_i32_1 = arith.constant 0 : i32
    return %c0_i32, %arg0, %c0_i32_0 : i32, i32, i32
  }
  func.func @transform_1(%arg0: i32) -> (i32, i32) {
    %c0_i32 = arith.constant 0 : i32
    %c0_i32_0 = arith.constant 0 : i32
    %c0_i32_1 = arith.constant 0 : i32
    return %c0_i32, %c0_i32_0 : i32, i32
  }
  func.func @transform_2(%arg0: i32) -> (i32, i32) {
    %c0_i32 = arith.constant 0 : i32
    %c0_i32_0 = arith.constant 0 : i32
    %c0_i32_1 = arith.constant 0 : i32
    return %c0_i32, %c0_i32_0 : i32, i32
  }
  func.func @transform_3(%arg0: i32) -> (i32, i32) {
    %c0_i32 = arith.constant 0 : i32
    %c0_i32_0 = arith.constant 0 : i32
    %c0_i32_1 = arith.constant 0 : i32
    return %c0_i32, %c0_i32_0 : i32, i32
  }
  func.func @transform_4(%arg0: i32) -> (i32, i32) {
    %c0_i32 = arith.constant 0 : i32
    %c0_i32_0 = arith.constant 0 : i32
    %c0_i32_1 = arith.constant 0 : i32
    return %c0_i32, %c0_i32_0 : i32, i32
  }
  func.func @transform_5(%arg0: i32) -> (i32, i32, i32) {
    %c0_i32 = arith.constant 0 : i32
    %c0_i32_0 = arith.constant 0 : i32
    %c0_i32_1 = arith.constant 0 : i32
    return %c0_i32, %arg0, %c0_i32_0 : i32, i32, i32
  }
}

module attributes {stable_mosaic.version = 14 : i64} {
  func.func @body(%arg0: i32, %arg1: memref<2x1000x128xf32, #tpu.memory_space<vmem>>, %arg2: memref<1x1x1000xi32, #tpu.memory_space<vmem>>, %arg3: memref<256x256xf32, #tpu.memory_space<vmem>>, %arg4: memref<1x256xf32, #tpu.memory_space<vmem>>, %arg5: memref<64x256xf32, #tpu.memory_space<vmem>>, %arg6: memref<64x256xf32, #tpu.memory_space<vmem>>, %arg7: memref<64x1xf32, #tpu.memory_space<vmem>>) attributes {dimension_semantics = [#tpu.dimension_semantics<arbitrary>], iteration_bounds = array<i64: 10>, scalar_prefetch = 0 : i64, scratch_operands = 2 : i64, tpu.core_type = #tpu.core_type<tc>, window_params = [{transform_indices = @transform_0, window_bounds = array<i64: 2, 1000, 128>}, {transform_indices = @transform_1, window_bounds = array<i64: 1, 1, 1000>}, {pipeline_mode = #tpu.pipeline_mode<synchronous>, transform_indices = @transform_2, window_bounds = array<i64: 256, 256>}, {pipeline_mode = #tpu.pipeline_mode<synchronous>, transform_indices = @transform_3, window_bounds = array<i64: 1, 256>}, {pipeline_mode = #tpu.pipeline_mode<synchronous>, transform_indices = @transform_4, window_bounds = array<i64: 64, 256>}]} {
    %eq3A = arith.constant 0 : i32
    %eq3A_0 = arith.cmpi eq, %arg0, %eq3A : i32
    %convert_element_type3A = arith.extui %eq3A_0 : i1 to i32
    %cond3A = arith.constant 0 : i32
    %cond3A_1 = arith.cmpi ne, %convert_element_type3A, %cond3A : i32
    scf.if %cond3A_1 {
      %broadcast_in_dim3A_39 = arith.constant 0.000000e+00 : f32
      %broadcast_in_dim3A_40 = vector.broadcast %broadcast_in_dim3A_39 : f32 to vector<64x256xf32>
      %swap3A_41 = arith.constant 0 : index
      %swap3A_42 = arith.constant 0 : index
      %swap3A_43 = vector.load %arg6[%swap3A_41, %swap3A_42] : memref<64x256xf32, #tpu.memory_space<vmem>>, vector<64x256xf32>
      tpu.vector_store %arg6[%swap3A_41, %swap3A_42], %broadcast_in_dim3A_40 {strides = array<i32>} : memref<64x256xf32, #tpu.memory_space<vmem>>, vector<64x256xf32>,
      %broadcast_in_dim3A_44 = arith.constant 0.000000e+00 : f32
      %broadcast_in_dim3A_45 = vector.broadcast %broadcast_in_dim3A_44 : f32 to vector<64x1xf32>
      %swap3A_46 = arith.constant 0 : index
      %swap3A_47 = arith.constant 0 : index
      %swap3A_48 = vector.load %arg7[%swap3A_46, %swap3A_47] : memref<64x1xf32, #tpu.memory_space<vmem>>, vector<64x1xf32>
      tpu.vector_store %arg7[%swap3A_46, %swap3A_47], %broadcast_in_dim3A_45 {strides = array<i32>} : memref<64x1xf32, #tpu.memory_space<vmem>>, vector<64x1xf32>,
    } else {
    }
    %get3A = arith.constant 0 : index
    %get3A_2 = arith.constant 0 : index
    %get3A_3 = arith.constant 0 : index
    %get3A_4 = vector.load %arg1[%get3A, %get3A_2, %get3A_3] : memref<2x1000x128xf32, #tpu.memory_space<vmem>>, vector<1x1000x128xf32>
    %get3A_5 = vector.shape_cast %get3A_4 : vector<1x1000x128xf32> to vector<1000x128xf32>
    %get3A_6 = arith.constant 1 : index
    %get3A_7 = arith.constant 0 : index
    %get3A_8 = arith.constant 0 : index
    %get3A_9 = vector.load %arg1[%get3A_6, %get3A_7, %get3A_8] : memref<2x1000x128xf32, #tpu.memory_space<vmem>>, vector<1x1000x128xf32>
    %get3A_10 = vector.shape_cast %get3A_9 : vector<1x1000x128xf32> to vector<1000x128xf32>
    %concatenate3A = tpu.concatenate %get3A_5, %get3A_10 in 1 : vector<1000x128xf32>, vector<1000x128xf32> -> vector<1000x256xf32>
    %iota3A = tpu.iota {dimensions = array<i32: 0>} : vector<64x1000xi32>
    %get3A_11 = arith.constant 0 : index
    %get3A_12 = arith.constant 0 : index
    %get3A_13 = arith.constant 0 : index
    %get3A_14 = vector.load %arg2[%get3A_11, %get3A_12, %get3A_13] : memref<1x1x1000xi32, #tpu.memory_space<vmem>>, vector<1x1x1000xi32>
    %get3A_15 = vector.shape_cast %get3A_14 : vector<1x1x1000xi32> to vector<1x1000xi32>
    %eq3A_16 = vector.broadcast %get3A_15 : vector<1x1000xi32> to vector<64x1000xi32>
    %eq3A_17 = arith.cmpi eq, %eq3A_16, %iota3A : vector<64x1000xi32>
    %convert_element_type3A_18 = arith.extui %eq3A_17 : vector<64x1000xi1> to vector<64x1000xi32>
    %convert_element_type3A_19 = arith.sitofp %convert_element_type3A_18 : vector<64x1000xi32> to vector<64x1000xf32>
    %get3A_20 = arith.constant 0 : index
    %get3A_21 = arith.constant 0 : index
    %get3A_22 = vector.load %arg6[%get3A_20, %get3A_21] : memref<64x256xf32, #tpu.memory_space<vmem>>, vector<64x256xf32>
    %dot_general3A = arith.constant dense<0.000000e+00> : vector<64x256xf32>
    %dot_general3A_23 = tpu.matmul %convert_element_type3A_19, %concatenate3A, %dot_general3A {dimension_numbers = #tpu.dot_dimension_numbers<[1], [0], [0], [1], [0, 0, 1, 1], [], []>, precision = #tpu.contract_precision<fp32>, transpose_lhs_hint = false} : vector<64x1000xf32>, vector<1000x256xf32>, vector<64x256xf32> -> vector<64x256xf32>
    %add3A = arith.addf %get3A_22, %dot_general3A_23 : vector<64x256xf32>
    %swap3A = arith.constant 0 : index
    %swap3A_24 = arith.constant 0 : index
    %swap3A_25 = vector.load %arg6[%swap3A, %swap3A_24] : memref<64x256xf32, #tpu.memory_space<vmem>>, vector<64x256xf32>
    tpu.vector_store %arg6[%swap3A, %swap3A_24], %add3A {strides = array<i32>} : memref<64x256xf32, #tpu.memory_space<vmem>>, vector<64x256xf32>,
    %get3A_26 = arith.constant 0 : index
    %get3A_27 = arith.constant 0 : index
    %get3A_28 = vector.load %arg7[%get3A_26, %get3A_27] : memref<64x1xf32, #tpu.memory_space<vmem>>, vector<64x1xf32>
    %reduce_sum3A = arith.constant dense<0.000000e+00> : vector<64xf32>
    %reduce_sum3A_29 = vector.multi_reduction <add>, %convert_element_type3A_19, %reduce_sum3A [1] : vector<64x1000xf32> to vector<64xf32>
    %broadcast_in_dim3A = vector.shape_cast %reduce_sum3A_29 : vector<64xf32> to vector<64x1xf32>
    %add3A_30 = arith.addf %get3A_28, %broadcast_in_dim3A : vector<64x1xf32>
    %swap3A_31 = arith.constant 0 : index
    %swap3A_32 = arith.constant 0 : index
    %swap3A_33 = vector.load %arg7[%swap3A_31, %swap3A_32] : memref<64x1xf32, #tpu.memory_space<vmem>>, vector<64x1xf32>
    tpu.vector_store %arg7[%swap3A_31, %swap3A_32], %add3A_30 {strides = array<i32>} : memref<64x1xf32, #tpu.memory_space<vmem>>, vector<64x1xf32>,
    %eq3A_34 = arith.constant 9 : i32
    %eq3A_35 = arith.cmpi eq, %arg0, %eq3A_34 : i32
    %convert_element_type3A_36 = arith.extui %eq3A_35 : i1 to i32
    %cond3A_37 = arith.constant 0 : i32
    %cond3A_38 = arith.cmpi ne, %convert_element_type3A_36, %cond3A_37 : i32
    scf.if %cond3A_38 {
      %get3A_39 = arith.constant 0 : index
      %get3A_40 = arith.constant 0 : index
      %get3A_41 = vector.load %arg6[%get3A_39, %get3A_40] : memref<64x256xf32, #tpu.memory_space<vmem>>, vector<64x256xf32>
      %get3A_42 = arith.constant 0 : index
      %get3A_43 = arith.constant 0 : index
      %get3A_44 = vector.load %arg7[%get3A_42, %get3A_43] : memref<64x1xf32, #tpu.memory_space<vmem>>, vector<64x1xf32>
      %max3A = arith.constant 1.000000e+00 : f32
      %max3A_45 = vector.broadcast %max3A : f32 to vector<64x1xf32>
      %max3A_46 = arith.maximumf %get3A_44, %max3A_45 : vector<64x1xf32>
      %div3A = vector.broadcast %max3A_46 : vector<64x1xf32> to vector<64x256xf32>
      %div3A_47 = arith.divf %get3A_41, %div3A : vector<64x256xf32>
      %get3A_48 = arith.constant 0 : index
      %get3A_49 = arith.constant 0 : index
      %get3A_50 = vector.load %arg3[%get3A_48, %get3A_49] : memref<256x256xf32, #tpu.memory_space<vmem>>, vector<256x256xf32>
      %dot_general3A_51 = arith.constant dense<0.000000e+00> : vector<64x256xf32>
      %dot_general3A_52 = tpu.matmul %div3A_47, %get3A_50, %dot_general3A_51 {dimension_numbers = #tpu.dot_dimension_numbers<[1], [0], [0], [1], [0, 0, 1, 1], [], []>, precision = #tpu.contract_precision<fp32>, transpose_lhs_hint = false} : vector<64x256xf32>, vector<256x256xf32>, vector<64x256xf32> -> vector<64x256xf32>
      %get3A_53 = arith.constant 0 : index
      %get3A_54 = arith.constant 0 : index
      %get3A_55 = vector.load %arg4[%get3A_53, %get3A_54] : memref<1x256xf32, #tpu.memory_space<vmem>>, vector<1x256xf32>
      %add3A_56 = vector.broadcast %get3A_55 : vector<1x256xf32> to vector<64x256xf32>
      %add3A_57 = arith.addf %dot_general3A_52, %add3A_56 : vector<64x256xf32>
      %swap3A_58 = arith.constant 0 : index
      %swap3A_59 = arith.constant 0 : index
      %swap3A_60 = vector.load %arg5[%swap3A_58, %swap3A_59] : memref<64x256xf32, #tpu.memory_space<vmem>>, vector<64x256xf32>
      tpu.vector_store %arg5[%swap3A_58, %swap3A_59], %add3A_57 {strides = array<i32>} : memref<64x256xf32, #tpu.memory_space<vmem>>, vector<64x256xf32>,
    } else {
    }
    return
  }
  func.func @transform_0(%arg0: i32) -> (i32, i32, i32) {
    %c0_i32 = arith.constant 0 : i32
    %c0_i32_0 = arith.constant 0 : i32
    %c0_i32_1 = arith.constant 0 : i32
    return %c0_i32, %arg0, %c0_i32_0 : i32, i32, i32
  }
  func.func @transform_1(%arg0: i32) -> (i32, i32, i32) {
    %c0_i32 = arith.constant 0 : i32
    %c0_i32_0 = arith.constant 0 : i32
    %c0_i32_1 = arith.constant 0 : i32
    return %arg0, %c0_i32, %c0_i32_0 : i32, i32, i32
  }
  func.func @transform_2(%arg0: i32) -> (i32, i32) {
    %c0_i32 = arith.constant 0 : i32
    %c0_i32_0 = arith.constant 0 : i32
    %c0_i32_1 = arith.constant 0 : i32
    return %c0_i32, %c0_i32_0 : i32, i32
  }
  func.func @transform_3(%arg0: i32) -> (i32, i32) {
    %c0_i32 = arith.constant 0 : i32
    %c0_i32_0 = arith.constant 0 : i32
    %c0_i32_1 = arith.constant 0 : i32
    return %c0_i32, %c0_i32_0 : i32, i32
  }
  func.func @transform_4(%arg0: i32) -> (i32, i32) {
    %c0_i32 = arith.constant 0 : i32
    %c0_i32_0 = arith.constant 0 : i32
    %c0_i32_1 = arith.constant 0 : i32
    return %c0_i32, %c0_i32_0 : i32, i32
  }
}

module attributes {stable_mosaic.version = 14 : i64} {
  func.func @body(%arg0: i32, %arg1: memref<64x256xf32, #tpu.memory_space<vmem>>, %arg2: memref<1000x1xi32, #tpu.memory_space<vmem>>, %arg3: memref<256x128xf32, #tpu.memory_space<vmem>>, %arg4: memref<1x128xf32, #tpu.memory_space<vmem>>, %arg5: memref<128x128xf32, #tpu.memory_space<vmem>>, %arg6: memref<1x128xf32, #tpu.memory_space<vmem>>, %arg7: memref<1000x128xf32, #tpu.memory_space<vmem>>) attributes {dimension_semantics = [#tpu.dimension_semantics<arbitrary>], iteration_bounds = array<i64: 10>, scalar_prefetch = 0 : i64, scratch_operands = 0 : i64, tpu.core_type = #tpu.core_type<tc>, window_params = [{pipeline_mode = #tpu.pipeline_mode<synchronous>, transform_indices = @transform_0, window_bounds = array<i64: 64, 256>}, {transform_indices = @transform_1, window_bounds = array<i64: 1000, 1>}, {pipeline_mode = #tpu.pipeline_mode<synchronous>, transform_indices = @transform_2, window_bounds = array<i64: 256, 128>}, {pipeline_mode = #tpu.pipeline_mode<synchronous>, transform_indices = @transform_3, window_bounds = array<i64: 1, 128>}, {pipeline_mode = #tpu.pipeline_mode<synchronous>, transform_indices = @transform_4, window_bounds = array<i64: 128, 128>}, {pipeline_mode = #tpu.pipeline_mode<synchronous>, transform_indices = @transform_5, window_bounds = array<i64: 1, 128>}, {transform_indices = @transform_6, window_bounds = array<i64: 1000, 128>}]} {
    %iota3A = tpu.iota {dimensions = array<i32: 1>} : vector<1000x64xi32>
    %get3A = arith.constant 0 : index
    %get3A_0 = arith.constant 0 : index
    %get3A_1 = vector.load %arg2[%get3A, %get3A_0] : memref<1000x1xi32, #tpu.memory_space<vmem>>, vector<1000x1xi32>
    %eq3A = vector.broadcast %get3A_1 : vector<1000x1xi32> to vector<1000x64xi32>
    %eq3A_2 = arith.cmpi eq, %eq3A, %iota3A : vector<1000x64xi32>
    %convert_element_type3A = arith.extui %eq3A_2 : vector<1000x64xi1> to vector<1000x64xi32>
    %convert_element_type3A_3 = arith.sitofp %convert_element_type3A : vector<1000x64xi32> to vector<1000x64xf32>
    %get3A_4 = arith.constant 0 : index
    %get3A_5 = arith.constant 0 : index
    %get3A_6 = vector.load %arg1[%get3A_4, %get3A_5] : memref<64x256xf32, #tpu.memory_space<vmem>>, vector<64x256xf32>
    %dot_general3A = arith.constant dense<0.000000e+00> : vector<1000x256xf32>
    %dot_general3A_7 = tpu.matmul %convert_element_type3A_3, %get3A_6, %dot_general3A {dimension_numbers = #tpu.dot_dimension_numbers<[1], [0], [0], [1], [0, 0, 1, 1], [], []>, precision = #tpu.contract_precision<fp32>, transpose_lhs_hint = false} : vector<1000x64xf32>, vector<64x256xf32>, vector<1000x256xf32> -> vector<1000x256xf32>
    %get3A_8 = arith.constant 0 : index
    %get3A_9 = arith.constant 0 : index
    %get3A_10 = vector.load %arg3[%get3A_8, %get3A_9] : memref<256x128xf32, #tpu.memory_space<vmem>>, vector<256x128xf32>
    %dot_general3A_11 = arith.constant dense<0.000000e+00> : vector<1000x128xf32>
    %dot_general3A_12 = tpu.matmul %dot_general3A_7, %get3A_10, %dot_general3A_11 {dimension_numbers = #tpu.dot_dimension_numbers<[1], [0], [0], [1], [0, 0, 1, 1], [], []>, precision = #tpu.contract_precision<fp32>, transpose_lhs_hint = false} : vector<1000x256xf32>, vector<256x128xf32>, vector<1000x128xf32> -> vector<1000x128xf32>
    %get3A_13 = arith.constant 0 : index
    %get3A_14 = arith.constant 0 : index
    %get3A_15 = vector.load %arg4[%get3A_13, %get3A_14] : memref<1x128xf32, #tpu.memory_space<vmem>>, vector<1x128xf32>
    %add3A = vector.broadcast %get3A_15 : vector<1x128xf32> to vector<1000x128xf32>
    %add3A_16 = arith.addf %dot_general3A_12, %add3A : vector<1000x128xf32>
    %max3A = arith.constant 0.000000e+00 : f32
    %max3A_17 = vector.broadcast %max3A : f32 to vector<1000x128xf32>
    %max3A_18 = arith.maximumf %add3A_16, %max3A_17 : vector<1000x128xf32>
    %get3A_19 = arith.constant 0 : index
    %get3A_20 = arith.constant 0 : index
    %get3A_21 = vector.load %arg5[%get3A_19, %get3A_20] : memref<128x128xf32, #tpu.memory_space<vmem>>, vector<128x128xf32>
    %dot_general3A_22 = arith.constant dense<0.000000e+00> : vector<1000x128xf32>
    %dot_general3A_23 = tpu.matmul %max3A_18, %get3A_21, %dot_general3A_22 {dimension_numbers = #tpu.dot_dimension_numbers<[1], [0], [0], [1], [0, 0, 1, 1], [], []>, precision = #tpu.contract_precision<fp32>, transpose_lhs_hint = false} : vector<1000x128xf32>, vector<128x128xf32>, vector<1000x128xf32> -> vector<1000x128xf32>
    %get3A_24 = arith.constant 0 : index
    %get3A_25 = arith.constant 0 : index
    %get3A_26 = vector.load %arg6[%get3A_24, %get3A_25] : memref<1x128xf32, #tpu.memory_space<vmem>>, vector<1x128xf32>
    %add3A_27 = vector.broadcast %get3A_26 : vector<1x128xf32> to vector<1000x128xf32>
    %add3A_28 = arith.addf %dot_general3A_23, %add3A_27 : vector<1000x128xf32>
    %swap3A = arith.constant 0 : index
    %swap3A_29 = arith.constant 0 : index
    %swap3A_30 = vector.load %arg7[%swap3A, %swap3A_29] : memref<1000x128xf32, #tpu.memory_space<vmem>>, vector<1000x128xf32>
    tpu.vector_store %arg7[%swap3A, %swap3A_29], %add3A_28 {strides = array<i32>} : memref<1000x128xf32, #tpu.memory_space<vmem>>, vector<1000x128xf32>,
    return
  }
  func.func @transform_0(%arg0: i32) -> (i32, i32) {
    %c0_i32 = arith.constant 0 : i32
    %c0_i32_0 = arith.constant 0 : i32
    %c0_i32_1 = arith.constant 0 : i32
    return %c0_i32, %c0_i32_0 : i32, i32
  }
  func.func @transform_1(%arg0: i32) -> (i32, i32) {
    %c0_i32 = arith.constant 0 : i32
    %c0_i32_0 = arith.constant 0 : i32
    return %arg0, %c0_i32 : i32, i32
  }
  func.func @transform_2(%arg0: i32) -> (i32, i32) {
    %c0_i32 = arith.constant 0 : i32
    %c0_i32_0 = arith.constant 0 : i32
    %c0_i32_1 = arith.constant 0 : i32
    return %c0_i32, %c0_i32_0 : i32, i32
  }
  func.func @transform_3(%arg0: i32) -> (i32, i32) {
    %c0_i32 = arith.constant 0 : i32
    %c0_i32_0 = arith.constant 0 : i32
    %c0_i32_1 = arith.constant 0 : i32
    return %c0_i32, %c0_i32_0 : i32, i32
  }
  func.func @transform_4(%arg0: i32) -> (i32, i32) {
    %c0_i32 = arith.constant 0 : i32
    %c0_i32_0 = arith.constant 0 : i32
    %c0_i32_1 = arith.constant 0 : i32
    return %c0_i32, %c0_i32_0 : i32, i32
  }
  func.func @transform_5(%arg0: i32) -> (i32, i32) {
    %c0_i32 = arith.constant 0 : i32
    %c0_i32_0 = arith.constant 0 : i32
    %c0_i32_1 = arith.constant 0 : i32
    return %c0_i32, %c0_i32_0 : i32, i32
  }
  func.func @transform_6(%arg0: i32) -> (i32, i32) {
    %c0_i32 = arith.constant 0 : i32
    %c0_i32_0 = arith.constant 0 : i32
    return %arg0, %c0_i32 : i32, i32
  }
}

</mosaic_0001>

<sc_bundles>
// kernel: closed_call.13.cloned.1.call-start
scs
__scs_entry_jumppad:
0x0: {  	(pc) =	sbr.rel $0x88, $3  }
0x1: {  	(tag) =	ssettag $0x0;
	lr =	simm.s32 $0x1  }
0x2: {  	[smem:$0x3F8C] =	sst lr;
	_ =	strace $0xD0000000  }
0x3: {  	_ = 	snop  }
0x4: {  	_ = 	snop  }
0x5: {  	_ = 	snop  }
0x6: {  	_ = 	snop  }
0x7: {  	_ = 	snop  }
__scs_overlays_trampoline_lowered:
0x8: {  	[smem:$0x3F9B] =	sst s0  }
0x9: {  	[smem:$0x3F9C] =	sst s1  }
0xa: {  	[smem:$0x3F9D] =	sst s2  }
0xb: {  	[smem:$0x3F9E] =	sst s3  }
0xc: {  	[smem:$0x3F9F] =	sst s4  }
0xd: {  	[smem:$0x3FA0] =	sst s5  }
0xe: {  	[smem:$0x3FA1] =	sst s6  }
0xf: {  	[smem:$0x3FA2] =	sst s7  }
0x10: {  	[smem:$0x3FA3] =	sst s8  }
0x11: {  	[smem:$0x3FA4] =	sst s9;
	s0 =	simm.s32 @!p0 $0x0  }
0x12: {  	s1 =	sld [smem:$0x3F8A];
	s0 =	simm.s32 @p0 $0x1  }
0x13: {  	[smem:$0x3FA5] =	sst s0;
	s0 =	simm.s32 @!p1 $0x0  }
0x14: {  	s2 =	sld [smem:$0x3F89];
	s0 =	simm.s32 @p1 $0x1  }
0x15: {  	[smem:$0x3FA6] =	sst s0;
	s0 =	simm.s32 @!p2 $0x0  }
0x16: {  	s3 =	sld [smem:$0x3FDB];
	s0 =	simm.s32 @p2 $0x1  }
0x17: {  	s4 =	simm.s32 $0x1BF5;
	[smem:$0x3FA8] =	sst s0  }
0x18: {  	s0 =	sld [smem:$0x3F8B];
	_ =	swait.ge [sflag:s4], $0x0  }
0x19: {  	s7 =	sld [smem:$0x3F8C]  }
0x1a: {  	s8 =	sadd.s32 $0xFFFFE003, lr  }
0x1b: {  	s9 =	sadd.s32 $0xFFFFFEF7, lr;
	s5 =	simm.s32 $0xFFFFFFFF;
	p2 =	slt.u32 s8, $0xFFFFF086  }
0x1c: {  	p1 =	slt.u32 s9, $0xF7A;
	s5 =	simm.s32 @!p2 $0x0  }
0x1d: {  	s5 =	simm.s32 @p1 $0x1;
	p0 =	seq.s32 s7, s2  }
0x1e: {  	s7 =	smul.u32 @!p0 $0xF7A, s2;
	p2 =	seq.s32 @!p0 s5, $0x0  }
0x1f: {  	s9 =	smul.u32 $0xF7A, s1;
	s8 =	simm.s32 @!p0 $0x1BF5;
	p2 =	por !p2, p0  }
0x20: {  	[sflag:s8] =	ssyncset.s32 @!p0 $0xFFFFF086;
	s6 =	sadd.s32 @!p0 s3, s7;
	s7 =	simm.s32 @!p0 $0x108  }
0x21: {  	s3 =	sadd.s32 s3, s9;
	s6 =	sadd.s32 @!p0 $0x88, s6;
	s7 =	simm.s32 @p2 $0x1082  }
0x22: {  	[simem:s7], [sflag:s8] =	dma.local @!p0 [hbm:s6], $0xF7A  }
0x23: {  	s9 =	sor.u32 $0xD0000000, s2;
	s6 =	simm.s32 $0x108;
	_ =	swait.ge @!p0 [sflag:s8], $0x0  }
0x24: {  	s3 =	sadd.s32 $0x88, s3;
	s6 =	simm.s32 @!p1 $0x1082;
	[sflag:s4] =	ssyncset.s32 $0xFFFFF086  }
0x25: {  	[simem:s6], [sflag:s4] =	dma.local [hbm:s3], $0xF7A  }
0x26: {  	[smem:$0x3F8C] =	sst s1;
	(tag) =	ssettag s2;
	_ =	strace s9  }
0x27: {  	s1 =	sld [smem:$0x3F9C]  }
0x28: {  	s2 =	sld [smem:$0x3F9D]  }
0x29: {  	s4 =	sld [smem:$0x3F9F]  }
0x2a: {  	p0 =	seq.s32 s5, $0x0;
	s5 =	sld [smem:$0x3FA0]  }
0x2b: {  	s6 =	sld [smem:$0x3FA1]  }
0x2c: {  	s7 =	sld [smem:$0x3FA2]  }
0x2d: {  	s3 =	simm.s32 $0x108;
	s8 =	sld [smem:$0x3FA3]  }
0x2e: {  	s3 =	simm.s32 @!p0 $0x1082;
	s9 =	sld [smem:$0x3FA4]  }
0x2f: {  	lr =	sadd.s32 s0, s3;
	s0 =	sld [smem:$0x3F9B]  }
0x30: {  	s3 =	sld [smem:$0x3F9E]  }
0x31: {  	[smem:$0x3FA7] =	sst s10  }
0x32: {  	s10 =	sld [smem:$0x3FA5];
	_ =	sdelay $0x3  }
0x33: {  	p0 =	seq.s32 s10, $0x1;
	s10 =	sld [smem:$0x3FA7];
	_ =	sdelay $0x3  }
0x34: {  	[smem:$0x3FA7] =	sst s10  }
0x35: {  	s10 =	sld [smem:$0x3FA6];
	_ =	sdelay $0x3  }
0x36: {  	p1 =	seq.s32 s10, $0x1;
	s10 =	sld [smem:$0x3FA7];
	_ =	sdelay $0x3  }
0x37: {  	[smem:$0x3FA7] =	sst s10  }
0x38: {  	s10 =	sld [smem:$0x3FA8]  }
0x39: {  	_ = 	snop;
	(pc) =	sbr.ind lr, $3  }
0x3a: {  	_ = 	snop  }
0x3b: {  	_ = 	snop  }
0x3c: {  	p2 =	seq.s32 s10, $0x1;
	s10 =	sld [smem:$0x3FA7]  }
0x3d: {  	_ =	shalt  }
0x3e: {  	_ =	shalt  }
0x3f: {  	_ =	shalt  }
0x40: {  	_ =	shalt  }
0x41: {  	_ =	shalt  }
0x42: {  	_ =	shalt  }
0x43: {  	_ =	shalt  }
0x44: {  	_ =	shalt  }
0x45: {  	_ =	shalt  }
0x46: {  	_ =	shalt  }
0x47: {  	_ =	shalt  }
0x48: {  	_ =	shalt  }
0x49: {  	_ =	shalt  }
0x4a: {  	_ =	shalt  }
0x4b: {  	_ =	shalt  }
0x4c: {  	_ =	shalt  }
0x4d: {  	_ =	shalt  }
0x4e: {  	_ =	shalt  }
0x4f: {  	_ =	shalt  }
0x50: {  	_ =	shalt  }
0x51: {  	_ =	shalt  }
0x52: {  	_ =	shalt  }
0x53: {  	_ =	shalt  }
0x54: {  	_ =	shalt  }
0x55: {  	_ =	shalt  }
0x56: {  	_ =	shalt  }
0x57: {  	_ =	shalt  }
0x58: {  	_ =	shalt  }
0x59: {  	_ =	shalt  }
0x5a: {  	_ =	shalt  }
0x5b: {  	_ =	shalt  }
0x5c: {  	_ =	shalt  }
0x5d: {  	_ =	shalt  }
0x5e: {  	_ =	shalt  }
0x5f: {  	_ =	shalt  }
0x60: {  	_ =	shalt  }
0x61: {  	_ =	shalt  }
0x62: {  	_ =	shalt  }
0x63: {  	_ =	shalt  }
0x64: {  	_ =	shalt  }
0x65: {  	_ =	shalt  }
0x66: {  	_ =	shalt  }
0x67: {  	_ =	shalt  }
0x68: {  	_ =	shalt  }
0x69: {  	_ =	shalt  }
0x6a: {  	_ =	shalt  }
0x6b: {  	_ =	shalt  }
0x6c: {  	_ =	shalt  }
0x6d: {  	_ =	shalt  }
0x6e: {  	_ =	shalt  }
0x6f: {  	_ =	shalt  }
0x70: {  	_ =	shalt  }
0x71: {  	_ =	shalt  }
0x72: {  	_ =	shalt  }
0x73: {  	_ =	shalt  }
0x74: {  	_ =	shalt  }
0x75: {  	_ =	shalt  }
0x76: {  	_ =	shalt  }
0x77: {  	_ =	shalt  }
0x78: {  	_ =	shalt  }
0x79: {  	_ =	shalt  }
0x7a: {  	_ =	shalt  }
0x7b: {  	_ =	shalt  }
0x7c: {  	_ =	shalt  }
0x7d: {  	_ =	shalt  }
0x7e: {  	_ =	shalt  }
0x7f: {  	_ =	shalt  }
0x80: {  	_ =	shalt  }
0x81: {  	_ =	shalt  }
0x82: {  	_ =	shalt  }
0x83: {  	_ =	shalt  }
0x84: {  	_ =	shalt  }
0x85: {  	_ =	shalt  }
0x86: {  	_ =	shalt  }
0x87: {  	_ =	shalt  }
.Lfunc_end0:
.L_simem_size_0:
called_computation_lowered:
.L_overlay_start_0:
0x88: {  	s2 =	sld [smem:$0x3FD9]  }
0x89: {  	s3 =	sld [smem:$0x3FFE];
	_ =	sdelay $0x1  }
0x8a: {  	s1 =	srdreg.scid  }
0x8b: {  	s0 =	sand.u32 $0x1, s1  }
0x8c: {  	s14 =	sshll.u32 s0, $0xA;
	s2 =	sadd.s32 s3, s2  }
0x8d: {  	s2 =	sadd.s32 s2, s14  }
0x8e: {  	[smem:$0x3FB3] =	sst s2  }
0x8f: {  	_ = 	snop  }
0x90: {  	s2 =	sld [smem:$0x3FD0];
	_ =	sdelay $0x2  }
0x91: {  	s15 =	simm.s32 $0xA;
	s4 =	simm.s32 $0x10  }
0x92: {  	[smem:s4], [sflag:s15] =	dma.local [hbm:s2], $0x1  }
0x93: {  	_ =	swait.eq [sflag:s15], $0x1  }
0x94: {  	[sflag:s15] =	ssyncset.done $0x0  }
0x95: {  	[sflag:s15] =	ssyncadd.s32 $0xFFFFFFFF  }
0x96: {  	s16 =	sld [smem:$0x10];
	(tm) =	ssettm $0x1  }
0x97: {  	s17 =	sld [smem:$0x3FFB];
	_ =	sdelay $0x3  }
0x98: {  	_ =	strace s17  }
0x99: {  	s3 =	sld [smem:$0x3FFC];
	_ =	sdelay $0x3  }
0x9a: {  	_ =	strace s3  }
0x9b: {  	s3 =	sld [smem:$0x3FFD];
	_ =	sdelay $0x3  }
0x9c: {  	_ =	strace s3  }
0x9d: {  	_ =	strace $0x8FFFFFFF  }
0x9e: {  	s18 =	sld [smem:$0x3FDB];
	_ =	sdelay $0x1  }
0x9f: {  	s19 =	simm.s32 $_scs_section_size  }
0xa0: {  	s5 =	simm.s32 $_size__tile_overlayer_lowered;
	s6 =	simm.s32 $_tile_overlayer_lowered  }
0xa1: {  	s22 =	simm.s32 $0x1BFF;
	s21 =	sshll.u32 s6, $0x1;
	s3 =	sadd.s32 s19, s18  }
0xa2: {  	s7 =	simm.s32 $0x0;
	s20 =	sshll.u32 s5, $0x1;
	s5 =	sadd.s32 s21, s3  }
0xa3: {  	[timem:s7], [sflag:s22] =	dma.local [hbm:s5], s20  }
0xa4: {  	_ =	swait.ge [sflag:s22], s20  }
0xa5: {  	s4 =	ssub.s32 $0x0, s20;
	[sflag:s22] =	ssyncset.done $0x0  }
0xa6: {  	[sflag:s22] =	ssyncadd.s32 s4;
	_ =	sdelay $0x1  }
0xa7: {  	s23 =	simm.s32 $0x1B8B  }
0xa8: {  	_ =	swait.ge [sflag:s23], $0x1  }
0xa9: {  	[sflag:s23] =	ssyncset.done $0x0  }
0xaa: {  	s25 =	simm.s32 $0x1B8E;
	s24 =	sld [smem:$0x3FFE];
	[sflag:s23] =	ssyncadd.s32 $0xFFFFFFFF  }
0xab: {  	s26 =	simm.s32 $execute0_lowered;
	[smem:$0x3FD2] =	sst s25  }
0xac: {  	s5 =	sshll.u32 s26, $0x1;
	_ =	strace $0x80000046;
	[dreg:$0x1] =	wrdreg $0xFFFFFFFF  }
0xad: {  	s28 =	simm.s32 $_size_execute0_lowered;
	s3 =	sadd.s32 s3, s5;
	[dreg:$0x0] =	wrdreg $0x0  }
0xae: {  	s5 =	sshll.u32 s28, $0x1;
	[dreg:$0x2] =	wrdreg s3  }
0xaf: {  	[dreg:$0x3] =	wrdreg s5  }
0xb0: {  	[dreg:$0x4] =	wrdreg $0xC0  }
0xb1: {  	_ =	task [dreg:s7], $0x5FFFF  }
0xb2: {  	[dreg:$0x1] =	wrdreg $0xFFFFFFFF  }
0xb3: {  	[dreg:$0x0] =	wrdreg $0x60  }
0xb4: {  	[dreg:$0x2] =	wrdreg s24  }
0xb5: {  	[dreg:$0x3] =	wrdreg s16  }
0xb6: {  	[dreg:$0x4] =	wrdreg $0xC0800  }
0xb7: {  	[dreg:$0x5] =	wrdreg $0x9  }
0xb8: {  	_ =	task.clear_ibuf [dreg:s7], $0x6FFFF;
	_ =	strace $0x90000046  }
0xb9: {  	s29 =	simm.s32 $0x9;
	_ =	strace $0x80000048  }
0xba: {  	_ =	swait.ge [sflag:s29], $0x1  }
0xbb: {  	[sflag:s29] =	ssyncadd.s32 $0xFFFFFFFF  }
0xbc: {  	_ =	strace $0x90000048  }
0xbd: {  	_ =	sfence  }
0xbe: {  	s30 =	sld [smem:$0x0];
	_ =	sdelay $0x2  }
0xbf: {  	s31 =	sshll.u32 s1, $0xD;
	s1 =	sshrl.u32 s1, $0x2  }
0xc0: {  	s3 =	sand.u32 $0x4000, s31;
	s1 =	sadd.s32 s1, s30  }
0xc1: {  	s0 =	sor.u32 s3, s0;
	s1 =	sshll.u32 s1, $0x11  }
0xc2: {  	s0 =	sor.u32 s1, s0  }
0xc3: {  	s0 =	sadd.s32 $0x8F2B, s0  }
0xc4: {  	[sflag:s0] =	ssyncadd.remote.s32 $0x1  }
0xc5: {  	_ =	sfence.sel $0xFFFF  }
0xc6: {  	[dreg:$0x0] =	wrdreg $0xFFFFFFFF;
	(pc) =	sbr.abs _section_cstart, $3  }
0xc7: {  	[dreg:$0x1] =	wrdreg $0xFFFFFFFF  }
0xc8: {  	_ =	task.clear_ibuf [dreg:s7], $0x2FFFF;
	_ =	strace $0x9FFFFFFF  }
0xc9: {  	(tm) =	ssettm $0x7FFFFFFF  }
tec
execute0_lowered:
.L_overlay_start_1:
0x0: {  	(tag) =	ssettag $0x1  }
0x1: {  	s0 =	rddreg [dreg:$0x0]  }
0x2: {  	s3 =	rddreg [dreg:$0x2];
	s18 =	simm.s32 $0x0  }
0x3: {  	s14 =	stileid.u32;
	s4 =	srdreg.scid;
	s28 =	simm.s32 $0x40  }
0x4: {  	s29 =	simm.s32 $0x4000;
	s31 =	simm.s32 $0x6000;
	s15 =	simm.s32 $0x280  }
0x5: {  	[smem:$0x7FF] =	sst s18;
	s1 =	smul.u32 $0x2700, s14;
	s5 =	sadd.s32 $0xF3E00, s0  }
0x6: {  	s6 =	sadd.s32 $0x16A000, s0;
	s4 =	sand.u32 $0x1, s4;
	s8 =	smul.u32 $0x4E000, s14  }
0x7: {  	s7 =	sadd.s32 $0x142000, s0;
	s11 =	sadd.s32 $0x1B9200, s0;
	s17 =	smul.u32 $0xA000, s14  }
0x8: {  	s19 =	sadd.s32 $0x138000, s3;
	p1 =	sne.s32 s14, $0xF;
	s10 =	smul.u32 $0x27100, s4  }
0x9: {  	p2 =	seq.s32 s14, $0xF;
	s14 =	simm.s32 $0x2080;
	s13 =	smul.u32 $0x138800, s4  }
0xa: {  	_ =	strace $0x80000047;
	s9 =	ssub.s32 $0x2, s4;
	s16 =	smul.u32 $0xA0000, s4  }
0xb: {  	[dreg:$0x6] =	wrdreg s19;
	p0 =	seq.s32 s4, $0x0;
	s2 =	sadd.s32 s1, s0  }
0xc: {  	s12 =	sshrl.u32 s9, $0x1;
	s8 =	sshrl.u32 s8, $0x2;
	s0 =	sadd.s32 $0x1B9000, s0  }
0xd: {  	s9 =	ssub.s32 s9, s12;
	s8 =	sadd.s32 s8, s3;
	s2 =	sadd.s32 $0x192000, s2  }
0xe: {  	[dreg:$0x7] =	wrdreg s0;
	s20 =	sshrl.u32 s13, $0x3;
	s1 =	sadd.s32 s1, s10  }
0xf: {  	s12 =	sadd.s32 s17, s16;
	s13 =	simm.s32 $0x8000;
	[dreg:$0x4] =	wrdreg s8  }
0x10: {  	s16 =	simm.s32 $0x4;
	s17 =	simm.s32 $0x0;
	[dreg:$0x5] =	wrdreg s2  }
0x11: {  	s0 =	sadd.s32 $0x27000, s20;
	s21 =	sadd.s32 s5, s1;
	s23 =	sshrl.u32 s12, $0x3  }
0x12: {  	s1 =	sadd.s32 s11, s1;
	s30 =	smax.u32 s9, $0x1;
	s20 =	simm.s32 $0x5  }
0x13: {  	s9 =	simm.s32 $0x2;
	s8 =	simm.s32 $0x2180;
	[dreg:$0x8] =	wrdreg s21  }
0x14: {  	s22 =	sadd.s32 s5, s0;
	s24 =	sadd.s32 s6, s23;
	[dreg:$0xe] =	wrdreg s1  }
0x15: {  	s25 =	sadd.s32 s7, s23;
	s2 =	sor.u32 $0x200, s23;
	[dreg:$0x10] =	wrdreg s30  }
0x16: {  	s0 =	sadd.s32 s11, s0;
	s1 =	simm.s32 $0x2100;
	[dreg:$0x9] =	wrdreg s22  }
.Ltmp0:
0x17: {  	s11 =	simm.s32 $0x200;
	[dreg:$0xa] =	wrdreg s24;
	(pc) =	sbr.rel .LBB2_1-.Ltmp0, $4  }
0x18: {  	s21 =	simm.s32 $0x0;
	[dreg:$0xb] =	wrdreg s25;
	s26 =	sadd.s32 s6, s2  }
0x19: {  	s2 =	sadd.s32 s7, s2;
	[dreg:$0xf] =	wrdreg s0;
	s24 =	simm.s32 $0x2000  }
0x1a: {  	s0 =	simm.s32 $0x100;
	s22 =	simm.s32 $0xA000;
	[dreg:$0xc] =	wrdreg s26  }
0x1b: {  	[dreg:$0xd] =	wrdreg s2;
	s26 =	simm.s32 $0x1;
	s2 =	simm.s32 $0x180  }
.LBB2_15:
0x1c: {  	[bflag:$0x0] =	sbarrier.arrive $0xFFFF  }
0x1d: {  	s4 =	rddreg [dreg:$0x12]  }
0x1e: {  	s10 =	rddreg [dreg:$0xe]  }
0x1f: {  	s20 =	simm.s32 $0x5;
	s17 =	rddreg [dreg:$0x13];
	s4 =	sor.u32 $0x1C05, s4  }
0x20: {  	[hbm:s10], [sflag:s4] =	dma.local [spmem:s17], $0x2700  }
0x21: {  	_ =	swait.ge [sflag:s20], $0x2700  }
0x22: {  	[sflag:s20] =	ssyncset.done $0x0;
	s10 =	rddreg [dreg:$0x6]  }
0x23: {  	s17 =	rddreg [dreg:$0xf];
	[sflag:s20] =	ssyncadd.s32 $0xFFFFD900;
	s10 =	sshrl.u32 @!p1 s10, $0x3  }
0x24: {  	[hbm:s17], [sflag:s4] =	dma.local @!p1 [spmem:s10], $0x100  }
0x25: {  	s4 =	simm.s32 @!p1 $0x5  }
0x26: {  	_ =	swait.ge @!p1 [sflag:s4], $0x100  }
0x27: {  	s25 =	rddreg [dreg:$0x11]  }
0x28: {  	s30 =	rddreg [dreg:$0x10];
	s17 =	sadd.s32 $0x1, s25  }
0x29: {  	p3 =	sne.s32 s17, s30  }
.Ltmp1:
0x2a: {  	_ = 	snop;
	(pc) =	sbr.rel @!p3 .LBB2_16-.Ltmp1, $3  }
0x2b: {  	_ =	sdelay $0x1  }
0x2c: {  	[sflag:s4] =	ssyncset.done @!p1 $0x0  }
0x2d: {  	s18 =	simm.s32 $0x0;
	[sflag:s4] =	ssyncadd.s32 @!p1 $0xFFFFFF00  }
.LBB2_1:
0x2e: {  	[dreg:$0x11] =	wrdreg s17  }
0x2f: {  	s4 =	rddreg [dreg:$0x1];
	s10 =	simm.s32 $0xC000  }
0x30: {  	[tilespmem:s10], [sflag:$0x5] =	stream.linear.gather [hbm4b:s4+s18], $0x80, $0x38;
	[tilespmem:$0x1F980] =	vst v63  }
0x31: {  	_ =	swait.ge [sflag:s20], $0x80  }
0x32: {  	[sflag:s20] =	ssyncset.done $0x0  }
0x33: {  	[sflag:s20] =	ssyncadd.s32 $0xFFFFFF80  }
0x34: {  	v0 =	vld [tilespmem:$0xC000];
	_ =	sdelay $0x4  }
0x35: {  	(v2sf) =	vpush v0, $0x0;
	_ =	sdelay $0xe  }
0x36: {  	s19 =	spop (v2sf)  }
0x37: {  	p3 =	sne.s32 @!p0 s19, $0x5  }
0x38: {  	p3 =	por p0, p3  }
.Ltmp2:
0x39: {  	_ = 	snop;
	(pc) =	sbr.rel @p3 .LBB2_3-.Ltmp2, $4  }
0x3a: {  	s25 =	stileid.u32  }
0x3b: {  	s10 =	sshll.u32 s25, $0x6;
	s30 =	rddreg [dreg:$0x4]  }
0x3c: {  	[dreg:$0x12] =	wrdreg s10;
	s17 =	sshrl.u32 s30, $0x3  }
0x3d: {  	s4 =	sor.u32 $0x1C05, s10;
	[dreg:$0x13] =	wrdreg s17  }
.Ltmp3:
0x3e: {  	s10 =	rddreg [dreg:$0x5];
	(pc) =	sbr.rel @!p2 .LBB2_5-.Ltmp3, $4  }
0x3f: {  	[spmem:s17], [sflag:s4] =	dma.local [hbm:s10], $0x2700  }
0x40: {  	_ =	swait.ge [sflag:s20], $0x2700  }
0x41: {  	[sflag:s20] =	ssyncset.done $0x0  }
0x42: {  	s10 =	rddreg [dreg:$0x7];
	[sflag:s20] =	ssyncadd.s32 $0xFFFFD900  }
.LBB2_4:
0x43: {  	s17 =	rddreg [dreg:$0x6]  }
0x44: {  	s17 =	sshrl.u32 s17, $0x3  }
0x45: {  	[spmem:s17], [sflag:s4] =	dma.local [hbm:s10], $0x100  }
0x46: {  	_ =	swait.ge [sflag:s20], $0x100  }
0x47: {  	[sflag:s20] =	ssyncset.done $0x0  }
0x48: {  	[sflag:s20] =	ssyncadd.s32 $0xFFFFFF00  }
.LBB2_5:
0x49: {  	[bflag:$0x0] =	sbarrier.arrive $0xFFFF  }
0x4a: {  	s4 =	rddreg [dreg:$0xa]  }
0x4b: {  	[tilespmem:s18], [sflag:$0x3] =	stream.linear.gather [hbm4b:s4+s18], $0x1000, $0x38;
	[tilespmem:$0x1F980] =	vst v63  }
0x4c: {  	s17 =	rddreg [dreg:$0xb]  }
0x4d: {  	[tilespmem:s24], [sflag:$0x3] =	stream.linear.gather [hbm4b:s17+s18], $0x1000, $0x38;
	[tilespmem:$0x1F980] =	vst v63  }
0x4e: {  	s18 =	simm.s32 $0x3  }
0x4f: {  	_ =	swait.ge [sflag:s18], $0x1000  }
0x50: {  	[sflag:s18] =	ssyncset.done $0x0  }
0x51: {  	[sflag:s18] =	ssyncadd.s32 $0xFFFFF000  }
0x52: {  	p3 =	slt.s32 s19, $0x2;
	_ =	swait.ge [sflag:s18], $0x1000  }
0x53: {  	s10 =	simm.s32 @!p3 $0x1000;
	[sflag:s18] =	ssyncset.done $0x0  }
0x54: {  	s4 =	simm.s32 @!p3 $0x0;
	s17 =	rddreg [dreg:$0xc];
	[sflag:s18] =	ssyncadd.s32 $0xFFFFF000  }
0x55: {  	[tilespmem:s10], [sflag:$0x4] =	stream.linear.gather @!p3 [hbm4b:s17+s4], $0x1000, $0x38;
	[tilespmem:$0x1F980] =	vst v63  }
0x56: {  	s10 =	simm.s32 @!p3 $0x3000;
	s17 =	rddreg [dreg:$0xd]  }
0x57: {  	[tilespmem:s10], [sflag:$0x4] =	stream.linear.gather @!p3 [hbm4b:s17+s4], $0x1000, $0x38;
	[tilespmem:$0x1F980] =	vst v63  }
0x58: {  	s20 =	sadd.s32 $0x1, s19;
	p3 =	slt.u32 s19, $0x7FFFFFFF;
	s10 =	simm.s32 $0x1  }
0x59: {  	s23 =	sshra.s32 s20, $0x1F;
	s10 =	simm.s32 @!p3 $0x0  }
0x5a: {  	s25 =	sand.u32 $0x1, s20;
	s10 =	sadd.s32 s10, s23  }
0x5b: {  	p4 =	seq.s32 s25, $0x1;
	p6 =	sne.s32 s10, $0x1  }
0x5c: {  	s30 =	sshrl.u32 s20, $0x1F;
	p3 =	por !p6, !p4  }
0x5d: {  	s4 =	sadd.s32 s30, s20;
	s10 =	simm.s32 $0x1;
	p3 =	por !p3, !p3  }
0x5e: {  	s4 =	sshra.s32 s4, $0x1;
	s10 =	simm.s32 @!p3 $0x0  }
0x5f: {  	s20 =	ssub.s32 s4, s10  }
0x60: {  	p3 =	slt.s32 s20, $0x1  }
.Ltmp4:
0x61: {  	_ = 	snop;
	(pc) =	sbr.rel @!p3 .LBB2_6-.Ltmp4, $4  }
.Ltmp5:
0x62: {  	_ = 	snop;
	(pc) =	sbr.rel @p3 .LBB2_15-.Ltmp5, $4  }
0x63: {  	_ = 	snop  }
0x64: {  	_ = 	snop  }
0x65: {  	s4 =	simm.s32 $0x0  }
0x66: {  	_ = 	snop  }
.LBB2_13:
0x67: {  	_ =	swait.ge [sflag:s26], $0x2000  }
0x68: {  	[sflag:s26] =	ssyncset.done $0x0  }
0x69: {  	[sflag:s26] =	ssyncadd.s32 $0xFFFFE000  }
0x6a: {  	[spmem:s3] =	stream.indirect.scatter.add.f32 [tilespmem:s22], [sflag:$0x2], $0x80, s18, s28, $0xb8;
	[tilespmem:$0x1F980] =	vst v63  }
0x6b: {  	_ =	swait.ge [sflag:s9], $0x2000  }
0x6c: {  	[sflag:s9] =	ssyncset.done $0x0  }
0x6d: {  	[sflag:s9] =	ssyncadd.s32 $0xFFFFE000  }
0x6e: {  	_ =	swait.ge [sflag:s9], $0x2000  }
0x6f: {  	[sflag:s9] =	ssyncset.done $0x0  }
0x70: {  	[sflag:s9] =	ssyncadd.s32 $0xFFFFE000  }
0x71: {  	_ =	swait.ge [sflag:s9], $0x2000  }
0x72: {  	[sflag:s9] =	ssyncset.done $0x0  }
0x73: {  	[sflag:s9] =	ssyncadd.s32 $0xFFFFE000  }
.LBB2_14:
0x74: {  	s10 =	sadd.s32 $0x3, s10  }
0x75: {  	p3 =	sge.s32 s10, s19  }
0x76: {  	s10 =	sshll.u32 @!p3 s10, $0xC  }
0x77: {  	s10 =	sadd.s32 @!p3 s12, s10  }
0x78: {  	s10 =	sshrl.u32 @!p3 s10, $0x3  }
0x79: {  	s18 =	simm.s32 @!p3 $0x0;
	s23 =	simm.s32 @!p3 $0x1000;
	s17 =	sadd.s32 @!p3 s6, s10  }
0x7a: {  	[tilespmem:s23], [sflag:$0x4] =	stream.linear.gather @!p3 [hbm4b:s17+s18], $0x1000, $0x38;
	[tilespmem:$0x1F980] =	vst v63  }
0x7b: {  	s4 =	sadd.s32 $0x1, s4;
	s10 =	sadd.s32 @!p3 s7, s10;
	s17 =	simm.s32 @!p3 $0x3000  }
0x7c: {  	[tilespmem:s17], [sflag:$0x4] =	stream.linear.gather @!p3 [hbm4b:s10+s18], $0x1000, $0x38;
	[tilespmem:$0x1F980] =	vst v63  }
0x7d: {  	p3 =	sne.s32 s4, s20  }
.Ltmp6:
0x7e: {  	_ = 	snop;
	(pc) =	sbr.rel @!p3 .LBB2_15-.Ltmp6, $1  }
0x7f: {  	_ =	sdelay $0x3  }
.LBB2_6:
0x80: {  	p3 =	seq.s32 s4, $0x0  }
0x81: {  	s10 =	simm.s32 @!p3 $0x3  }
0x82: {  	_ =	swait.ge @!p3 [sflag:s10], $0x1000  }
0x83: {  	[sflag:s10] =	ssyncset.done @!p3 $0x0  }
0x84: {  	[sflag:s10] =	ssyncadd.s32 @!p3 $0xFFFFF000  }
0x85: {  	_ =	swait.ge @!p3 [sflag:s10], $0x1000  }
0x86: {  	[sflag:s10] =	ssyncset.done @!p3 $0x0  }
0x87: {  	[sflag:s10] =	ssyncadd.s32 @!p3 $0xFFFFF000  }
0x88: {  	[tilespmem:s29], [sflag:$0x1] =	stream.indirect.gather [hbm4b:s5+s28], $0x80, s21, s28, $0xb8;
	[tilespmem:$0x1F980] =	vst v63  }
0x89: {  	s30 =	simm.s32 $0x80  }
0x8a: {  	[tilespmem:s31], [sflag:$0x1] =	stream.indirect.gather [hbm4b:s5+s28], $0x80, s30, s28, $0xb8;
	[tilespmem:$0x1F980] =	vst v63  }
0x8b: {  	_ =	swait.ge [sflag:s26], $0x2000  }
0x8c: {  	[sflag:s26] =	ssyncset.done $0x0  }
0x8d: {  	[sflag:s26] =	ssyncadd.s32 $0xFFFFE000  }
0x8e: {  	[spmem:s3] =	stream.indirect.scatter.add.f32 [tilespmem:s29], [sflag:$0x2], $0x80, s24, s28, $0xb8;
	[tilespmem:$0x1F980] =	vst v63  }
0x8f: {  	_ = 	snop  }
0x90: {  	[tilespmem:s13], [sflag:$0x1] =	stream.indirect.gather [hbm4b:s5+s28], $0x80, s0, s28, $0xb8;
	[tilespmem:$0x1F980] =	vst v63  }
0x91: {  	_ =	swait.ge [sflag:s26], $0x2000  }
0x92: {  	[sflag:s26] =	ssyncset.done $0x0  }
0x93: {  	[sflag:s26] =	ssyncadd.s32 $0xFFFFE000  }
0x94: {  	[spmem:s3] =	stream.indirect.scatter.add.f32 [tilespmem:s31], [sflag:$0x2], $0x80, s14, s28, $0xb8;
	[tilespmem:$0x1F980] =	vst v63  }
0x95: {  	_ = 	snop  }
0x96: {  	[tilespmem:s22], [sflag:$0x1] =	stream.indirect.gather [hbm4b:s5+s28], $0x80, s2, s28, $0xb8;
	[tilespmem:$0x1F980] =	vst v63  }
0x97: {  	_ =	swait.ge [sflag:s26], $0x2000  }
0x98: {  	[sflag:s26] =	ssyncset.done $0x0  }
0x99: {  	[sflag:s26] =	ssyncadd.s32 $0xFFFFE000  }
0x9a: {  	[spmem:s3] =	stream.indirect.scatter.add.f32 [tilespmem:s13], [sflag:$0x2], $0x80, s1, s28, $0xb8;
	[tilespmem:$0x1F980] =	vst v63  }
0x9b: {  	_ =	swait.ge [sflag:s9], $0x2000  }
0x9c: {  	[sflag:s9] =	ssyncset.done $0x0  }
0x9d: {  	[sflag:s9] =	ssyncadd.s32 $0xFFFFE000  }
0x9e: {  	[tilespmem:s29], [sflag:$0x1] =	stream.indirect.gather [hbm4b:s5+s28], $0x80, s11, s28, $0xb8;
	[tilespmem:$0x1F980] =	vst v63  }
0x9f: {  	_ =	swait.ge [sflag:s26], $0x2000  }
0xa0: {  	[sflag:s26] =	ssyncset.done $0x0  }
0xa1: {  	[sflag:s26] =	ssyncadd.s32 $0xFFFFE000  }
0xa2: {  	[spmem:s3] =	stream.indirect.scatter.add.f32 [tilespmem:s22], [sflag:$0x2], $0x80, s8, s28, $0xb8;
	[tilespmem:$0x1F980] =	vst v63  }
0xa3: {  	_ =	swait.ge [sflag:s9], $0x2000  }
0xa4: {  	s25 =	sshllo.u32 s4, $0x1;
	[sflag:s9] =	ssyncset.done $0x0  }
0xa5: {  	s23 =	simm.s32 $0x0;
	s10 =	sshll.u32 s4, $0x1;
	[sflag:s9] =	ssyncadd.s32 $0xFFFFE000  }
0xa6: {  	[tilespmem:s31], [sflag:$0x1] =	stream.indirect.gather [hbm4b:s5+s28], $0x80, s15, s28, $0xb8;
	[tilespmem:$0x1F980] =	vst v63  }
.LBB2_7:
0xa7: {  	_ =	swait.ge [sflag:s26], $0x2000  }
0xa8: {  	s17 =	sshra.s32 s23, $0x2;
	[sflag:s26] =	ssyncset.done $0x0  }
0xa9: {  	s18 =	sadd.s32 $0x2200, s17;
	[sflag:s26] =	ssyncadd.s32 $0xFFFFE000  }
0xaa: {  	[spmem:s3] =	stream.indirect.scatter.add.f32 [tilespmem:s29], [sflag:$0x2], $0x80, s18, s28, $0xb8;
	[tilespmem:$0x1F980] =	vst v63  }
0xab: {  	_ =	swait.ge [sflag:s9], $0x2000  }
0xac: {  	[sflag:s9] =	ssyncset.done $0x0  }
0xad: {  	s30 =	sadd.s32 $0x300, s17;
	[sflag:s9] =	ssyncadd.s32 $0xFFFFE000  }
0xae: {  	[tilespmem:s13], [sflag:$0x1] =	stream.indirect.gather [hbm4b:s5+s28], $0x80, s30, s28, $0xb8;
	[tilespmem:$0x1F980] =	vst v63  }
0xaf: {  	_ =	swait.ge [sflag:s26], $0x2000  }
0xb0: {  	[sflag:s26] =	ssyncset.done $0x0  }
0xb1: {  	s30 =	sadd.s32 $0x2280, s17;
	[sflag:s26] =	ssyncadd.s32 $0xFFFFE000  }
0xb2: {  	[spmem:s3] =	stream.indirect.scatter.add.f32 [tilespmem:s31], [sflag:$0x2], $0x80, s30, s28, $0xb8;
	[tilespmem:$0x1F980] =	vst v63  }
0xb3: {  	_ =	swait.ge [sflag:s9], $0x2000  }
0xb4: {  	[sflag:s9] =	ssyncset.done $0x0  }
0xb5: {  	s30 =	sadd.s32 $0x380, s17;
	[sflag:s9] =	ssyncadd.s32 $0xFFFFE000  }
0xb6: {  	[tilespmem:s22], [sflag:$0x1] =	stream.indirect.gather [hbm4b:s5+s28], $0x80, s30, s28, $0xb8;
	[tilespmem:$0x1F980] =	vst v63  }
0xb7: {  	_ =	swait.ge [sflag:s26], $0x2000  }
0xb8: {  	p3 =	seq.s32 s23, $0x3000;
	[sflag:s26] =	ssyncset.done $0x0  }
.Ltmp7:
0xb9: {  	s30 =	sadd.s32 $0x2300, s17;
	[sflag:s26] =	ssyncadd.s32 $0xFFFFE000;
	(pc) =	sbr.rel @p3 .LBB2_9-.Ltmp7, $4  }
0xba: {  	[spmem:s3] =	stream.indirect.scatter.add.f32 [tilespmem:s13], [sflag:$0x2], $0x80, s30, s28, $0xb8;
	[tilespmem:$0x1F980] =	vst v63  }
0xbb: {  	_ =	swait.ge [sflag:s9], $0x2000  }
0xbc: {  	[sflag:s9] =	ssyncset.done $0x0  }
0xbd: {  	s18 =	sadd.s32 $0x2380, s17;
	[sflag:s9] =	ssyncadd.s32 $0xFFFFE000  }
0xbe: {  	s30 =	sadd.s32 $0x400, s17  }
0xbf: {  	[tilespmem:s29], [sflag:$0x1] =	stream.indirect.gather [hbm4b:s5+s28], $0x80, s30, s28, $0xb8;
	[tilespmem:$0x1F980] =	vst v63  }
0xc0: {  	_ =	swait.ge [sflag:s26], $0x2000  }
0xc1: {  	[sflag:s26] =	ssyncset.done $0x0  }
0xc2: {  	[sflag:s26] =	ssyncadd.s32 $0xFFFFE000  }
0xc3: {  	[spmem:s3] =	stream.indirect.scatter.add.f32 [tilespmem:s22], [sflag:$0x2], $0x80, s18, s28, $0xb8;
	[tilespmem:$0x1F980] =	vst v63  }
.Ltmp8:
0xc4: {  	_ = 	snop;
	(pc) =	sbr.rel .LBB2_7-.Ltmp8, $4  }
0xc5: {  	_ =	swait.ge [sflag:s9], $0x2000  }
0xc6: {  	[sflag:s9] =	ssyncset.done $0x0  }
0xc7: {  	s23 =	sadd.s32 $0x800, s23;
	s30 =	sadd.s32 $0x480, s17;
	[sflag:s9] =	ssyncadd.s32 $0xFFFFE000  }
0xc8: {  	[tilespmem:s31], [sflag:$0x1] =	stream.indirect.gather [hbm4b:s5+s28], $0x80, s30, s28, $0xb8;
	[tilespmem:$0x1F980] =	vst v63  }
.LBB2_9:
0xc9: {  	_ =	swait.ge [sflag:s26], $0x2000  }
0xca: {  	[sflag:s26] =	ssyncset.done $0x0  }
0xcb: {  	[sflag:s26] =	ssyncadd.s32 $0xFFFFE000  }
0xcc: {  	[spmem:s3] =	stream.indirect.scatter.add.f32 [tilespmem:s22], [sflag:$0x2], $0x80, s18, s28, $0xb8;
	[tilespmem:$0x1F980] =	vst v63  }
0xcd: {  	_ =	swait.ge [sflag:s9], $0x2000  }
0xce: {  	[sflag:s9] =	ssyncset.done $0x0  }
0xcf: {  	[sflag:s9] =	ssyncadd.s32 $0xFFFFE000  }
0xd0: {  	s17 =	sadd.s32 $0x2, s10;
	_ =	swait.ge [sflag:s9], $0x2000  }
0xd1: {  	p3 =	sge.s32 s17, s19;
	[sflag:s9] =	ssyncset.done $0x0  }
0xd2: {  	s17 =	sshll.u32 @!p3 s17, $0xC;
	[sflag:s9] =	ssyncadd.s32 $0xFFFFE000  }
0xd3: {  	s17 =	sadd.s32 @!p3 s12, s17;
	_ =	swait.ge [sflag:s9], $0x2000  }
0xd4: {  	s17 =	sshrl.u32 @!p3 s17, $0x3;
	[sflag:s9] =	ssyncset.done $0x0  }
0xd5: {  	s23 =	simm.s32 @!p3 $0x0;
	s18 =	sadd.s32 @!p3 s6, s17;
	[sflag:s9] =	ssyncadd.s32 $0xFFFFE000  }
0xd6: {  	[tilespmem:s23], [sflag:$0x3] =	stream.linear.gather @!p3 [hbm4b:s18+s23], $0x1000, $0x38;
	[tilespmem:$0x1F980] =	vst v63  }
0xd7: {  	s17 =	sadd.s32 @!p3 s7, s17;
	s18 =	simm.s32 @!p3 $0x2000  }
0xd8: {  	[tilespmem:s18], [sflag:$0x3] =	stream.linear.gather @!p3 [hbm4b:s17+s23], $0x1000, $0x38;
	[tilespmem:$0x1F980] =	vst v63  }
0xd9: {  	p3 =	sge.s32 s25, s19  }
.Ltmp9:
0xda: {  	_ = 	snop;
	(pc) =	sbr.rel @p3 .LBB2_14-.Ltmp9, $1  }
0xdb: {  	_ =	sdelay $0x3  }
0xdc: {  	_ =	swait.ge [sflag:s16], $0x1000  }
0xdd: {  	[sflag:s16] =	ssyncset.done $0x0  }
0xde: {  	[sflag:s16] =	ssyncadd.s32 $0xFFFFF000  }
0xdf: {  	_ =	swait.ge [sflag:s16], $0x1000  }
0xe0: {  	[sflag:s16] =	ssyncset.done $0x0  }
0xe1: {  	s17 =	simm.s32 $0x1000;
	[sflag:s16] =	ssyncadd.s32 $0xFFFFF000  }
0xe2: {  	[tilespmem:s29], [sflag:$0x1] =	stream.indirect.gather [hbm4b:s5+s28], $0x80, s17, s28, $0xb8;
	[tilespmem:$0x1F980] =	vst v63  }
0xe3: {  	s30 =	simm.s32 $0x1080  }
0xe4: {  	[tilespmem:s31], [sflag:$0x1] =	stream.indirect.gather [hbm4b:s5+s28], $0x80, s30, s28, $0xb8;
	[tilespmem:$0x1F980] =	vst v63  }
0xe5: {  	_ =	swait.ge [sflag:s26], $0x2000  }
0xe6: {  	[sflag:s26] =	ssyncset.done $0x0  }
0xe7: {  	s18 =	simm.s32 $0x3000;
	[sflag:s26] =	ssyncadd.s32 $0xFFFFE000  }
0xe8: {  	[spmem:s3] =	stream.indirect.scatter.add.f32 [tilespmem:s29], [sflag:$0x2], $0x80, s18, s28, $0xb8;
	[tilespmem:$0x1F980] =	vst v63  }
0xe9: {  	s23 =	simm.s32 $0x1100  }
0xea: {  	[tilespmem:s13], [sflag:$0x1] =	stream.indirect.gather [hbm4b:s5+s28], $0x80, s23, s28, $0xb8;
	[tilespmem:$0x1F980] =	vst v63  }
0xeb: {  	_ =	swait.ge [sflag:s26], $0x2000  }
0xec: {  	[sflag:s26] =	ssyncset.done $0x0  }
0xed: {  	s25 =	simm.s32 $0x3080;
	[sflag:s26] =	ssyncadd.s32 $0xFFFFE000  }
0xee: {  	[spmem:s3] =	stream.indirect.scatter.add.f32 [tilespmem:s31], [sflag:$0x2], $0x80, s25, s28, $0xb8;
	[tilespmem:$0x1F980] =	vst v63  }
0xef: {  	s30 =	simm.s32 $0x1180  }
0xf0: {  	[tilespmem:s22], [sflag:$0x1] =	stream.indirect.gather [hbm4b:s5+s28], $0x80, s30, s28, $0xb8;
	[tilespmem:$0x1F980] =	vst v63  }
0xf1: {  	_ =	swait.ge [sflag:s26], $0x2000  }
0xf2: {  	[sflag:s26] =	ssyncset.done $0x0  }
0xf3: {  	s18 =	simm.s32 $0x3100;
	[sflag:s26] =	ssyncadd.s32 $0xFFFFE000  }
0xf4: {  	[spmem:s3] =	stream.indirect.scatter.add.f32 [tilespmem:s13], [sflag:$0x2], $0x80, s18, s28, $0xb8;
	[tilespmem:$0x1F980] =	vst v63  }
0xf5: {  	_ =	swait.ge [sflag:s9], $0x2000  }
0xf6: {  	[sflag:s9] =	ssyncset.done $0x0  }
0xf7: {  	s23 =	simm.s32 $0x1200;
	[sflag:s9] =	ssyncadd.s32 $0xFFFFE000  }
0xf8: {  	[tilespmem:s29], [sflag:$0x1] =	stream.indirect.gather [hbm4b:s5+s28], $0x80, s23, s28, $0xb8;
	[tilespmem:$0x1F980] =	vst v63  }
0xf9: {  	_ =	swait.ge [sflag:s26], $0x2000  }
0xfa: {  	[sflag:s26] =	ssyncset.done $0x0  }
0xfb: {  	s25 =	simm.s32 $0x3180;
	[sflag:s26] =	ssyncadd.s32 $0xFFFFE000  }
0xfc: {  	[spmem:s3] =	stream.indirect.scatter.add.f32 [tilespmem:s22], [sflag:$0x2], $0x80, s25, s28, $0xb8;
	[tilespmem:$0x1F980] =	vst v63  }
0xfd: {  	_ =	swait.ge [sflag:s9], $0x2000  }
0xfe: {  	[sflag:s9] =	ssyncset.done $0x0  }
0xff: {  	s30 =	simm.s32 $0x1280;
	s23 =	simm.s32 $0x0;
	[sflag:s9] =	ssyncadd.s32 $0xFFFFE000  }
0x100: {  	[tilespmem:s31], [sflag:$0x1] =	stream.indirect.gather [hbm4b:s5+s28], $0x80, s30, s28, $0xb8;
	[tilespmem:$0x1F980] =	vst v63  }
.LBB2_11:
0x101: {  	_ =	swait.ge [sflag:s26], $0x2000  }
0x102: {  	s17 =	sshra.s32 s23, $0x2;
	[sflag:s26] =	ssyncset.done $0x0  }
0x103: {  	s18 =	sadd.s32 $0x3200, s17;
	[sflag:s26] =	ssyncadd.s32 $0xFFFFE000  }
0x104: {  	[spmem:s3] =	stream.indirect.scatter.add.f32 [tilespmem:s29], [sflag:$0x2], $0x80, s18, s28, $0xb8;
	[tilespmem:$0x1F980] =	vst v63  }
0x105: {  	_ =	swait.ge [sflag:s9], $0x2000  }
0x106: {  	[sflag:s9] =	ssyncset.done $0x0  }
0x107: {  	s25 =	sadd.s32 $0x1300, s17;
	[sflag:s9] =	ssyncadd.s32 $0xFFFFE000  }
0x108: {  	[tilespmem:s13], [sflag:$0x1] =	stream.indirect.gather [hbm4b:s5+s28], $0x80, s25, s28, $0xb8;
	[tilespmem:$0x1F980] =	vst v63  }
0x109: {  	_ =	swait.ge [sflag:s26], $0x2000  }
0x10a: {  	[sflag:s26] =	ssyncset.done $0x0  }
0x10b: {  	s30 =	sadd.s32 $0x3280, s17;
	[sflag:s26] =	ssyncadd.s32 $0xFFFFE000  }
0x10c: {  	[spmem:s3] =	stream.indirect.scatter.add.f32 [tilespmem:s31], [sflag:$0x2], $0x80, s30, s28, $0xb8;
	[tilespmem:$0x1F980] =	vst v63  }
0x10d: {  	_ =	swait.ge [sflag:s9], $0x2000  }
0x10e: {  	[sflag:s9] =	ssyncset.done $0x0  }
0x10f: {  	s25 =	sadd.s32 $0x1380, s17;
	[sflag:s9] =	ssyncadd.s32 $0xFFFFE000  }
0x110: {  	[tilespmem:s22], [sflag:$0x1] =	stream.indirect.gather [hbm4b:s5+s28], $0x80, s25, s28, $0xb8;
	[tilespmem:$0x1F980] =	vst v63  }
0x111: {  	_ =	swait.ge [sflag:s26], $0x2000  }
0x112: {  	p3 =	seq.s32 s23, $0x3000;
	[sflag:s26] =	ssyncset.done $0x0  }
.Ltmp10:
0x113: {  	s30 =	sadd.s32 $0x3300, s17;
	[sflag:s26] =	ssyncadd.s32 $0xFFFFE000;
	(pc) =	sbr.rel @p3 .LBB2_13-.Ltmp10, $4  }
0x114: {  	[spmem:s3] =	stream.indirect.scatter.add.f32 [tilespmem:s13], [sflag:$0x2], $0x80, s30, s28, $0xb8;
	[tilespmem:$0x1F980] =	vst v63  }
0x115: {  	_ =	swait.ge [sflag:s9], $0x2000  }
0x116: {  	[sflag:s9] =	ssyncset.done $0x0  }
0x117: {  	s18 =	sadd.s32 $0x3380, s17;
	[sflag:s9] =	ssyncadd.s32 $0xFFFFE000  }
0x118: {  	s25 =	sadd.s32 $0x1400, s17  }
0x119: {  	[tilespmem:s29], [sflag:$0x1] =	stream.indirect.gather [hbm4b:s5+s28], $0x80, s25, s28, $0xb8;
	[tilespmem:$0x1F980] =	vst v63  }
0x11a: {  	_ =	swait.ge [sflag:s26], $0x2000  }
0x11b: {  	[sflag:s26] =	ssyncset.done $0x0  }
0x11c: {  	[sflag:s26] =	ssyncadd.s32 $0xFFFFE000  }
0x11d: {  	[spmem:s3] =	stream.indirect.scatter.add.f32 [tilespmem:s22], [sflag:$0x2], $0x80, s18, s28, $0xb8;
	[tilespmem:$0x1F980] =	vst v63  }
.Ltmp11:
0x11e: {  	_ = 	snop;
	(pc) =	sbr.rel .LBB2_11-.Ltmp11, $4  }
0x11f: {  	_ =	swait.ge [sflag:s9], $0x2000  }
0x120: {  	[sflag:s9] =	ssyncset.done $0x0  }
0x121: {  	s30 =	sadd.s32 $0x1480, s17;
	s23 =	sadd.s32 $0x800, s23;
	[sflag:s9] =	ssyncadd.s32 $0xFFFFE000  }
0x122: {  	[tilespmem:s31], [sflag:$0x1] =	stream.indirect.gather [hbm4b:s5+s28], $0x80, s30, s28, $0xb8;
	[tilespmem:$0x1F980] =	vst v63  }
.LBB2_3:
0x123: {  	s4 =	sor.u32 $0x1C05, s10;
	s30 =	rddreg [dreg:$0x8]  }
0x124: {  	[spmem:s17], [sflag:s4] =	dma.local [hbm:s30], $0x2700  }
.Ltmp12:
0x125: {  	_ = 	snop;
	(pc) =	sbr.rel @p1 .LBB2_5-.Ltmp12, $4  }
.Ltmp13:
0x126: {  	_ = 	snop;
	(pc) =	sbr.rel @!p1 .LBB2_4-.Ltmp13, $4  }
0x127: {  	_ =	swait.ge [sflag:s20], $0x2700  }
0x128: {  	[sflag:s20] =	ssyncset.done $0x0  }
0x129: {  	s10 =	rddreg [dreg:$0x9];
	[sflag:s20] =	ssyncadd.s32 $0xFFFFD900  }
0x12a: {  	_ = 	snop  }
.LBB2_16:
0x12b: {  	_ =	sfence.sel $0x180000  }
0x12c: {  	[bflag:$0x0] =	sbarrier.arrive $0xFFFF  }
0x12d: {  	_ =	strace $0x90000047  }
0x12e: {  	s0 =	stileid.u32;
	[bflag:$0x2] =	sbarrier.arrive $0xFFFF  }
0x12f: {  	p0 =	sne.s32 s0, $0x0;
	s0 =	rddreg [dreg:$0x3]  }
0x130: {  	s0 =	sadd.s32 @!p0 $0x100000, s0  }
0x131: {  	[sflag:s0] =	ssyncadd.tile.s32 @!p0 $0x1;
	_ =	shalt  }
.Lfunc_end2:
_tile_overlayer_lowered:
.L_overlay_start_2:
0x132: {  	(tag) =	ssettag $0x2  }
0x133: {  	s0 =	rddreg [dreg:$0x0];
	s2 =	stileid.u32  }
0x134: {  	s1 =	rddreg [dreg:$0x1];
	p0 =	sne.s32 s2, $0x0  }
0x135: {  	s3 =	rddreg [dreg:$0x2];
	[bflag:$0x3] =	sbarrier.arrive $0xFFFF;
	s2 =	simm.s32 @!p0 $0x1C05  }
0x136: {  	[timem:s3], [sflag:s2] =	dma.local @!p0 [hbm:s0], s1  }
0x137: {  	s0 =	simm.s32 @!p0 $0x5  }
0x138: {  	_ =	swait.ge @!p0 [sflag:s0], s1  }
0x139: {  	s1 =	ssub.s32 @!p0 $0x0, s1;
	[sflag:s0] =	ssyncset.done @!p0 $0x0  }
0x13a: {  	[sflag:s0] =	ssyncadd.s32 @!p0 s1  }
0x13b: {  	[bflag:$0x3] =	sbarrier.arrive $0xFFFF  }
0x13c: {  	_ =	shalt  }

</sc_bundles>
